<compile_context>
chip_gen: v7x
topology: tpu7x:2x2x1
jax: 0.10.2.dev20260603
libtpu: 0.0.44.dev20260713+nightly
codegen_flags: <defaults>
</compile_context>

<pallas_src>
import functools
import jax
import jax.numpy as jnp
from jax import lax
from jax.experimental import pallas as pl
from jax.experimental.pallas import tpu as pltpu
from jax.experimental.pallas import tpu_sc as plsc

N = 10000
E = 320000
D = 128
B = 2

NTILES = 16
EP = E // NTILES
K = 40
NCH = EP // K
SB = 10
NSB = NCH // SB
R = 5
DP = 4
SL = 7
ROWS_PER_TILE = 640
NP = NTILES * ROWS_PER_TILE
DIVBLK = ROWS_PER_TILE // K


def _sc_body(xf, sde, z128, z16, ones_h,
             agg_out,
             agg_sh, deg_sh,
             i0, i1, i2, i3, i4, i5, i6, i7, i8, i9,
             d0, d1, d2, d3, d4, d5, d6, d7, d8, d9,
             rows0, rows1, rows2, rows3, rows4, ones_v,
             g0, g1, g2s, g3, g4, s0, s1, s2, s3, s4, isem, dsem):
    c = lax.axis_index("c")
    s = lax.axis_index("s")
    rbase = s * ROWS_PER_TILE
    tb = s * EP
    rows = (rows0, rows1, rows2, rows3, rows4)
    gsem = (g0, g1, g2s, g3, g4)
    ssem = (s0, s1, s2, s3, s4)
    siv = (i0, i1, i2, i3, i4, i5, i6, i7, i8, i9)
    div = (d0, d1, d2, d3, d4, d5, d6, d7, d8, d9)

    pltpu.sync_copy(z128.at[pl.ds(rbase, ROWS_PER_TILE)],
                    agg_sh.at[pl.ds(rbase, ROWS_PER_TILE)])
    pltpu.sync_copy(z16.at[pl.ds(rbase, ROWS_PER_TILE)],
                    deg_sh.at[pl.ds(rbase, ROWS_PER_TILE)])
    pltpu.sync_copy(ones_h, ones_v)
    plsc.subcore_barrier()

    def stage(m, pair):
        off = tb + jnp.minimum(m, NCH - 1) * K
        pltpu.async_copy(sde.at[c, pl.ds(off, K)], siv[pair], isem)
        pltpu.async_copy(sde.at[2, pl.ds(off, K)], div[pair], isem)

    def stage_wait():
        pltpu.make_async_copy(sde.at[0, pl.ds(0, K)], siv[0], isem).wait()
        pltpu.make_async_copy(sde.at[0, pl.ds(0, K)], div[0], isem).wait()

    def gather(pair, b):
        pltpu.async_copy(xf.at[siv[pair]], rows[b], gsem[b])

    def gwait(b):
        pltpu.make_async_copy(xf.at[pl.ds(0, K)], rows[b], gsem[b]).wait()

    def swait(b):
        pltpu.make_async_copy(xf.at[pl.ds(0, K)], rows[b], ssem[b]).wait()

    def dwait():
        pltpu.make_async_copy(ones_h, ones_v, dsem).wait()

    for m in range(SL):
        stage(m, m)
    for j in range(DP):
        stage_wait()
        gather(j, j)

    def sblock(g2, carry):
        for j in range(SB):
            b = j % R
            bn = (j + DP) % R
            gwait(b)
            if j < R - DP:
                @pl.when(g2 > 0)
                def _():
                    swait(bn)
                    dwait()
            else:
                swait(bn)
                dwait()
            stage_wait()
            gather((j + DP) % SB, bn)
            stage(g2 * SB + j + SL, (j + SL) % SB)
            pltpu.async_copy(rows[b], agg_sh.at[div[j]], ssem[b], add=True)
            pltpu.async_copy(ones_v, deg_sh.at[div[j]], dsem, add=True)
        return carry

    lax.fori_loop(0, NSB, sblock, 0)
    for j in range(DP):
        gwait(j % R)
    for j in range(R - DP):
        swait((SB - (R - DP) + j) % R)
        dwait()
    for _ in range(SL - DP):
        stage_wait()
    plsc.subcore_barrier()

    def divide_out(nblk):
        def blk(i, carry):
            rb = rbase + i * K
            pltpu.sync_copy(agg_sh.at[pl.ds(rb, K)], rows0)
            pltpu.sync_copy(deg_sh.at[pl.ds(rb, K)], ones_v)

            def row(r, carry2):
                rv = 1.0 / jnp.maximum(ones_v[r], 1.0)
                for k in range(D // 16):
                    sl = pl.ds(k * 16, 16)
                    rows0[r, sl] = rows0[r, sl] * rv
                return carry2

            lax.fori_loop(0, K, row, 0)
            pltpu.sync_copy(rows0, agg_out.at[pl.ds(c * N + rb, K)])
            return carry

        lax.fori_loop(0, nblk, blk, 0)

    @pl.when(s < NTILES - 1)
    def _():
        divide_out(DIVBLK)

    @pl.when(s == NTILES - 1)
    def _():
        divide_out((N - (NTILES - 1) * ROWS_PER_TILE) // K)


_sc_agg = functools.partial(
    pl.kernel,
    out_type=jax.ShapeDtypeStruct((B * N, D), jnp.float32),
    mesh=plsc.VectorSubcoreMesh(core_axis_name="c", subcore_axis_name="s"),
    scratch_types=(
        [pltpu.VMEM_SHARED((NP, D), jnp.float32),
         pltpu.VMEM_SHARED((NP, 16), jnp.float32)]
        + [pltpu.VMEM((K,), jnp.int32) for _ in range(2 * SB)]
        + [pltpu.VMEM((K, D), jnp.float32) for _ in range(R)]
        + [pltpu.VMEM((K, 16), jnp.float32)]
        + [pltpu.SemaphoreType.DMA for _ in range(2 * R + 2)]
    ),
    compiler_params=pltpu.CompilerParams(use_tc_tiling_on_sc=False),
)(_sc_body)


def _tc_body(agg_ref, x_ref, wl_ref, bl_ref, wr_ref, out_ref):
    out_ref[...] = (
        jnp.dot(agg_ref[...], wl_ref[...], preferred_element_type=jnp.float32)
        + bl_ref[...]
        + jnp.dot(x_ref[...], wr_ref[...], preferred_element_type=jnp.float32)
    )


RB = 1000


def _tc_epilogue(agg, xf, wlT, bl, wrT):
    nb = (B * N) // RB
    return pl.pallas_call(
        _tc_body,
        grid=(nb,),
        in_specs=[
            pl.BlockSpec((RB, D), lambda i: (i, 0)),
            pl.BlockSpec((RB, D), lambda i: (i, 0)),
            pl.BlockSpec((D, D), lambda i: (0, 0)),
            pl.BlockSpec((1, D), lambda i: (0, 0)),
            pl.BlockSpec((D, D), lambda i: (0, 0)),
        ],
        out_specs=pl.BlockSpec((RB, D), lambda i: (i, 0)),
        out_shape=jax.ShapeDtypeStruct((B * N, D), jnp.float32),
    )(agg, xf, wlT, bl, wrT)


@jax.jit
def kernel(x, edge_index, W_l, b_l, W_r):
    src = edge_index[0]
    dst = edge_index[1]
    sde = jnp.stack([src, src + N, dst])
    xf = x.reshape(B * N, D)
    z128 = jnp.zeros((NP, D), jnp.float32)
    z16 = jnp.zeros((NP, 16), jnp.float32)
    ones_h = jnp.ones((K, 16), jnp.float32)
    agg = _sc_agg(xf, sde, z128, z16, ones_h)
    out = _tc_epilogue(agg, xf, W_l.T, b_l.reshape(1, D), W_r.T)
    return out.reshape(B, N, D)

# --- scband reference (transcript-rebuilt; emitter-appended) ---
"""Pipeline reference for scband-gnnlayer-19739669692578 (READ-ONLY COPY).

The authoritative reference and input builder live on the scoring server;
editing this copy changes nothing except your own understanding.
"""

import jax, jax.numpy as jnp
import numpy as np

N = 10000
E = 320000
D_IN = 128
D_OUT = 128
B = 2


def setup_inputs(seed: int = 0) -> dict:
    key = jax.random.key(seed)
    k1, k2, k3, k4, k5 = jax.random.split(key, 5)
    x = jax.random.normal(k1, (B, N, D_IN), dtype=jnp.float32)
    # edge_index derived from the random binary adjacency matrix (adj_mat2list)
    edge_index = jax.random.randint(k2, (2, E), 0, N, dtype=jnp.int32)
    # SAGEConv (mean aggregation) parameters: lin_l (applied to aggregated
    # neighbor features, with bias) and lin_r (applied to root features, no bias)
    scale = 1.0 / np.sqrt(D_IN)
    W_l = jax.random.uniform(k3, (D_OUT, D_IN), dtype=jnp.float32, minval=-scale, maxval=scale)
    b_l = jax.random.uniform(k4, (D_OUT,), dtype=jnp.float32, minval=-scale, maxval=scale)
    W_r = jax.random.uniform(k5, (D_OUT, D_IN), dtype=jnp.float32, minval=-scale, maxval=scale)
    return {"x": x, "edge_index": edge_index, "W_l": W_l, "b_l": b_l, "W_r": W_r}


def reference(x, edge_index, W_l, b_l, W_r):
    # GNNLayer.forward: loop SAGEConv over the batch dim, stack results.
    src = edge_index[0]
    dst = edge_index[1]
    ones = jnp.ones((edge_index.shape[1],), dtype=x.dtype)
    deg = jax.ops.segment_sum(ones, dst, num_segments=N)
    deg = jnp.maximum(deg, 1.0)

    def sage_conv(xs):
        # mean aggregation over incoming edges (source -> target)
        msg = jnp.take(xs, src, axis=0)
        agg = jax.ops.segment_sum(msg, dst, num_segments=N) / deg[:, None]
        return agg @ W_l.T + b_l + xs @ W_r.T

    return jax.vmap(sage_conv)(x)

if __name__ == "__main__":
    import jax
    _d = setup_inputs()
    print(jax.jit(kernel)(*tuple(_d.values())))

</pallas_src>

<mosaic_0001>
#map = affine_map<(d0, d1) -> (0, 0)>
module attributes {stable_mosaic.version = 14 : i64} {
  func.func @_sc_body(%arg0: i32, %arg1: i32, %arg2: memref<20000x128xf32, #tpu.memory_space<hbm>>, %arg3: memref<3x320000xi32, #tpu.memory_space<hbm>>, %arg4: memref<10240x128xf32, #tpu.memory_space<hbm>>, %arg5: memref<10240x16xf32, #tpu.memory_space<hbm>>, %arg6: memref<40x16xf32, #tpu.memory_space<hbm>>, %arg7: memref<20000x128xf32, #tpu.memory_space<hbm>>, %arg8: memref<10240x128xf32, #tpu.memory_space<vmem_shared>>, %arg9: memref<10240x16xf32, #tpu.memory_space<vmem_shared>>, %arg10: memref<40xi32, #tpu.memory_space<vmem>>, %arg11: memref<40xi32, #tpu.memory_space<vmem>>, %arg12: memref<40xi32, #tpu.memory_space<vmem>>, %arg13: memref<40xi32, #tpu.memory_space<vmem>>, %arg14: memref<40xi32, #tpu.memory_space<vmem>>, %arg15: memref<40xi32, #tpu.memory_space<vmem>>, %arg16: memref<40xi32, #tpu.memory_space<vmem>>, %arg17: memref<40xi32, #tpu.memory_space<vmem>>, %arg18: memref<40xi32, #tpu.memory_space<vmem>>, %arg19: memref<40xi32, #tpu.memory_space<vmem>>, %arg20: memref<40xi32, #tpu.memory_space<vmem>>, %arg21: memref<40xi32, #tpu.memory_space<vmem>>, %arg22: memref<40xi32, #tpu.memory_space<vmem>>, %arg23: memref<40xi32, #tpu.memory_space<vmem>>, %arg24: memref<40xi32, #tpu.memory_space<vmem>>, %arg25: memref<40xi32, #tpu.memory_space<vmem>>, %arg26: memref<40xi32, #tpu.memory_space<vmem>>, %arg27: memref<40xi32, #tpu.memory_space<vmem>>, %arg28: memref<40xi32, #tpu.memory_space<vmem>>, %arg29: memref<40xi32, #tpu.memory_space<vmem>>, %arg30: memref<40x128xf32, #tpu.memory_space<vmem>>, %arg31: memref<40x128xf32, #tpu.memory_space<vmem>>, %arg32: memref<40x128xf32, #tpu.memory_space<vmem>>, %arg33: memref<40x128xf32, #tpu.memory_space<vmem>>, %arg34: memref<40x128xf32, #tpu.memory_space<vmem>>, %arg35: memref<40x16xf32, #tpu.memory_space<vmem>>, %arg36: memref<!tpu.dma_semaphore, #tpu.memory_space<semaphore_mem>>, %arg37: memref<!tpu.dma_semaphore, #tpu.memory_space<semaphore_mem>>, %arg38: memref<!tpu.dma_semaphore, #tpu.memory_space<semaphore_mem>>, %arg39: memref<!tpu.dma_semaphore, #tpu.memory_space<semaphore_mem>>, %arg40: memref<!tpu.dma_semaphore, #tpu.memory_space<semaphore_mem>>, %arg41: memref<!tpu.dma_semaphore, #tpu.memory_space<semaphore_mem>>, %arg42: memref<!tpu.dma_semaphore, #tpu.memory_space<semaphore_mem>>, %arg43: memref<!tpu.dma_semaphore, #tpu.memory_space<semaphore_mem>>, %arg44: memref<!tpu.dma_semaphore, #tpu.memory_space<semaphore_mem>>, %arg45: memref<!tpu.dma_semaphore, #tpu.memory_space<semaphore_mem>>, %arg46: memref<!tpu.dma_semaphore, #tpu.memory_space<semaphore_mem>>, %arg47: memref<!tpu.dma_semaphore, #tpu.memory_space<semaphore_mem>>) attributes {dimension_semantics = [#tpu.dimension_semantics<core_parallel>, #tpu.dimension_semantics<subcore_parallel>], iteration_bounds = array<i64: 2, 16>, scalar_prefetch = 0 : i64, scratch_operands = 40 : i64, tpu.core_type = #tpu.core_type<sc_vector_subcore>, window_params = [{transform_indices = #map}, {transform_indices = #map}, {transform_indices = #map}, {transform_indices = #map}, {transform_indices = #map}, {transform_indices = #map}]} {
    %mul3A = arith.constant 640 : i32
    %mul3A_0 = arith.muli %arg1, %mul3A : i32
    %mul3A_1 = arith.constant 20000 : i32
    %mul3A_2 = arith.muli %arg1, %mul3A_1 : i32
    "tpu.region"() ({
      %run_scoped3A = tpu.sem_alloc : memref<!tpu.dma_semaphore, #tpu.memory_space<semaphore_mem>>
      %dma_start3A_256 = arith.constant 0 : i32
      %dma_start3A_257 = tpu.memref_slice %arg8[%mul3A_0, %dma_start3A_256] : memref<10240x128xf32, #tpu.memory_space<vmem_shared>> -> memref<640x128xf32, #tpu.memory_space<vmem_shared>>
      %dma_start3A_258 = arith.constant 0 : i32
      %dma_start3A_259 = tpu.memref_slice %arg4[%mul3A_0, %dma_start3A_258] : memref<10240x128xf32, #tpu.memory_space<hbm>> -> memref<640x128xf32, #tpu.memory_space<hbm>>
      tpu.enqueue_dma source(%dma_start3A_259 : memref<640x128xf32, #tpu.memory_space<hbm>>) target(%dma_start3A_257 : memref<640x128xf32, #tpu.memory_space<vmem_shared>>) target_semaphore(%run_scoped3A : memref<!tpu.dma_semaphore, #tpu.memory_space<semaphore_mem>>)
      %dma_wait3A_260 = arith.constant 0 : i32
      %dma_wait3A_261 = tpu.memref_slice %arg8[%mul3A_0, %dma_wait3A_260] : memref<10240x128xf32, #tpu.memory_space<vmem_shared>> -> memref<640x128xf32, #tpu.memory_space<vmem_shared>>
      %dma_wait3A_262 = arith.constant 0 : i32
      %dma_wait3A_263 = tpu.memref_slice %arg4[%mul3A_0, %dma_wait3A_262] : memref<10240x128xf32, #tpu.memory_space<hbm>> -> memref<640x128xf32, #tpu.memory_space<hbm>>
      tpu.wait_dma2 semaphore(%run_scoped3A : memref<!tpu.dma_semaphore, #tpu.memory_space<semaphore_mem>>) src(%dma_wait3A_263 : memref<640x128xf32, #tpu.memory_space<hbm>>) dst(%dma_wait3A_261 : memref<640x128xf32, #tpu.memory_space<vmem_shared>>)
      tpu.yield
    }) : () -> ()
    "tpu.region"() ({
      %run_scoped3A = tpu.sem_alloc : memref<!tpu.dma_semaphore, #tpu.memory_space<semaphore_mem>>
      %dma_start3A_256 = arith.constant 0 : i32
      %dma_start3A_257 = tpu.memref_slice %arg9[%mul3A_0, %dma_start3A_256] : memref<10240x16xf32, #tpu.memory_space<vmem_shared>> -> memref<640x16xf32, #tpu.memory_space<vmem_shared>>
      %dma_start3A_258 = arith.constant 0 : i32
      %dma_start3A_259 = tpu.memref_slice %arg5[%mul3A_0, %dma_start3A_258] : memref<10240x16xf32, #tpu.memory_space<hbm>> -> memref<640x16xf32, #tpu.memory_space<hbm>>
      tpu.enqueue_dma source(%dma_start3A_259 : memref<640x16xf32, #tpu.memory_space<hbm>>) target(%dma_start3A_257 : memref<640x16xf32, #tpu.memory_space<vmem_shared>>) target_semaphore(%run_scoped3A : memref<!tpu.dma_semaphore, #tpu.memory_space<semaphore_mem>>)
      %dma_wait3A_260 = arith.constant 0 : i32
      %dma_wait3A_261 = tpu.memref_slice %arg9[%mul3A_0, %dma_wait3A_260] : memref<10240x16xf32, #tpu.memory_space<vmem_shared>> -> memref<640x16xf32, #tpu.memory_space<vmem_shared>>
      %dma_wait3A_262 = arith.constant 0 : i32
      %dma_wait3A_263 = tpu.memref_slice %arg5[%mul3A_0, %dma_wait3A_262] : memref<10240x16xf32, #tpu.memory_space<hbm>> -> memref<640x16xf32, #tpu.memory_space<hbm>>
      tpu.wait_dma2 semaphore(%run_scoped3A : memref<!tpu.dma_semaphore, #tpu.memory_space<semaphore_mem>>) src(%dma_wait3A_263 : memref<640x16xf32, #tpu.memory_space<hbm>>) dst(%dma_wait3A_261 : memref<640x16xf32, #tpu.memory_space<vmem_shared>>)
      tpu.yield
    }) : () -> ()
    "tpu.region"() ({
      %run_scoped3A = tpu.sem_alloc : memref<!tpu.dma_semaphore, #tpu.memory_space<semaphore_mem>>
      tpu.enqueue_dma source(%arg6 : memref<40x16xf32, #tpu.memory_space<hbm>>) target(%arg35 : memref<40x16xf32, #tpu.memory_space<vmem>>) target_semaphore(%run_scoped3A : memref<!tpu.dma_semaphore, #tpu.memory_space<semaphore_mem>>)
      tpu.wait_dma2 semaphore(%run_scoped3A : memref<!tpu.dma_semaphore, #tpu.memory_space<semaphore_mem>>) src(%arg6 : memref<40x16xf32, #tpu.memory_space<hbm>>) dst(%arg35 : memref<40x16xf32, #tpu.memory_space<vmem>>)
      tpu.yield
    }) : () -> ()
    %barrier3A = arith.constant 0 : index
    tpu.barrier barrier_id(%barrier3A)
    %min3A = arith.constant 0 : i32
    %min3A_3 = arith.constant 499 : i32
    %min3A_4 = arith.minsi %min3A, %min3A_3 : i32
    %mul3A_5 = arith.constant 40 : i32
    %mul3A_6 = arith.muli %min3A_4, %mul3A_5 : i32
    %add3A = arith.addi %mul3A_2, %mul3A_6 : i32
    %dma_start3A = tpu.memref_slice %arg3[%arg0, %add3A] : memref<3x320000xi32, #tpu.memory_space<hbm>> -> memref<1x40xi32, #tpu.memory_space<hbm>>
    %dma_start3A_7 = tpu.memref_squeeze %dma_start3A : memref<1x40xi32, #tpu.memory_space<hbm>> -> memref<40xi32, #tpu.memory_space<hbm>>
    %dma_start3A_8 = tpu.memref_slice %arg3[%arg0, %add3A] : memref<3x320000xi32, #tpu.memory_space<hbm>> -> memref<1x40xi32, #tpu.memory_space<hbm>>
    %dma_start3A_9 = tpu.memref_squeeze %dma_start3A_8 : memref<1x40xi32, #tpu.memory_space<hbm>> -> memref<40xi32, #tpu.memory_space<hbm>>
    tpu.enqueue_dma source(%dma_start3A_9 : memref<40xi32, #tpu.memory_space<hbm>>) target(%arg10 : memref<40xi32, #tpu.memory_space<vmem>>) target_semaphore(%arg46 : memref<!tpu.dma_semaphore, #tpu.memory_space<semaphore_mem>>)
    %dma_start3A_10 = arith.constant 2 : i32
    %dma_start3A_11 = tpu.memref_slice %arg3[%dma_start3A_10, %add3A] : memref<3x320000xi32, #tpu.memory_space<hbm>> -> memref<1x40xi32, #tpu.memory_space<hbm>>
    %dma_start3A_12 = tpu.memref_squeeze %dma_start3A_11 : memref<1x40xi32, #tpu.memory_space<hbm>> -> memref<40xi32, #tpu.memory_space<hbm>>
    %dma_start3A_13 = tpu.memref_slice %arg3[%dma_start3A_10, %add3A] : memref<3x320000xi32, #tpu.memory_space<hbm>> -> memref<1x40xi32, #tpu.memory_space<hbm>>
    %dma_start3A_14 = tpu.memref_squeeze %dma_start3A_13 : memref<1x40xi32, #tpu.memory_space<hbm>> -> memref<40xi32, #tpu.memory_space<hbm>>
    tpu.enqueue_dma source(%dma_start3A_14 : memref<40xi32, #tpu.memory_space<hbm>>) target(%arg20 : memref<40xi32, #tpu.memory_space<vmem>>) target_semaphore(%arg46 : memref<!tpu.dma_semaphore, #tpu.memory_space<semaphore_mem>>)
    %min3A_15 = arith.constant 1 : i32
    %min3A_16 = arith.constant 499 : i32
    %min3A_17 = arith.minsi %min3A_15, %min3A_16 : i32
    %mul3A_18 = arith.constant 40 : i32
    %mul3A_19 = arith.muli %min3A_17, %mul3A_18 : i32
    %add3A_20 = arith.addi %mul3A_2, %mul3A_19 : i32
    %dma_start3A_21 = tpu.memref_slice %arg3[%arg0, %add3A_20] : memref<3x320000xi32, #tpu.memory_space<hbm>> -> memref<1x40xi32, #tpu.memory_space<hbm>>
    %dma_start3A_22 = tpu.memref_squeeze %dma_start3A_21 : memref<1x40xi32, #tpu.memory_space<hbm>> -> memref<40xi32, #tpu.memory_space<hbm>>
    %dma_start3A_23 = tpu.memref_slice %arg3[%arg0, %add3A_20] : memref<3x320000xi32, #tpu.memory_space<hbm>> -> memref<1x40xi32, #tpu.memory_space<hbm>>
    %dma_start3A_24 = tpu.memref_squeeze %dma_start3A_23 : memref<1x40xi32, #tpu.memory_space<hbm>> -> memref<40xi32, #tpu.memory_space<hbm>>
    tpu.enqueue_dma source(%dma_start3A_24 : memref<40xi32, #tpu.memory_space<hbm>>) target(%arg11 : memref<40xi32, #tpu.memory_space<vmem>>) target_semaphore(%arg46 : memref<!tpu.dma_semaphore, #tpu.memory_space<semaphore_mem>>)
    %dma_start3A_25 = arith.constant 2 : i32
    %dma_start3A_26 = tpu.memref_slice %arg3[%dma_start3A_25, %add3A_20] : memref<3x320000xi32, #tpu.memory_space<hbm>> -> memref<1x40xi32, #tpu.memory_space<hbm>>
    %dma_start3A_27 = tpu.memref_squeeze %dma_start3A_26 : memref<1x40xi32, #tpu.memory_space<hbm>> -> memref<40xi32, #tpu.memory_space<hbm>>
    %dma_start3A_28 = tpu.memref_slice %arg3[%dma_start3A_25, %add3A_20] : memref<3x320000xi32, #tpu.memory_space<hbm>> -> memref<1x40xi32, #tpu.memory_space<hbm>>
    %dma_start3A_29 = tpu.memref_squeeze %dma_start3A_28 : memref<1x40xi32, #tpu.memory_space<hbm>> -> memref<40xi32, #tpu.memory_space<hbm>>
    tpu.enqueue_dma source(%dma_start3A_29 : memref<40xi32, #tpu.memory_space<hbm>>) target(%arg21 : memref<40xi32, #tpu.memory_space<vmem>>) target_semaphore(%arg46 : memref<!tpu.dma_semaphore, #tpu.memory_space<semaphore_mem>>)
    %min3A_30 = arith.constant 2 : i32
    %min3A_31 = arith.constant 499 : i32
    %min3A_32 = arith.minsi %min3A_30, %min3A_31 : i32
    %mul3A_33 = arith.constant 40 : i32
    %mul3A_34 = arith.muli %min3A_32, %mul3A_33 : i32
    %add3A_35 = arith.addi %mul3A_2, %mul3A_34 : i32
    %dma_start3A_36 = tpu.memref_slice %arg3[%arg0, %add3A_35] : memref<3x320000xi32, #tpu.memory_space<hbm>> -> memref<1x40xi32, #tpu.memory_space<hbm>>
    %dma_start3A_37 = tpu.memref_squeeze %dma_start3A_36 : memref<1x40xi32, #tpu.memory_space<hbm>> -> memref<40xi32, #tpu.memory_space<hbm>>
    %dma_start3A_38 = tpu.memref_slice %arg3[%arg0, %add3A_35] : memref<3x320000xi32, #tpu.memory_space<hbm>> -> memref<1x40xi32, #tpu.memory_space<hbm>>
    %dma_start3A_39 = tpu.memref_squeeze %dma_start3A_38 : memref<1x40xi32, #tpu.memory_space<hbm>> -> memref<40xi32, #tpu.memory_space<hbm>>
    tpu.enqueue_dma source(%dma_start3A_39 : memref<40xi32, #tpu.memory_space<hbm>>) target(%arg12 : memref<40xi32, #tpu.memory_space<vmem>>) target_semaphore(%arg46 : memref<!tpu.dma_semaphore, #tpu.memory_space<semaphore_mem>>)
    %dma_start3A_40 = arith.constant 2 : i32
    %dma_start3A_41 = tpu.memref_slice %arg3[%dma_start3A_40, %add3A_35] : memref<3x320000xi32, #tpu.memory_space<hbm>> -> memref<1x40xi32, #tpu.memory_space<hbm>>
    %dma_start3A_42 = tpu.memref_squeeze %dma_start3A_41 : memref<1x40xi32, #tpu.memory_space<hbm>> -> memref<40xi32, #tpu.memory_space<hbm>>
    %dma_start3A_43 = tpu.memref_slice %arg3[%dma_start3A_40, %add3A_35] : memref<3x320000xi32, #tpu.memory_space<hbm>> -> memref<1x40xi32, #tpu.memory_space<hbm>>
    %dma_start3A_44 = tpu.memref_squeeze %dma_start3A_43 : memref<1x40xi32, #tpu.memory_space<hbm>> -> memref<40xi32, #tpu.memory_space<hbm>>
    tpu.enqueue_dma source(%dma_start3A_44 : memref<40xi32, #tpu.memory_space<hbm>>) target(%arg22 : memref<40xi32, #tpu.memory_space<vmem>>) target_semaphore(%arg46 : memref<!tpu.dma_semaphore, #tpu.memory_space<semaphore_mem>>)
    %min3A_45 = arith.constant 3 : i32
    %min3A_46 = arith.constant 499 : i32
    %min3A_47 = arith.minsi %min3A_45, %min3A_46 : i32
    %mul3A_48 = arith.constant 40 : i32
    %mul3A_49 = arith.muli %min3A_47, %mul3A_48 : i32
    %add3A_50 = arith.addi %mul3A_2, %mul3A_49 : i32
    %dma_start3A_51 = tpu.memref_slice %arg3[%arg0, %add3A_50] : memref<3x320000xi32, #tpu.memory_space<hbm>> -> memref<1x40xi32, #tpu.memory_space<hbm>>
    %dma_start3A_52 = tpu.memref_squeeze %dma_start3A_51 : memref<1x40xi32, #tpu.memory_space<hbm>> -> memref<40xi32, #tpu.memory_space<hbm>>
    %dma_start3A_53 = tpu.memref_slice %arg3[%arg0, %add3A_50] : memref<3x320000xi32, #tpu.memory_space<hbm>> -> memref<1x40xi32, #tpu.memory_space<hbm>>
    %dma_start3A_54 = tpu.memref_squeeze %dma_start3A_53 : memref<1x40xi32, #tpu.memory_space<hbm>> -> memref<40xi32, #tpu.memory_space<hbm>>
    tpu.enqueue_dma source(%dma_start3A_54 : memref<40xi32, #tpu.memory_space<hbm>>) target(%arg13 : memref<40xi32, #tpu.memory_space<vmem>>) target_semaphore(%arg46 : memref<!tpu.dma_semaphore, #tpu.memory_space<semaphore_mem>>)
    %dma_start3A_55 = arith.constant 2 : i32
    %dma_start3A_56 = tpu.memref_slice %arg3[%dma_start3A_55, %add3A_50] : memref<3x320000xi32, #tpu.memory_space<hbm>> -> memref<1x40xi32, #tpu.memory_space<hbm>>
    %dma_start3A_57 = tpu.memref_squeeze %dma_start3A_56 : memref<1x40xi32, #tpu.memory_space<hbm>> -> memref<40xi32, #tpu.memory_space<hbm>>
    %dma_start3A_58 = tpu.memref_slice %arg3[%dma_start3A_55, %add3A_50] : memref<3x320000xi32, #tpu.memory_space<hbm>> -> memref<1x40xi32, #tpu.memory_space<hbm>>
    %dma_start3A_59 = tpu.memref_squeeze %dma_start3A_58 : memref<1x40xi32, #tpu.memory_space<hbm>> -> memref<40xi32, #tpu.memory_space<hbm>>
    tpu.enqueue_dma source(%dma_start3A_59 : memref<40xi32, #tpu.memory_space<hbm>>) target(%arg23 : memref<40xi32, #tpu.memory_space<vmem>>) target_semaphore(%arg46 : memref<!tpu.dma_semaphore, #tpu.memory_space<semaphore_mem>>)
    %min3A_60 = arith.constant 4 : i32
    %min3A_61 = arith.constant 499 : i32
    %min3A_62 = arith.minsi %min3A_60, %min3A_61 : i32
    %mul3A_63 = arith.constant 40 : i32
    %mul3A_64 = arith.muli %min3A_62, %mul3A_63 : i32
    %add3A_65 = arith.addi %mul3A_2, %mul3A_64 : i32
    %dma_start3A_66 = tpu.memref_slice %arg3[%arg0, %add3A_65] : memref<3x320000xi32, #tpu.memory_space<hbm>> -> memref<1x40xi32, #tpu.memory_space<hbm>>
    %dma_start3A_67 = tpu.memref_squeeze %dma_start3A_66 : memref<1x40xi32, #tpu.memory_space<hbm>> -> memref<40xi32, #tpu.memory_space<hbm>>
    %dma_start3A_68 = tpu.memref_slice %arg3[%arg0, %add3A_65] : memref<3x320000xi32, #tpu.memory_space<hbm>> -> memref<1x40xi32, #tpu.memory_space<hbm>>
    %dma_start3A_69 = tpu.memref_squeeze %dma_start3A_68 : memref<1x40xi32, #tpu.memory_space<hbm>> -> memref<40xi32, #tpu.memory_space<hbm>>
    tpu.enqueue_dma source(%dma_start3A_69 : memref<40xi32, #tpu.memory_space<hbm>>) target(%arg14 : memref<40xi32, #tpu.memory_space<vmem>>) target_semaphore(%arg46 : memref<!tpu.dma_semaphore, #tpu.memory_space<semaphore_mem>>)
    %dma_start3A_70 = arith.constant 2 : i32
    %dma_start3A_71 = tpu.memref_slice %arg3[%dma_start3A_70, %add3A_65] : memref<3x320000xi32, #tpu.memory_space<hbm>> -> memref<1x40xi32, #tpu.memory_space<hbm>>
    %dma_start3A_72 = tpu.memref_squeeze %dma_start3A_71 : memref<1x40xi32, #tpu.memory_space<hbm>> -> memref<40xi32, #tpu.memory_space<hbm>>
    %dma_start3A_73 = tpu.memref_slice %arg3[%dma_start3A_70, %add3A_65] : memref<3x320000xi32, #tpu.memory_space<hbm>> -> memref<1x40xi32, #tpu.memory_space<hbm>>
    %dma_start3A_74 = tpu.memref_squeeze %dma_start3A_73 : memref<1x40xi32, #tpu.memory_space<hbm>> -> memref<40xi32, #tpu.memory_space<hbm>>
    tpu.enqueue_dma source(%dma_start3A_74 : memref<40xi32, #tpu.memory_space<hbm>>) target(%arg24 : memref<40xi32, #tpu.memory_space<vmem>>) target_semaphore(%arg46 : memref<!tpu.dma_semaphore, #tpu.memory_space<semaphore_mem>>)
    %min3A_75 = arith.constant 5 : i32
    %min3A_76 = arith.constant 499 : i32
    %min3A_77 = arith.minsi %min3A_75, %min3A_76 : i32
    %mul3A_78 = arith.constant 40 : i32
    %mul3A_79 = arith.muli %min3A_77, %mul3A_78 : i32
    %add3A_80 = arith.addi %mul3A_2, %mul3A_79 : i32
    %dma_start3A_81 = tpu.memref_slice %arg3[%arg0, %add3A_80] : memref<3x320000xi32, #tpu.memory_space<hbm>> -> memref<1x40xi32, #tpu.memory_space<hbm>>
    %dma_start3A_82 = tpu.memref_squeeze %dma_start3A_81 : memref<1x40xi32, #tpu.memory_space<hbm>> -> memref<40xi32, #tpu.memory_space<hbm>>
    %dma_start3A_83 = tpu.memref_slice %arg3[%arg0, %add3A_80] : memref<3x320000xi32, #tpu.memory_space<hbm>> -> memref<1x40xi32, #tpu.memory_space<hbm>>
    %dma_start3A_84 = tpu.memref_squeeze %dma_start3A_83 : memref<1x40xi32, #tpu.memory_space<hbm>> -> memref<40xi32, #tpu.memory_space<hbm>>
    tpu.enqueue_dma source(%dma_start3A_84 : memref<40xi32, #tpu.memory_space<hbm>>) target(%arg15 : memref<40xi32, #tpu.memory_space<vmem>>) target_semaphore(%arg46 : memref<!tpu.dma_semaphore, #tpu.memory_space<semaphore_mem>>)
    %dma_start3A_85 = arith.constant 2 : i32
    %dma_start3A_86 = tpu.memref_slice %arg3[%dma_start3A_85, %add3A_80] : memref<3x320000xi32, #tpu.memory_space<hbm>> -> memref<1x40xi32, #tpu.memory_space<hbm>>
    %dma_start3A_87 = tpu.memref_squeeze %dma_start3A_86 : memref<1x40xi32, #tpu.memory_space<hbm>> -> memref<40xi32, #tpu.memory_space<hbm>>
    %dma_start3A_88 = tpu.memref_slice %arg3[%dma_start3A_85, %add3A_80] : memref<3x320000xi32, #tpu.memory_space<hbm>> -> memref<1x40xi32, #tpu.memory_space<hbm>>
    %dma_start3A_89 = tpu.memref_squeeze %dma_start3A_88 : memref<1x40xi32, #tpu.memory_space<hbm>> -> memref<40xi32, #tpu.memory_space<hbm>>
    tpu.enqueue_dma source(%dma_start3A_89 : memref<40xi32, #tpu.memory_space<hbm>>) target(%arg25 : memref<40xi32, #tpu.memory_space<vmem>>) target_semaphore(%arg46 : memref<!tpu.dma_semaphore, #tpu.memory_space<semaphore_mem>>)
    %min3A_90 = arith.constant 6 : i32
    %min3A_91 = arith.constant 499 : i32
    %min3A_92 = arith.minsi %min3A_90, %min3A_91 : i32
    %mul3A_93 = arith.constant 40 : i32
    %mul3A_94 = arith.muli %min3A_92, %mul3A_93 : i32
    %add3A_95 = arith.addi %mul3A_2, %mul3A_94 : i32
    %dma_start3A_96 = tpu.memref_slice %arg3[%arg0, %add3A_95] : memref<3x320000xi32, #tpu.memory_space<hbm>> -> memref<1x40xi32, #tpu.memory_space<hbm>>
    %dma_start3A_97 = tpu.memref_squeeze %dma_start3A_96 : memref<1x40xi32, #tpu.memory_space<hbm>> -> memref<40xi32, #tpu.memory_space<hbm>>
    %dma_start3A_98 = tpu.memref_slice %arg3[%arg0, %add3A_95] : memref<3x320000xi32, #tpu.memory_space<hbm>> -> memref<1x40xi32, #tpu.memory_space<hbm>>
    %dma_start3A_99 = tpu.memref_squeeze %dma_start3A_98 : memref<1x40xi32, #tpu.memory_space<hbm>> -> memref<40xi32, #tpu.memory_space<hbm>>
    tpu.enqueue_dma source(%dma_start3A_99 : memref<40xi32, #tpu.memory_space<hbm>>) target(%arg16 : memref<40xi32, #tpu.memory_space<vmem>>) target_semaphore(%arg46 : memref<!tpu.dma_semaphore, #tpu.memory_space<semaphore_mem>>)
    %dma_start3A_100 = arith.constant 2 : i32
    %dma_start3A_101 = tpu.memref_slice %arg3[%dma_start3A_100, %add3A_95] : memref<3x320000xi32, #tpu.memory_space<hbm>> -> memref<1x40xi32, #tpu.memory_space<hbm>>
    %dma_start3A_102 = tpu.memref_squeeze %dma_start3A_101 : memref<1x40xi32, #tpu.memory_space<hbm>> -> memref<40xi32, #tpu.memory_space<hbm>>
    %dma_start3A_103 = tpu.memref_slice %arg3[%dma_start3A_100, %add3A_95] : memref<3x320000xi32, #tpu.memory_space<hbm>> -> memref<1x40xi32, #tpu.memory_space<hbm>>
    %dma_start3A_104 = tpu.memref_squeeze %dma_start3A_103 : memref<1x40xi32, #tpu.memory_space<hbm>> -> memref<40xi32, #tpu.memory_space<hbm>>
    tpu.enqueue_dma source(%dma_start3A_104 : memref<40xi32, #tpu.memory_space<hbm>>) target(%arg26 : memref<40xi32, #tpu.memory_space<vmem>>) target_semaphore(%arg46 : memref<!tpu.dma_semaphore, #tpu.memory_space<semaphore_mem>>)
    %dma_wait3A = arith.constant 0 : i32
    %dma_wait3A_105 = arith.constant 0 : i32
    %dma_wait3A_106 = tpu.memref_slice %arg3[%dma_wait3A, %dma_wait3A_105] : memref<3x320000xi32, #tpu.memory_space<hbm>> -> memref<1x40xi32, #tpu.memory_space<hbm>>
    %dma_wait3A_107 = tpu.memref_squeeze %dma_wait3A_106 : memref<1x40xi32, #tpu.memory_space<hbm>> -> memref<40xi32, #tpu.memory_space<hbm>>
    %dma_wait3A_108 = arith.constant 0 : i32
    %dma_wait3A_109 = tpu.memref_slice %arg3[%dma_wait3A, %dma_wait3A_108] : memref<3x320000xi32, #tpu.memory_space<hbm>> -> memref<1x40xi32, #tpu.memory_space<hbm>>
    %dma_wait3A_110 = tpu.memref_squeeze %dma_wait3A_109 : memref<1x40xi32, #tpu.memory_space<hbm>> -> memref<40xi32, #tpu.memory_space<hbm>>
    tpu.wait_dma2 semaphore(%arg46 : memref<!tpu.dma_semaphore, #tpu.memory_space<semaphore_mem>>) src(%dma_wait3A_110 : memref<40xi32, #tpu.memory_space<hbm>>) dst(%arg10 : memref<40xi32, #tpu.memory_space<vmem>>)
    %dma_wait3A_111 = arith.constant 0 : i32
    %dma_wait3A_112 = arith.constant 0 : i32
    %dma_wait3A_113 = tpu.memref_slice %arg3[%dma_wait3A_111, %dma_wait3A_112] : memref<3x320000xi32, #tpu.memory_space<hbm>> -> memref<1x40xi32, #tpu.memory_space<hbm>>
    %dma_wait3A_114 = tpu.memref_squeeze %dma_wait3A_113 : memref<1x40xi32, #tpu.memory_space<hbm>> -> memref<40xi32, #tpu.memory_space<hbm>>
    %dma_wait3A_115 = arith.constant 0 : i32
    %dma_wait3A_116 = tpu.memref_slice %arg3[%dma_wait3A_111, %dma_wait3A_115] : memref<3x320000xi32, #tpu.memory_space<hbm>> -> memref<1x40xi32, #tpu.memory_space<hbm>>
    %dma_wait3A_117 = tpu.memref_squeeze %dma_wait3A_116 : memref<1x40xi32, #tpu.memory_space<hbm>> -> memref<40xi32, #tpu.memory_space<hbm>>
    tpu.wait_dma2 semaphore(%arg46 : memref<!tpu.dma_semaphore, #tpu.memory_space<semaphore_mem>>) src(%dma_wait3A_117 : memref<40xi32, #tpu.memory_space<hbm>>) dst(%arg20 : memref<40xi32, #tpu.memory_space<vmem>>)
    %dma_start3A_118 = arith.constant 0 : i32
    %dma_start3A_119 = arith.constant 0 : i32
    %dma_start3A_120 = tpu.memref_slice %arg2[%dma_start3A_118, %dma_start3A_119] : memref<20000x128xf32, #tpu.memory_space<hbm>> -> memref<20000x128xf32, #tpu.memory_space<hbm>>
    tpu.enqueue_indirect_dma source(%dma_start3A_120 : memref<20000x128xf32, #tpu.memory_space<hbm>>) target(%arg30 : memref<40x128xf32, #tpu.memory_space<vmem>>) offsets(%arg10 : memref<40xi32, #tpu.memory_space<vmem>>) semaphore(%arg36 : memref<!tpu.dma_semaphore, #tpu.memory_space<semaphore_mem>>)
    %dma_wait3A_121 = arith.constant 0 : i32
    %dma_wait3A_122 = arith.constant 0 : i32
    %dma_wait3A_123 = tpu.memref_slice %arg3[%dma_wait3A_121, %dma_wait3A_122] : memref<3x320000xi32, #tpu.memory_space<hbm>> -> memref<1x40xi32, #tpu.memory_space<hbm>>
    %dma_wait3A_124 = tpu.memref_squeeze %dma_wait3A_123 : memref<1x40xi32, #tpu.memory_space<hbm>> -> memref<40xi32, #tpu.memory_space<hbm>>
    %dma_wait3A_125 = arith.constant 0 : i32
    %dma_wait3A_126 = tpu.memref_slice %arg3[%dma_wait3A_121, %dma_wait3A_125] : memref<3x320000xi32, #tpu.memory_space<hbm>> -> memref<1x40xi32, #tpu.memory_space<hbm>>
    %dma_wait3A_127 = tpu.memref_squeeze %dma_wait3A_126 : memref<1x40xi32, #tpu.memory_space<hbm>> -> memref<40xi32, #tpu.memory_space<hbm>>
    tpu.wait_dma2 semaphore(%arg46 : memref<!tpu.dma_semaphore, #tpu.memory_space<semaphore_mem>>) src(%dma_wait3A_127 : memref<40xi32, #tpu.memory_space<hbm>>) dst(%arg10 : memref<40xi32, #tpu.memory_space<vmem>>)
    %dma_wait3A_128 = arith.constant 0 : i32
    %dma_wait3A_129 = arith.constant 0 : i32
    %dma_wait3A_130 = tpu.memref_slice %arg3[%dma_wait3A_128, %dma_wait3A_129] : memref<3x320000xi32, #tpu.memory_space<hbm>> -> memref<1x40xi32, #tpu.memory_space<hbm>>
    %dma_wait3A_131 = tpu.memref_squeeze %dma_wait3A_130 : memref<1x40xi32, #tpu.memory_space<hbm>> -> memref<40xi32, #tpu.memory_space<hbm>>
    %dma_wait3A_132 = arith.constant 0 : i32
    %dma_wait3A_133 = tpu.memref_slice %arg3[%dma_wait3A_128, %dma_wait3A_132] : memref<3x320000xi32, #tpu.memory_space<hbm>> -> memref<1x40xi32, #tpu.memory_space<hbm>>
    %dma_wait3A_134 = tpu.memref_squeeze %dma_wait3A_133 : memref<1x40xi32, #tpu.memory_space<hbm>> -> memref<40xi32, #tpu.memory_space<hbm>>
    tpu.wait_dma2 semaphore(%arg46 : memref<!tpu.dma_semaphore, #tpu.memory_space<semaphore_mem>>) src(%dma_wait3A_134 : memref<40xi32, #tpu.memory_space<hbm>>) dst(%arg20 : memref<40xi32, #tpu.memory_space<vmem>>)
    %dma_start3A_135 = arith.constant 0 : i32
    %dma_start3A_136 = arith.constant 0 : i32
    %dma_start3A_137 = tpu.memref_slice %arg2[%dma_start3A_135, %dma_start3A_136] : memref<20000x128xf32, #tpu.memory_space<hbm>> -> memref<20000x128xf32, #tpu.memory_space<hbm>>
    tpu.enqueue_indirect_dma source(%dma_start3A_137 : memref<20000x128xf32, #tpu.memory_space<hbm>>) target(%arg31 : memref<40x128xf32, #tpu.memory_space<vmem>>) offsets(%arg11 : memref<40xi32, #tpu.memory_space<vmem>>) semaphore(%arg37 : memref<!tpu.dma_semaphore, #tpu.memory_space<semaphore_mem>>)
    %dma_wait3A_138 = arith.constant 0 : i32
    %dma_wait3A_139 = arith.constant 0 : i32
    %dma_wait3A_140 = tpu.memref_slice %arg3[%dma_wait3A_138, %dma_wait3A_139] : memref<3x320000xi32, #tpu.memory_space<hbm>> -> memref<1x40xi32, #tpu.memory_space<hbm>>
    %dma_wait3A_141 = tpu.memref_squeeze %dma_wait3A_140 : memref<1x40xi32, #tpu.memory_space<hbm>> -> memref<40xi32, #tpu.memory_space<hbm>>
    %dma_wait3A_142 = arith.constant 0 : i32
    %dma_wait3A_143 = tpu.memref_slice %arg3[%dma_wait3A_138, %dma_wait3A_142] : memref<3x320000xi32, #tpu.memory_space<hbm>> -> memref<1x40xi32, #tpu.memory_space<hbm>>
    %dma_wait3A_144 = tpu.memref_squeeze %dma_wait3A_143 : memref<1x40xi32, #tpu.memory_space<hbm>> -> memref<40xi32, #tpu.memory_space<hbm>>
    tpu.wait_dma2 semaphore(%arg46 : memref<!tpu.dma_semaphore, #tpu.memory_space<semaphore_mem>>) src(%dma_wait3A_144 : memref<40xi32, #tpu.memory_space<hbm>>) dst(%arg10 : memref<40xi32, #tpu.memory_space<vmem>>)
    %dma_wait3A_145 = arith.constant 0 : i32
    %dma_wait3A_146 = arith.constant 0 : i32
    %dma_wait3A_147 = tpu.memref_slice %arg3[%dma_wait3A_145, %dma_wait3A_146] : memref<3x320000xi32, #tpu.memory_space<hbm>> -> memref<1x40xi32, #tpu.memory_space<hbm>>
    %dma_wait3A_148 = tpu.memref_squeeze %dma_wait3A_147 : memref<1x40xi32, #tpu.memory_space<hbm>> -> memref<40xi32, #tpu.memory_space<hbm>>
    %dma_wait3A_149 = arith.constant 0 : i32
    %dma_wait3A_150 = tpu.memref_slice %arg3[%dma_wait3A_145, %dma_wait3A_149] : memref<3x320000xi32, #tpu.memory_space<hbm>> -> memref<1x40xi32, #tpu.memory_space<hbm>>
    %dma_wait3A_151 = tpu.memref_squeeze %dma_wait3A_150 : memref<1x40xi32, #tpu.memory_space<hbm>> -> memref<40xi32, #tpu.memory_space<hbm>>
    tpu.wait_dma2 semaphore(%arg46 : memref<!tpu.dma_semaphore, #tpu.memory_space<semaphore_mem>>) src(%dma_wait3A_151 : memref<40xi32, #tpu.memory_space<hbm>>) dst(%arg20 : memref<40xi32, #tpu.memory_space<vmem>>)
    %dma_start3A_152 = arith.constant 0 : i32
    %dma_start3A_153 = arith.constant 0 : i32
    %dma_start3A_154 = tpu.memref_slice %arg2[%dma_start3A_152, %dma_start3A_153] : memref<20000x128xf32, #tpu.memory_space<hbm>> -> memref<20000x128xf32, #tpu.memory_space<hbm>>
    tpu.enqueue_indirect_dma source(%dma_start3A_154 : memref<20000x128xf32, #tpu.memory_space<hbm>>) target(%arg32 : memref<40x128xf32, #tpu.memory_space<vmem>>) offsets(%arg12 : memref<40xi32, #tpu.memory_space<vmem>>) semaphore(%arg38 : memref<!tpu.dma_semaphore, #tpu.memory_space<semaphore_mem>>)
    %dma_wait3A_155 = arith.constant 0 : i32
    %dma_wait3A_156 = arith.constant 0 : i32
    %dma_wait3A_157 = tpu.memref_slice %arg3[%dma_wait3A_155, %dma_wait3A_156] : memref<3x320000xi32, #tpu.memory_space<hbm>> -> memref<1x40xi32, #tpu.memory_space<hbm>>
    %dma_wait3A_158 = tpu.memref_squeeze %dma_wait3A_157 : memref<1x40xi32, #tpu.memory_space<hbm>> -> memref<40xi32, #tpu.memory_space<hbm>>
    %dma_wait3A_159 = arith.constant 0 : i32
    %dma_wait3A_160 = tpu.memref_slice %arg3[%dma_wait3A_155, %dma_wait3A_159] : memref<3x320000xi32, #tpu.memory_space<hbm>> -> memref<1x40xi32, #tpu.memory_space<hbm>>
    %dma_wait3A_161 = tpu.memref_squeeze %dma_wait3A_160 : memref<1x40xi32, #tpu.memory_space<hbm>> -> memref<40xi32, #tpu.memory_space<hbm>>
    tpu.wait_dma2 semaphore(%arg46 : memref<!tpu.dma_semaphore, #tpu.memory_space<semaphore_mem>>) src(%dma_wait3A_161 : memref<40xi32, #tpu.memory_space<hbm>>) dst(%arg10 : memref<40xi32, #tpu.memory_space<vmem>>)
    %dma_wait3A_162 = arith.constant 0 : i32
    %dma_wait3A_163 = arith.constant 0 : i32
    %dma_wait3A_164 = tpu.memref_slice %arg3[%dma_wait3A_162, %dma_wait3A_163] : memref<3x320000xi32, #tpu.memory_space<hbm>> -> memref<1x40xi32, #tpu.memory_space<hbm>>
    %dma_wait3A_165 = tpu.memref_squeeze %dma_wait3A_164 : memref<1x40xi32, #tpu.memory_space<hbm>> -> memref<40xi32, #tpu.memory_space<hbm>>
    %dma_wait3A_166 = arith.constant 0 : i32
    %dma_wait3A_167 = tpu.memref_slice %arg3[%dma_wait3A_162, %dma_wait3A_166] : memref<3x320000xi32, #tpu.memory_space<hbm>> -> memref<1x40xi32, #tpu.memory_space<hbm>>
    %dma_wait3A_168 = tpu.memref_squeeze %dma_wait3A_167 : memref<1x40xi32, #tpu.memory_space<hbm>> -> memref<40xi32, #tpu.memory_space<hbm>>
    tpu.wait_dma2 semaphore(%arg46 : memref<!tpu.dma_semaphore, #tpu.memory_space<semaphore_mem>>) src(%dma_wait3A_168 : memref<40xi32, #tpu.memory_space<hbm>>) dst(%arg20 : memref<40xi32, #tpu.memory_space<vmem>>)
    %dma_start3A_169 = arith.constant 0 : i32
    %dma_start3A_170 = arith.constant 0 : i32
    %dma_start3A_171 = tpu.memref_slice %arg2[%dma_start3A_169, %dma_start3A_170] : memref<20000x128xf32, #tpu.memory_space<hbm>> -> memref<20000x128xf32, #tpu.memory_space<hbm>>
    tpu.enqueue_indirect_dma source(%dma_start3A_171 : memref<20000x128xf32, #tpu.memory_space<hbm>>) target(%arg33 : memref<40x128xf32, #tpu.memory_space<vmem>>) offsets(%arg13 : memref<40xi32, #tpu.memory_space<vmem>>) semaphore(%arg39 : memref<!tpu.dma_semaphore, #tpu.memory_space<semaphore_mem>>)
    %scan3A = arith.constant 0 : i32
    %scan3A_172 = arith.constant 0 : i32
    %scan3A_173 = arith.constant 50 : i32
    %scan3A_174 = arith.addi %scan3A_172, %scan3A_173 : i32
    %scan3A_175 = arith.constant 1 : i32
    scf.for %scan3A_256 = %scan3A_172 to %scan3A_174 step %scan3A_175  : i32 {
      %dma_wait3A_257 = arith.constant 0 : i32
      %dma_wait3A_258 = arith.constant 0 : i32
      %dma_wait3A_259 = tpu.memref_slice %arg2[%dma_wait3A_257, %dma_wait3A_258] : memref<20000x128xf32, #tpu.memory_space<hbm>> -> memref<40x128xf32, #tpu.memory_space<hbm>>
      %dma_wait3A_260 = arith.constant 0 : i32
      %dma_wait3A_261 = arith.constant 0 : i32
      %dma_wait3A_262 = tpu.memref_slice %arg2[%dma_wait3A_260, %dma_wait3A_261] : memref<20000x128xf32, #tpu.memory_space<hbm>> -> memref<40x128xf32, #tpu.memory_space<hbm>>
      tpu.wait_dma2 semaphore(%arg36 : memref<!tpu.dma_semaphore, #tpu.memory_space<semaphore_mem>>) src(%dma_wait3A_262 : memref<40x128xf32, #tpu.memory_space<hbm>>) dst(%arg30 : memref<40x128xf32, #tpu.memory_space<vmem>>)
      %gt3A = arith.constant 0 : i32
      %gt3A_263 = arith.cmpi sgt, %scan3A_256, %gt3A : i32
      %convert_element_type3A_264 = arith.extui %gt3A_263 : i1 to i32
      %cond3A_265 = arith.constant 0 : i32
      %cond3A_266 = arith.cmpi ne, %convert_element_type3A_264, %cond3A_265 : i32
      scf.if %cond3A_266 {
        %dma_wait3A_805 = arith.constant 0 : i32
        %dma_wait3A_806 = arith.constant 0 : i32
        %dma_wait3A_807 = tpu.memref_slice %arg2[%dma_wait3A_805, %dma_wait3A_806] : memref<20000x128xf32, #tpu.memory_space<hbm>> -> memref<40x128xf32, #tpu.memory_space<hbm>>
        %dma_wait3A_808 = arith.constant 0 : i32
        %dma_wait3A_809 = arith.constant 0 : i32
        %dma_wait3A_810 = tpu.memref_slice %arg2[%dma_wait3A_808, %dma_wait3A_809] : memref<20000x128xf32, #tpu.memory_space<hbm>> -> memref<40x128xf32, #tpu.memory_space<hbm>>
        tpu.wait_dma2 semaphore(%arg45 : memref<!tpu.dma_semaphore, #tpu.memory_space<semaphore_mem>>) src(%dma_wait3A_810 : memref<40x128xf32, #tpu.memory_space<hbm>>) dst(%arg34 : memref<40x128xf32, #tpu.memory_space<vmem>>)
        tpu.wait_dma2 semaphore(%arg47 : memref<!tpu.dma_semaphore, #tpu.memory_space<semaphore_mem>>) src(%arg6 : memref<40x16xf32, #tpu.memory_space<hbm>>) dst(%arg35 : memref<40x16xf32, #tpu.memory_space<vmem>>)
      } else {
      }
      %dma_wait3A_267 = arith.constant 0 : i32
      %dma_wait3A_268 = arith.constant 0 : i32
      %dma_wait3A_269 = tpu.memref_slice %arg3[%dma_wait3A_267, %dma_wait3A_268] : memref<3x320000xi32, #tpu.memory_space<hbm>> -> memref<1x40xi32, #tpu.memory_space<hbm>>
      %dma_wait3A_270 = tpu.memref_squeeze %dma_wait3A_269 : memref<1x40xi32, #tpu.memory_space<hbm>> -> memref<40xi32, #tpu.memory_space<hbm>>
      %dma_wait3A_271 = arith.constant 0 : i32
      %dma_wait3A_272 = tpu.memref_slice %arg3[%dma_wait3A_267, %dma_wait3A_271] : memref<3x320000xi32, #tpu.memory_space<hbm>> -> memref<1x40xi32, #tpu.memory_space<hbm>>
      %dma_wait3A_273 = tpu.memref_squeeze %dma_wait3A_272 : memref<1x40xi32, #tpu.memory_space<hbm>> -> memref<40xi32, #tpu.memory_space<hbm>>
      tpu.wait_dma2 semaphore(%arg46 : memref<!tpu.dma_semaphore, #tpu.memory_space<semaphore_mem>>) src(%dma_wait3A_273 : memref<40xi32, #tpu.memory_space<hbm>>) dst(%arg10 : memref<40xi32, #tpu.memory_space<vmem>>)
      %dma_wait3A_274 = arith.constant 0 : i32
      %dma_wait3A_275 = arith.constant 0 : i32
      %dma_wait3A_276 = tpu.memref_slice %arg3[%dma_wait3A_274, %dma_wait3A_275] : memref<3x320000xi32, #tpu.memory_space<hbm>> -> memref<1x40xi32, #tpu.memory_space<hbm>>
      %dma_wait3A_277 = tpu.memref_squeeze %dma_wait3A_276 : memref<1x40xi32, #tpu.memory_space<hbm>> -> memref<40xi32, #tpu.memory_space<hbm>>
      %dma_wait3A_278 = arith.constant 0 : i32
      %dma_wait3A_279 = tpu.memref_slice %arg3[%dma_wait3A_274, %dma_wait3A_278] : memref<3x320000xi32, #tpu.memory_space<hbm>> -> memref<1x40xi32, #tpu.memory_space<hbm>>
      %dma_wait3A_280 = tpu.memref_squeeze %dma_wait3A_279 : memref<1x40xi32, #tpu.memory_space<hbm>> -> memref<40xi32, #tpu.memory_space<hbm>>
      tpu.wait_dma2 semaphore(%arg46 : memref<!tpu.dma_semaphore, #tpu.memory_space<semaphore_mem>>) src(%dma_wait3A_280 : memref<40xi32, #tpu.memory_space<hbm>>) dst(%arg20 : memref<40xi32, #tpu.memory_space<vmem>>)
      %dma_start3A_281 = arith.constant 0 : i32
      %dma_start3A_282 = arith.constant 0 : i32
      %dma_start3A_283 = tpu.memref_slice %arg2[%dma_start3A_281, %dma_start3A_282] : memref<20000x128xf32, #tpu.memory_space<hbm>> -> memref<20000x128xf32, #tpu.memory_space<hbm>>
      tpu.enqueue_indirect_dma source(%dma_start3A_283 : memref<20000x128xf32, #tpu.memory_space<hbm>>) target(%arg34 : memref<40x128xf32, #tpu.memory_space<vmem>>) offsets(%arg14 : memref<40xi32, #tpu.memory_space<vmem>>) semaphore(%arg40 : memref<!tpu.dma_semaphore, #tpu.memory_space<semaphore_mem>>)
      %mul3A_284 = arith.constant 10 : i32
      %mul3A_285 = arith.muli %scan3A_256, %mul3A_284 : i32
      %add3A_286 = arith.constant 0 : i32
      %add3A_287 = arith.addi %mul3A_285, %add3A_286 : i32
      %add3A_288 = arith.constant 7 : i32
      %add3A_289 = arith.addi %add3A_287, %add3A_288 : i32
      %min3A_290 = arith.constant 499 : i32
      %min3A_291 = arith.minsi %add3A_289, %min3A_290 : i32
      %mul3A_292 = arith.constant 40 : i32
      %mul3A_293 = arith.muli %min3A_291, %mul3A_292 : i32
      %add3A_294 = arith.addi %mul3A_2, %mul3A_293 : i32
      %dma_start3A_295 = tpu.memref_slice %arg3[%arg0, %add3A_294] : memref<3x320000xi32, #tpu.memory_space<hbm>> -> memref<1x40xi32, #tpu.memory_space<hbm>>
      %dma_start3A_296 = tpu.memref_squeeze %dma_start3A_295 : memref<1x40xi32, #tpu.memory_space<hbm>> -> memref<40xi32, #tpu.memory_space<hbm>>
      %dma_start3A_297 = tpu.memref_slice %arg3[%arg0, %add3A_294] : memref<3x320000xi32, #tpu.memory_space<hbm>> -> memref<1x40xi32, #tpu.memory_space<hbm>>
      %dma_start3A_298 = tpu.memref_squeeze %dma_start3A_297 : memref<1x40xi32, #tpu.memory_space<hbm>> -> memref<40xi32, #tpu.memory_space<hbm>>
      tpu.enqueue_dma source(%dma_start3A_298 : memref<40xi32, #tpu.memory_space<hbm>>) target(%arg17 : memref<40xi32, #tpu.memory_space<vmem>>) target_semaphore(%arg46 : memref<!tpu.dma_semaphore, #tpu.memory_space<semaphore_mem>>)
      %dma_start3A_299 = arith.constant 2 : i32
      %dma_start3A_300 = tpu.memref_slice %arg3[%dma_start3A_299, %add3A_294] : memref<3x320000xi32, #tpu.memory_space<hbm>> -> memref<1x40xi32, #tpu.memory_space<hbm>>
      %dma_start3A_301 = tpu.memref_squeeze %dma_start3A_300 : memref<1x40xi32, #tpu.memory_space<hbm>> -> memref<40xi32, #tpu.memory_space<hbm>>
      %dma_start3A_302 = tpu.memref_slice %arg3[%dma_start3A_299, %add3A_294] : memref<3x320000xi32, #tpu.memory_space<hbm>> -> memref<1x40xi32, #tpu.memory_space<hbm>>
      %dma_start3A_303 = tpu.memref_squeeze %dma_start3A_302 : memref<1x40xi32, #tpu.memory_space<hbm>> -> memref<40xi32, #tpu.memory_space<hbm>>
      tpu.enqueue_dma source(%dma_start3A_303 : memref<40xi32, #tpu.memory_space<hbm>>) target(%arg27 : memref<40xi32, #tpu.memory_space<vmem>>) target_semaphore(%arg46 : memref<!tpu.dma_semaphore, #tpu.memory_space<semaphore_mem>>)
      %dma_start3A_304 = arith.constant 0 : i32
      %dma_start3A_305 = arith.constant 0 : i32
      %dma_start3A_306 = tpu.memref_slice %arg8[%dma_start3A_304, %dma_start3A_305] : memref<10240x128xf32, #tpu.memory_space<vmem_shared>> -> memref<10240x128xf32, #tpu.memory_space<vmem_shared>>
      tpu.enqueue_indirect_dma source(%arg30 : memref<40x128xf32, #tpu.memory_space<vmem>>) target(%dma_start3A_306 : memref<10240x128xf32, #tpu.memory_space<vmem_shared>>) offsets(%arg20 : memref<40xi32, #tpu.memory_space<vmem>>) semaphore(%arg41 : memref<!tpu.dma_semaphore, #tpu.memory_space<semaphore_mem>>) {add = true}
      %dma_start3A_307 = arith.constant 0 : i32
      %dma_start3A_308 = arith.constant 0 : i32
      %dma_start3A_309 = tpu.memref_slice %arg9[%dma_start3A_307, %dma_start3A_308] : memref<10240x16xf32, #tpu.memory_space<vmem_shared>> -> memref<10240x16xf32, #tpu.memory_space<vmem_shared>>
      tpu.enqueue_indirect_dma source(%arg35 : memref<40x16xf32, #tpu.memory_space<vmem>>) target(%dma_start3A_309 : memref<10240x16xf32, #tpu.memory_space<vmem_shared>>) offsets(%arg20 : memref<40xi32, #tpu.memory_space<vmem>>) semaphore(%arg47 : memref<!tpu.dma_semaphore, #tpu.memory_space<semaphore_mem>>) {add = true}
      %dma_wait3A_310 = arith.constant 0 : i32
      %dma_wait3A_311 = arith.constant 0 : i32
      %dma_wait3A_312 = tpu.memref_slice %arg2[%dma_wait3A_310, %dma_wait3A_311] : memref<20000x128xf32, #tpu.memory_space<hbm>> -> memref<40x128xf32, #tpu.memory_space<hbm>>
      %dma_wait3A_313 = arith.constant 0 : i32
      %dma_wait3A_314 = arith.constant 0 : i32
      %dma_wait3A_315 = tpu.memref_slice %arg2[%dma_wait3A_313, %dma_wait3A_314] : memref<20000x128xf32, #tpu.memory_space<hbm>> -> memref<40x128xf32, #tpu.memory_space<hbm>>
      tpu.wait_dma2 semaphore(%arg37 : memref<!tpu.dma_semaphore, #tpu.memory_space<semaphore_mem>>) src(%dma_wait3A_315 : memref<40x128xf32, #tpu.memory_space<hbm>>) dst(%arg31 : memref<40x128xf32, #tpu.memory_space<vmem>>)
      %dma_wait3A_316 = arith.constant 0 : i32
      %dma_wait3A_317 = arith.constant 0 : i32
      %dma_wait3A_318 = tpu.memref_slice %arg2[%dma_wait3A_316, %dma_wait3A_317] : memref<20000x128xf32, #tpu.memory_space<hbm>> -> memref<40x128xf32, #tpu.memory_space<hbm>>
      %dma_wait3A_319 = arith.constant 0 : i32
      %dma_wait3A_320 = arith.constant 0 : i32
      %dma_wait3A_321 = tpu.memref_slice %arg2[%dma_wait3A_319, %dma_wait3A_320] : memref<20000x128xf32, #tpu.memory_space<hbm>> -> memref<40x128xf32, #tpu.memory_space<hbm>>
      tpu.wait_dma2 semaphore(%arg41 : memref<!tpu.dma_semaphore, #tpu.memory_space<semaphore_mem>>) src(%dma_wait3A_321 : memref<40x128xf32, #tpu.memory_space<hbm>>) dst(%arg30 : memref<40x128xf32, #tpu.memory_space<vmem>>)
      tpu.wait_dma2 semaphore(%arg47 : memref<!tpu.dma_semaphore, #tpu.memory_space<semaphore_mem>>) src(%arg6 : memref<40x16xf32, #tpu.memory_space<hbm>>) dst(%arg35 : memref<40x16xf32, #tpu.memory_space<vmem>>)
      %dma_wait3A_322 = arith.constant 0 : i32
      %dma_wait3A_323 = arith.constant 0 : i32
      %dma_wait3A_324 = tpu.memref_slice %arg3[%dma_wait3A_322, %dma_wait3A_323] : memref<3x320000xi32, #tpu.memory_space<hbm>> -> memref<1x40xi32, #tpu.memory_space<hbm>>
      %dma_wait3A_325 = tpu.memref_squeeze %dma_wait3A_324 : memref<1x40xi32, #tpu.memory_space<hbm>> -> memref<40xi32, #tpu.memory_space<hbm>>
      %dma_wait3A_326 = arith.constant 0 : i32
      %dma_wait3A_327 = tpu.memref_slice %arg3[%dma_wait3A_322, %dma_wait3A_326] : memref<3x320000xi32, #tpu.memory_space<hbm>> -> memref<1x40xi32, #tpu.memory_space<hbm>>
      %dma_wait3A_328 = tpu.memref_squeeze %dma_wait3A_327 : memref<1x40xi32, #tpu.memory_space<hbm>> -> memref<40xi32, #tpu.memory_space<hbm>>
      tpu.wait_dma2 semaphore(%arg46 : memref<!tpu.dma_semaphore, #tpu.memory_space<semaphore_mem>>) src(%dma_wait3A_328 : memref<40xi32, #tpu.memory_space<hbm>>) dst(%arg10 : memref<40xi32, #tpu.memory_space<vmem>>)
      %dma_wait3A_329 = arith.constant 0 : i32
      %dma_wait3A_330 = arith.constant 0 : i32
      %dma_wait3A_331 = tpu.memref_slice %arg3[%dma_wait3A_329, %dma_wait3A_330] : memref<3x320000xi32, #tpu.memory_space<hbm>> -> memref<1x40xi32, #tpu.memory_space<hbm>>
      %dma_wait3A_332 = tpu.memref_squeeze %dma_wait3A_331 : memref<1x40xi32, #tpu.memory_space<hbm>> -> memref<40xi32, #tpu.memory_space<hbm>>
      %dma_wait3A_333 = arith.constant 0 : i32
      %dma_wait3A_334 = tpu.memref_slice %arg3[%dma_wait3A_329, %dma_wait3A_333] : memref<3x320000xi32, #tpu.memory_space<hbm>> -> memref<1x40xi32, #tpu.memory_space<hbm>>
      %dma_wait3A_335 = tpu.memref_squeeze %dma_wait3A_334 : memref<1x40xi32, #tpu.memory_space<hbm>> -> memref<40xi32, #tpu.memory_space<hbm>>
      tpu.wait_dma2 semaphore(%arg46 : memref<!tpu.dma_semaphore, #tpu.memory_space<semaphore_mem>>) src(%dma_wait3A_335 : memref<40xi32, #tpu.memory_space<hbm>>) dst(%arg20 : memref<40xi32, #tpu.memory_space<vmem>>)
      %dma_start3A_336 = arith.constant 0 : i32
      %dma_start3A_337 = arith.constant 0 : i32
      %dma_start3A_338 = tpu.memref_slice %arg2[%dma_start3A_336, %dma_start3A_337] : memref<20000x128xf32, #tpu.memory_space<hbm>> -> memref<20000x128xf32, #tpu.memory_space<hbm>>
      tpu.enqueue_indirect_dma source(%dma_start3A_338 : memref<20000x128xf32, #tpu.memory_space<hbm>>) target(%arg30 : memref<40x128xf32, #tpu.memory_space<vmem>>) offsets(%arg15 : memref<40xi32, #tpu.memory_space<vmem>>) semaphore(%arg36 : memref<!tpu.dma_semaphore, #tpu.memory_space<semaphore_mem>>)
      %mul3A_339 = arith.constant 10 : i32
      %mul3A_340 = arith.muli %scan3A_256, %mul3A_339 : i32
      %add3A_341 = arith.constant 1 : i32
      %add3A_342 = arith.addi %mul3A_340, %add3A_341 : i32
      %add3A_343 = arith.constant 7 : i32
      %add3A_344 = arith.addi %add3A_342, %add3A_343 : i32
      %min3A_345 = arith.constant 499 : i32
      %min3A_346 = arith.minsi %add3A_344, %min3A_345 : i32
      %mul3A_347 = arith.constant 40 : i32
      %mul3A_348 = arith.muli %min3A_346, %mul3A_347 : i32
      %add3A_349 = arith.addi %mul3A_2, %mul3A_348 : i32
      %dma_start3A_350 = tpu.memref_slice %arg3[%arg0, %add3A_349] : memref<3x320000xi32, #tpu.memory_space<hbm>> -> memref<1x40xi32, #tpu.memory_space<hbm>>
      %dma_start3A_351 = tpu.memref_squeeze %dma_start3A_350 : memref<1x40xi32, #tpu.memory_space<hbm>> -> memref<40xi32, #tpu.memory_space<hbm>>
      %dma_start3A_352 = tpu.memref_slice %arg3[%arg0, %add3A_349] : memref<3x320000xi32, #tpu.memory_space<hbm>> -> memref<1x40xi32, #tpu.memory_space<hbm>>
      %dma_start3A_353 = tpu.memref_squeeze %dma_start3A_352 : memref<1x40xi32, #tpu.memory_space<hbm>> -> memref<40xi32, #tpu.memory_space<hbm>>
      tpu.enqueue_dma source(%dma_start3A_353 : memref<40xi32, #tpu.memory_space<hbm>>) target(%arg18 : memref<40xi32, #tpu.memory_space<vmem>>) target_semaphore(%arg46 : memref<!tpu.dma_semaphore, #tpu.memory_space<semaphore_mem>>)
      %dma_start3A_354 = arith.constant 2 : i32
      %dma_start3A_355 = tpu.memref_slice %arg3[%dma_start3A_354, %add3A_349] : memref<3x320000xi32, #tpu.memory_space<hbm>> -> memref<1x40xi32, #tpu.memory_space<hbm>>
      %dma_start3A_356 = tpu.memref_squeeze %dma_start3A_355 : memref<1x40xi32, #tpu.memory_space<hbm>> -> memref<40xi32, #tpu.memory_space<hbm>>
      %dma_start3A_357 = tpu.memref_slice %arg3[%dma_start3A_354, %add3A_349] : memref<3x320000xi32, #tpu.memory_space<hbm>> -> memref<1x40xi32, #tpu.memory_space<hbm>>
      %dma_start3A_358 = tpu.memref_squeeze %dma_start3A_357 : memref<1x40xi32, #tpu.memory_space<hbm>> -> memref<40xi32, #tpu.memory_space<hbm>>
      tpu.enqueue_dma source(%dma_start3A_358 : memref<40xi32, #tpu.memory_space<hbm>>) target(%arg28 : memref<40xi32, #tpu.memory_space<vmem>>) target_semaphore(%arg46 : memref<!tpu.dma_semaphore, #tpu.memory_space<semaphore_mem>>)
      %dma_start3A_359 = arith.constant 0 : i32
      %dma_start3A_360 = arith.constant 0 : i32
      %dma_start3A_361 = tpu.memref_slice %arg8[%dma_start3A_359, %dma_start3A_360] : memref<10240x128xf32, #tpu.memory_space<vmem_shared>> -> memref<10240x128xf32, #tpu.memory_space<vmem_shared>>
      tpu.enqueue_indirect_dma source(%arg31 : memref<40x128xf32, #tpu.memory_space<vmem>>) target(%dma_start3A_361 : memref<10240x128xf32, #tpu.memory_space<vmem_shared>>) offsets(%arg21 : memref<40xi32, #tpu.memory_space<vmem>>) semaphore(%arg42 : memref<!tpu.dma_semaphore, #tpu.memory_space<semaphore_mem>>) {add = true}
      %dma_start3A_362 = arith.constant 0 : i32
      %dma_start3A_363 = arith.constant 0 : i32
      %dma_start3A_364 = tpu.memref_slice %arg9[%dma_start3A_362, %dma_start3A_363] : memref<10240x16xf32, #tpu.memory_space<vmem_shared>> -> memref<10240x16xf32, #tpu.memory_space<vmem_shared>>
      tpu.enqueue_indirect_dma source(%arg35 : memref<40x16xf32, #tpu.memory_space<vmem>>) target(%dma_start3A_364 : memref<10240x16xf32, #tpu.memory_space<vmem_shared>>) offsets(%arg21 : memref<40xi32, #tpu.memory_space<vmem>>) semaphore(%arg47 : memref<!tpu.dma_semaphore, #tpu.memory_space<semaphore_mem>>) {add = true}
      %dma_wait3A_365 = arith.constant 0 : i32
      %dma_wait3A_366 = arith.constant 0 : i32
      %dma_wait3A_367 = tpu.memref_slice %arg2[%dma_wait3A_365, %dma_wait3A_366] : memref<20000x128xf32, #tpu.memory_space<hbm>> -> memref<40x128xf32, #tpu.memory_space<hbm>>
      %dma_wait3A_368 = arith.constant 0 : i32
      %dma_wait3A_369 = arith.constant 0 : i32
      %dma_wait3A_370 = tpu.memref_slice %arg2[%dma_wait3A_368, %dma_wait3A_369] : memref<20000x128xf32, #tpu.memory_space<hbm>> -> memref<40x128xf32, #tpu.memory_space<hbm>>
      tpu.wait_dma2 semaphore(%arg38 : memref<!tpu.dma_semaphore, #tpu.memory_space<semaphore_mem>>) src(%dma_wait3A_370 : memref<40x128xf32, #tpu.memory_space<hbm>>) dst(%arg32 : memref<40x128xf32, #tpu.memory_space<vmem>>)
      %dma_wait3A_371 = arith.constant 0 : i32
      %dma_wait3A_372 = arith.constant 0 : i32
      %dma_wait3A_373 = tpu.memref_slice %arg2[%dma_wait3A_371, %dma_wait3A_372] : memref<20000x128xf32, #tpu.memory_space<hbm>> -> memref<40x128xf32, #tpu.memory_space<hbm>>
      %dma_wait3A_374 = arith.constant 0 : i32
      %dma_wait3A_375 = arith.constant 0 : i32
      %dma_wait3A_376 = tpu.memref_slice %arg2[%dma_wait3A_374, %dma_wait3A_375] : memref<20000x128xf32, #tpu.memory_space<hbm>> -> memref<40x128xf32, #tpu.memory_space<hbm>>
      tpu.wait_dma2 semaphore(%arg42 : memref<!tpu.dma_semaphore, #tpu.memory_space<semaphore_mem>>) src(%dma_wait3A_376 : memref<40x128xf32, #tpu.memory_space<hbm>>) dst(%arg31 : memref<40x128xf32, #tpu.memory_space<vmem>>)
      tpu.wait_dma2 semaphore(%arg47 : memref<!tpu.dma_semaphore, #tpu.memory_space<semaphore_mem>>) src(%arg6 : memref<40x16xf32, #tpu.memory_space<hbm>>) dst(%arg35 : memref<40x16xf32, #tpu.memory_space<vmem>>)
      %dma_wait3A_377 = arith.constant 0 : i32
      %dma_wait3A_378 = arith.constant 0 : i32
      %dma_wait3A_379 = tpu.memref_slice %arg3[%dma_wait3A_377, %dma_wait3A_378] : memref<3x320000xi32, #tpu.memory_space<hbm>> -> memref<1x40xi32, #tpu.memory_space<hbm>>
      %dma_wait3A_380 = tpu.memref_squeeze %dma_wait3A_379 : memref<1x40xi32, #tpu.memory_space<hbm>> -> memref<40xi32, #tpu.memory_space<hbm>>
      %dma_wait3A_381 = arith.constant 0 : i32
      %dma_wait3A_382 = tpu.memref_slice %arg3[%dma_wait3A_377, %dma_wait3A_381] : memref<3x320000xi32, #tpu.memory_space<hbm>> -> memref<1x40xi32, #tpu.memory_space<hbm>>
      %dma_wait3A_383 = tpu.memref_squeeze %dma_wait3A_382 : memref<1x40xi32, #tpu.memory_space<hbm>> -> memref<40xi32, #tpu.memory_space<hbm>>
      tpu.wait_dma2 semaphore(%arg46 : memref<!tpu.dma_semaphore, #tpu.memory_space<semaphore_mem>>) src(%dma_wait3A_383 : memref<40xi32, #tpu.memory_space<hbm>>) dst(%arg10 : memref<40xi32, #tpu.memory_space<vmem>>)
      %dma_wait3A_384 = arith.constant 0 : i32
      %dma_wait3A_385 = arith.constant 0 : i32
      %dma_wait3A_386 = tpu.memref_slice %arg3[%dma_wait3A_384, %dma_wait3A_385] : memref<3x320000xi32, #tpu.memory_space<hbm>> -> memref<1x40xi32, #tpu.memory_space<hbm>>
      %dma_wait3A_387 = tpu.memref_squeeze %dma_wait3A_386 : memref<1x40xi32, #tpu.memory_space<hbm>> -> memref<40xi32, #tpu.memory_space<hbm>>
      %dma_wait3A_388 = arith.constant 0 : i32
      %dma_wait3A_389 = tpu.memref_slice %arg3[%dma_wait3A_384, %dma_wait3A_388] : memref<3x320000xi32, #tpu.memory_space<hbm>> -> memref<1x40xi32, #tpu.memory_space<hbm>>
      %dma_wait3A_390 = tpu.memref_squeeze %dma_wait3A_389 : memref<1x40xi32, #tpu.memory_space<hbm>> -> memref<40xi32, #tpu.memory_space<hbm>>
      tpu.wait_dma2 semaphore(%arg46 : memref<!tpu.dma_semaphore, #tpu.memory_space<semaphore_mem>>) src(%dma_wait3A_390 : memref<40xi32, #tpu.memory_space<hbm>>) dst(%arg20 : memref<40xi32, #tpu.memory_space<vmem>>)
      %dma_start3A_391 = arith.constant 0 : i32
      %dma_start3A_392 = arith.constant 0 : i32
      %dma_start3A_393 = tpu.memref_slice %arg2[%dma_start3A_391, %dma_start3A_392] : memref<20000x128xf32, #tpu.memory_space<hbm>> -> memref<20000x128xf32, #tpu.memory_space<hbm>>
      tpu.enqueue_indirect_dma source(%dma_start3A_393 : memref<20000x128xf32, #tpu.memory_space<hbm>>) target(%arg31 : memref<40x128xf32, #tpu.memory_space<vmem>>) offsets(%arg16 : memref<40xi32, #tpu.memory_space<vmem>>) semaphore(%arg37 : memref<!tpu.dma_semaphore, #tpu.memory_space<semaphore_mem>>)
      %mul3A_394 = arith.constant 10 : i32
      %mul3A_395 = arith.muli %scan3A_256, %mul3A_394 : i32
      %add3A_396 = arith.constant 2 : i32
      %add3A_397 = arith.addi %mul3A_395, %add3A_396 : i32
      %add3A_398 = arith.constant 7 : i32
      %add3A_399 = arith.addi %add3A_397, %add3A_398 : i32
      %min3A_400 = arith.constant 499 : i32
      %min3A_401 = arith.minsi %add3A_399, %min3A_400 : i32
      %mul3A_402 = arith.constant 40 : i32
      %mul3A_403 = arith.muli %min3A_401, %mul3A_402 : i32
      %add3A_404 = arith.addi %mul3A_2, %mul3A_403 : i32
      %dma_start3A_405 = tpu.memref_slice %arg3[%arg0, %add3A_404] : memref<3x320000xi32, #tpu.memory_space<hbm>> -> memref<1x40xi32, #tpu.memory_space<hbm>>
      %dma_start3A_406 = tpu.memref_squeeze %dma_start3A_405 : memref<1x40xi32, #tpu.memory_space<hbm>> -> memref<40xi32, #tpu.memory_space<hbm>>
      %dma_start3A_407 = tpu.memref_slice %arg3[%arg0, %add3A_404] : memref<3x320000xi32, #tpu.memory_space<hbm>> -> memref<1x40xi32, #tpu.memory_space<hbm>>
      %dma_start3A_408 = tpu.memref_squeeze %dma_start3A_407 : memref<1x40xi32, #tpu.memory_space<hbm>> -> memref<40xi32, #tpu.memory_space<hbm>>
      tpu.enqueue_dma source(%dma_start3A_408 : memref<40xi32, #tpu.memory_space<hbm>>) target(%arg19 : memref<40xi32, #tpu.memory_space<vmem>>) target_semaphore(%arg46 : memref<!tpu.dma_semaphore, #tpu.memory_space<semaphore_mem>>)
      %dma_start3A_409 = arith.constant 2 : i32
      %dma_start3A_410 = tpu.memref_slice %arg3[%dma_start3A_409, %add3A_404] : memref<3x320000xi32, #tpu.memory_space<hbm>> -> memref<1x40xi32, #tpu.memory_space<hbm>>
      %dma_start3A_411 = tpu.memref_squeeze %dma_start3A_410 : memref<1x40xi32, #tpu.memory_space<hbm>> -> memref<40xi32, #tpu.memory_space<hbm>>
      %dma_start3A_412 = tpu.memref_slice %arg3[%dma_start3A_409, %add3A_404] : memref<3x320000xi32, #tpu.memory_space<hbm>> -> memref<1x40xi32, #tpu.memory_space<hbm>>
      %dma_start3A_413 = tpu.memref_squeeze %dma_start3A_412 : memref<1x40xi32, #tpu.memory_space<hbm>> -> memref<40xi32, #tpu.memory_space<hbm>>
      tpu.enqueue_dma source(%dma_start3A_413 : memref<40xi32, #tpu.memory_space<hbm>>) target(%arg29 : memref<40xi32, #tpu.memory_space<vmem>>) target_semaphore(%arg46 : memref<!tpu.dma_semaphore, #tpu.memory_space<semaphore_mem>>)
      %dma_start3A_414 = arith.constant 0 : i32
      %dma_start3A_415 = arith.constant 0 : i32
      %dma_start3A_416 = tpu.memref_slice %arg8[%dma_start3A_414, %dma_start3A_415] : memref<10240x128xf32, #tpu.memory_space<vmem_shared>> -> memref<10240x128xf32, #tpu.memory_space<vmem_shared>>
      tpu.enqueue_indirect_dma source(%arg32 : memref<40x128xf32, #tpu.memory_space<vmem>>) target(%dma_start3A_416 : memref<10240x128xf32, #tpu.memory_space<vmem_shared>>) offsets(%arg22 : memref<40xi32, #tpu.memory_space<vmem>>) semaphore(%arg43 : memref<!tpu.dma_semaphore, #tpu.memory_space<semaphore_mem>>) {add = true}
      %dma_start3A_417 = arith.constant 0 : i32
      %dma_start3A_418 = arith.constant 0 : i32
      %dma_start3A_419 = tpu.memref_slice %arg9[%dma_start3A_417, %dma_start3A_418] : memref<10240x16xf32, #tpu.memory_space<vmem_shared>> -> memref<10240x16xf32, #tpu.memory_space<vmem_shared>>
      tpu.enqueue_indirect_dma source(%arg35 : memref<40x16xf32, #tpu.memory_space<vmem>>) target(%dma_start3A_419 : memref<10240x16xf32, #tpu.memory_space<vmem_shared>>) offsets(%arg22 : memref<40xi32, #tpu.memory_space<vmem>>) semaphore(%arg47 : memref<!tpu.dma_semaphore, #tpu.memory_space<semaphore_mem>>) {add = true}
      %dma_wait3A_420 = arith.constant 0 : i32
      %dma_wait3A_421 = arith.constant 0 : i32
      %dma_wait3A_422 = tpu.memref_slice %arg2[%dma_wait3A_420, %dma_wait3A_421] : memref<20000x128xf32, #tpu.memory_space<hbm>> -> memref<40x128xf32, #tpu.memory_space<hbm>>
      %dma_wait3A_423 = arith.constant 0 : i32
      %dma_wait3A_424 = arith.constant 0 : i32
      %dma_wait3A_425 = tpu.memref_slice %arg2[%dma_wait3A_423, %dma_wait3A_424] : memref<20000x128xf32, #tpu.memory_space<hbm>> -> memref<40x128xf32, #tpu.memory_space<hbm>>
      tpu.wait_dma2 semaphore(%arg39 : memref<!tpu.dma_semaphore, #tpu.memory_space<semaphore_mem>>) src(%dma_wait3A_425 : memref<40x128xf32, #tpu.memory_space<hbm>>) dst(%arg33 : memref<40x128xf32, #tpu.memory_space<vmem>>)
      %dma_wait3A_426 = arith.constant 0 : i32
      %dma_wait3A_427 = arith.constant 0 : i32
      %dma_wait3A_428 = tpu.memref_slice %arg2[%dma_wait3A_426, %dma_wait3A_427] : memref<20000x128xf32, #tpu.memory_space<hbm>> -> memref<40x128xf32, #tpu.memory_space<hbm>>
      %dma_wait3A_429 = arith.constant 0 : i32
      %dma_wait3A_430 = arith.constant 0 : i32
      %dma_wait3A_431 = tpu.memref_slice %arg2[%dma_wait3A_429, %dma_wait3A_430] : memref<20000x128xf32, #tpu.memory_space<hbm>> -> memref<40x128xf32, #tpu.memory_space<hbm>>
      tpu.wait_dma2 semaphore(%arg43 : memref<!tpu.dma_semaphore, #tpu.memory_space<semaphore_mem>>) src(%dma_wait3A_431 : memref<40x128xf32, #tpu.memory_space<hbm>>) dst(%arg32 : memref<40x128xf32, #tpu.memory_space<vmem>>)
      tpu.wait_dma2 semaphore(%arg47 : memref<!tpu.dma_semaphore, #tpu.memory_space<semaphore_mem>>) src(%arg6 : memref<40x16xf32, #tpu.memory_space<hbm>>) dst(%arg35 : memref<40x16xf32, #tpu.memory_space<vmem>>)
      %dma_wait3A_432 = arith.constant 0 : i32
      %dma_wait3A_433 = arith.constant 0 : i32
      %dma_wait3A_434 = tpu.memref_slice %arg3[%dma_wait3A_432, %dma_wait3A_433] : memref<3x320000xi32, #tpu.memory_space<hbm>> -> memref<1x40xi32, #tpu.memory_space<hbm>>
      %dma_wait3A_435 = tpu.memref_squeeze %dma_wait3A_434 : memref<1x40xi32, #tpu.memory_space<hbm>> -> memref<40xi32, #tpu.memory_space<hbm>>
      %dma_wait3A_436 = arith.constant 0 : i32
      %dma_wait3A_437 = tpu.memref_slice %arg3[%dma_wait3A_432, %dma_wait3A_436] : memref<3x320000xi32, #tpu.memory_space<hbm>> -> memref<1x40xi32, #tpu.memory_space<hbm>>
      %dma_wait3A_438 = tpu.memref_squeeze %dma_wait3A_437 : memref<1x40xi32, #tpu.memory_space<hbm>> -> memref<40xi32, #tpu.memory_space<hbm>>
      tpu.wait_dma2 semaphore(%arg46 : memref<!tpu.dma_semaphore, #tpu.memory_space<semaphore_mem>>) src(%dma_wait3A_438 : memref<40xi32, #tpu.memory_space<hbm>>) dst(%arg10 : memref<40xi32, #tpu.memory_space<vmem>>)
      %dma_wait3A_439 = arith.constant 0 : i32
      %dma_wait3A_440 = arith.constant 0 : i32
      %dma_wait3A_441 = tpu.memref_slice %arg3[%dma_wait3A_439, %dma_wait3A_440] : memref<3x320000xi32, #tpu.memory_space<hbm>> -> memref<1x40xi32, #tpu.memory_space<hbm>>
      %dma_wait3A_442 = tpu.memref_squeeze %dma_wait3A_441 : memref<1x40xi32, #tpu.memory_space<hbm>> -> memref<40xi32, #tpu.memory_space<hbm>>
      %dma_wait3A_443 = arith.constant 0 : i32
      %dma_wait3A_444 = tpu.memref_slice %arg3[%dma_wait3A_439, %dma_wait3A_443] : memref<3x320000xi32, #tpu.memory_space<hbm>> -> memref<1x40xi32, #tpu.memory_space<hbm>>
      %dma_wait3A_445 = tpu.memref_squeeze %dma_wait3A_444 : memref<1x40xi32, #tpu.memory_space<hbm>> -> memref<40xi32, #tpu.memory_space<hbm>>
      tpu.wait_dma2 semaphore(%arg46 : memref<!tpu.dma_semaphore, #tpu.memory_space<semaphore_mem>>) src(%dma_wait3A_445 : memref<40xi32, #tpu.memory_space<hbm>>) dst(%arg20 : memref<40xi32, #tpu.memory_space<vmem>>)
      %dma_start3A_446 = arith.constant 0 : i32
      %dma_start3A_447 = arith.constant 0 : i32
      %dma_start3A_448 = tpu.memref_slice %arg2[%dma_start3A_446, %dma_start3A_447] : memref<20000x128xf32, #tpu.memory_space<hbm>> -> memref<20000x128xf32, #tpu.memory_space<hbm>>
      tpu.enqueue_indirect_dma source(%dma_start3A_448 : memref<20000x128xf32, #tpu.memory_space<hbm>>) target(%arg32 : memref<40x128xf32, #tpu.memory_space<vmem>>) offsets(%arg17 : memref<40xi32, #tpu.memory_space<vmem>>) semaphore(%arg38 : memref<!tpu.dma_semaphore, #tpu.memory_space<semaphore_mem>>)
      %mul3A_449 = arith.constant 10 : i32
      %mul3A_450 = arith.muli %scan3A_256, %mul3A_449 : i32
      %add3A_451 = arith.constant 3 : i32
      %add3A_452 = arith.addi %mul3A_450, %add3A_451 : i32
      %add3A_453 = arith.constant 7 : i32
      %add3A_454 = arith.addi %add3A_452, %add3A_453 : i32
      %min3A_455 = arith.constant 499 : i32
      %min3A_456 = arith.minsi %add3A_454, %min3A_455 : i32
      %mul3A_457 = arith.constant 40 : i32
      %mul3A_458 = arith.muli %min3A_456, %mul3A_457 : i32
      %add3A_459 = arith.addi %mul3A_2, %mul3A_458 : i32
      %dma_start3A_460 = tpu.memref_slice %arg3[%arg0, %add3A_459] : memref<3x320000xi32, #tpu.memory_space<hbm>> -> memref<1x40xi32, #tpu.memory_space<hbm>>
      %dma_start3A_461 = tpu.memref_squeeze %dma_start3A_460 : memref<1x40xi32, #tpu.memory_space<hbm>> -> memref<40xi32, #tpu.memory_space<hbm>>
      %dma_start3A_462 = tpu.memref_slice %arg3[%arg0, %add3A_459] : memref<3x320000xi32, #tpu.memory_space<hbm>> -> memref<1x40xi32, #tpu.memory_space<hbm>>
      %dma_start3A_463 = tpu.memref_squeeze %dma_start3A_462 : memref<1x40xi32, #tpu.memory_space<hbm>> -> memref<40xi32, #tpu.memory_space<hbm>>
      tpu.enqueue_dma source(%dma_start3A_463 : memref<40xi32, #tpu.memory_space<hbm>>) target(%arg10 : memref<40xi32, #tpu.memory_space<vmem>>) target_semaphore(%arg46 : memref<!tpu.dma_semaphore, #tpu.memory_space<semaphore_mem>>)
      %dma_start3A_464 = arith.constant 2 : i32
      %dma_start3A_465 = tpu.memref_slice %arg3[%dma_start3A_464, %add3A_459] : memref<3x320000xi32, #tpu.memory_space<hbm>> -> memref<1x40xi32, #tpu.memory_space<hbm>>
      %dma_start3A_466 = tpu.memref_squeeze %dma_start3A_465 : memref<1x40xi32, #tpu.memory_space<hbm>> -> memref<40xi32, #tpu.memory_space<hbm>>
      %dma_start3A_467 = tpu.memref_slice %arg3[%dma_start3A_464, %add3A_459] : memref<3x320000xi32, #tpu.memory_space<hbm>> -> memref<1x40xi32, #tpu.memory_space<hbm>>
      %dma_start3A_468 = tpu.memref_squeeze %dma_start3A_467 : memref<1x40xi32, #tpu.memory_space<hbm>> -> memref<40xi32, #tpu.memory_space<hbm>>
      tpu.enqueue_dma source(%dma_start3A_468 : memref<40xi32, #tpu.memory_space<hbm>>) target(%arg20 : memref<40xi32, #tpu.memory_space<vmem>>) target_semaphore(%arg46 : memref<!tpu.dma_semaphore, #tpu.memory_space<semaphore_mem>>)
      %dma_start3A_469 = arith.constant 0 : i32
      %dma_start3A_470 = arith.constant 0 : i32
      %dma_start3A_471 = tpu.memref_slice %arg8[%dma_start3A_469, %dma_start3A_470] : memref<10240x128xf32, #tpu.memory_space<vmem_shared>> -> memref<10240x128xf32, #tpu.memory_space<vmem_shared>>
      tpu.enqueue_indirect_dma source(%arg33 : memref<40x128xf32, #tpu.memory_space<vmem>>) target(%dma_start3A_471 : memref<10240x128xf32, #tpu.memory_space<vmem_shared>>) offsets(%arg23 : memref<40xi32, #tpu.memory_space<vmem>>) semaphore(%arg44 : memref<!tpu.dma_semaphore, #tpu.memory_space<semaphore_mem>>) {add = true}
      %dma_start3A_472 = arith.constant 0 : i32
      %dma_start3A_473 = arith.constant 0 : i32
      %dma_start3A_474 = tpu.memref_slice %arg9[%dma_start3A_472, %dma_start3A_473] : memref<10240x16xf32, #tpu.memory_space<vmem_shared>> -> memref<10240x16xf32, #tpu.memory_space<vmem_shared>>
      tpu.enqueue_indirect_dma source(%arg35 : memref<40x16xf32, #tpu.memory_space<vmem>>) target(%dma_start3A_474 : memref<10240x16xf32, #tpu.memory_space<vmem_shared>>) offsets(%arg23 : memref<40xi32, #tpu.memory_space<vmem>>) semaphore(%arg47 : memref<!tpu.dma_semaphore, #tpu.memory_space<semaphore_mem>>) {add = true}
      %dma_wait3A_475 = arith.constant 0 : i32
      %dma_wait3A_476 = arith.constant 0 : i32
      %dma_wait3A_477 = tpu.memref_slice %arg2[%dma_wait3A_475, %dma_wait3A_476] : memref<20000x128xf32, #tpu.memory_space<hbm>> -> memref<40x128xf32, #tpu.memory_space<hbm>>
      %dma_wait3A_478 = arith.constant 0 : i32
      %dma_wait3A_479 = arith.constant 0 : i32
      %dma_wait3A_480 = tpu.memref_slice %arg2[%dma_wait3A_478, %dma_wait3A_479] : memref<20000x128xf32, #tpu.memory_space<hbm>> -> memref<40x128xf32, #tpu.memory_space<hbm>>
      tpu.wait_dma2 semaphore(%arg40 : memref<!tpu.dma_semaphore, #tpu.memory_space<semaphore_mem>>) src(%dma_wait3A_480 : memref<40x128xf32, #tpu.memory_space<hbm>>) dst(%arg34 : memref<40x128xf32, #tpu.memory_space<vmem>>)
      %dma_wait3A_481 = arith.constant 0 : i32
      %dma_wait3A_482 = arith.constant 0 : i32
      %dma_wait3A_483 = tpu.memref_slice %arg2[%dma_wait3A_481, %dma_wait3A_482] : memref<20000x128xf32, #tpu.memory_space<hbm>> -> memref<40x128xf32, #tpu.memory_space<hbm>>
      %dma_wait3A_484 = arith.constant 0 : i32
      %dma_wait3A_485 = arith.constant 0 : i32
      %dma_wait3A_486 = tpu.memref_slice %arg2[%dma_wait3A_484, %dma_wait3A_485] : memref<20000x128xf32, #tpu.memory_space<hbm>> -> memref<40x128xf32, #tpu.memory_space<hbm>>
      tpu.wait_dma2 semaphore(%arg44 : memref<!tpu.dma_semaphore, #tpu.memory_space<semaphore_mem>>) src(%dma_wait3A_486 : memref<40x128xf32, #tpu.memory_space<hbm>>) dst(%arg33 : memref<40x128xf32, #tpu.memory_space<vmem>>)
      tpu.wait_dma2 semaphore(%arg47 : memref<!tpu.dma_semaphore, #tpu.memory_space<semaphore_mem>>) src(%arg6 : memref<40x16xf32, #tpu.memory_space<hbm>>) dst(%arg35 : memref<40x16xf32, #tpu.memory_space<vmem>>)
      %dma_wait3A_487 = arith.constant 0 : i32
      %dma_wait3A_488 = arith.constant 0 : i32
      %dma_wait3A_489 = tpu.memref_slice %arg3[%dma_wait3A_487, %dma_wait3A_488] : memref<3x320000xi32, #tpu.memory_space<hbm>> -> memref<1x40xi32, #tpu.memory_space<hbm>>
      %dma_wait3A_490 = tpu.memref_squeeze %dma_wait3A_489 : memref<1x40xi32, #tpu.memory_space<hbm>> -> memref<40xi32, #tpu.memory_space<hbm>>
      %dma_wait3A_491 = arith.constant 0 : i32
      %dma_wait3A_492 = tpu.memref_slice %arg3[%dma_wait3A_487, %dma_wait3A_491] : memref<3x320000xi32, #tpu.memory_space<hbm>> -> memref<1x40xi32, #tpu.memory_space<hbm>>
      %dma_wait3A_493 = tpu.memref_squeeze %dma_wait3A_492 : memref<1x40xi32, #tpu.memory_space<hbm>> -> memref<40xi32, #tpu.memory_space<hbm>>
      tpu.wait_dma2 semaphore(%arg46 : memref<!tpu.dma_semaphore, #tpu.memory_space<semaphore_mem>>) src(%dma_wait3A_493 : memref<40xi32, #tpu.memory_space<hbm>>) dst(%arg10 : memref<40xi32, #tpu.memory_space<vmem>>)
      %dma_wait3A_494 = arith.constant 0 : i32
      %dma_wait3A_495 = arith.constant 0 : i32
      %dma_wait3A_496 = tpu.memref_slice %arg3[%dma_wait3A_494, %dma_wait3A_495] : memref<3x320000xi32, #tpu.memory_space<hbm>> -> memref<1x40xi32, #tpu.memory_space<hbm>>
      %dma_wait3A_497 = tpu.memref_squeeze %dma_wait3A_496 : memref<1x40xi32, #tpu.memory_space<hbm>> -> memref<40xi32, #tpu.memory_space<hbm>>
      %dma_wait3A_498 = arith.constant 0 : i32
      %dma_wait3A_499 = tpu.memref_slice %arg3[%dma_wait3A_494, %dma_wait3A_498] : memref<3x320000xi32, #tpu.memory_space<hbm>> -> memref<1x40xi32, #tpu.memory_space<hbm>>
      %dma_wait3A_500 = tpu.memref_squeeze %dma_wait3A_499 : memref<1x40xi32, #tpu.memory_space<hbm>> -> memref<40xi32, #tpu.memory_space<hbm>>
      tpu.wait_dma2 semaphore(%arg46 : memref<!tpu.dma_semaphore, #tpu.memory_space<semaphore_mem>>) src(%dma_wait3A_500 : memref<40xi32, #tpu.memory_space<hbm>>) dst(%arg20 : memref<40xi32, #tpu.memory_space<vmem>>)
      %dma_start3A_501 = arith.constant 0 : i32
      %dma_start3A_502 = arith.constant 0 : i32
      %dma_start3A_503 = tpu.memref_slice %arg2[%dma_start3A_501, %dma_start3A_502] : memref<20000x128xf32, #tpu.memory_space<hbm>> -> memref<20000x128xf32, #tpu.memory_space<hbm>>
      tpu.enqueue_indirect_dma source(%dma_start3A_503 : memref<20000x128xf32, #tpu.memory_space<hbm>>) target(%arg33 : memref<40x128xf32, #tpu.memory_space<vmem>>) offsets(%arg18 : memref<40xi32, #tpu.memory_space<vmem>>) semaphore(%arg39 : memref<!tpu.dma_semaphore, #tpu.memory_space<semaphore_mem>>)
      %mul3A_504 = arith.constant 10 : i32
      %mul3A_505 = arith.muli %scan3A_256, %mul3A_504 : i32
      %add3A_506 = arith.constant 4 : i32
      %add3A_507 = arith.addi %mul3A_505, %add3A_506 : i32
      %add3A_508 = arith.constant 7 : i32
      %add3A_509 = arith.addi %add3A_507, %add3A_508 : i32
      %min3A_510 = arith.constant 499 : i32
      %min3A_511 = arith.minsi %add3A_509, %min3A_510 : i32
      %mul3A_512 = arith.constant 40 : i32
      %mul3A_513 = arith.muli %min3A_511, %mul3A_512 : i32
      %add3A_514 = arith.addi %mul3A_2, %mul3A_513 : i32
      %dma_start3A_515 = tpu.memref_slice %arg3[%arg0, %add3A_514] : memref<3x320000xi32, #tpu.memory_space<hbm>> -> memref<1x40xi32, #tpu.memory_space<hbm>>
      %dma_start3A_516 = tpu.memref_squeeze %dma_start3A_515 : memref<1x40xi32, #tpu.memory_space<hbm>> -> memref<40xi32, #tpu.memory_space<hbm>>
      %dma_start3A_517 = tpu.memref_slice %arg3[%arg0, %add3A_514] : memref<3x320000xi32, #tpu.memory_space<hbm>> -> memref<1x40xi32, #tpu.memory_space<hbm>>
      %dma_start3A_518 = tpu.memref_squeeze %dma_start3A_517 : memref<1x40xi32, #tpu.memory_space<hbm>> -> memref<40xi32, #tpu.memory_space<hbm>>
      tpu.enqueue_dma source(%dma_start3A_518 : memref<40xi32, #tpu.memory_space<hbm>>) target(%arg11 : memref<40xi32, #tpu.memory_space<vmem>>) target_semaphore(%arg46 : memref<!tpu.dma_semaphore, #tpu.memory_space<semaphore_mem>>)
      %dma_start3A_519 = arith.constant 2 : i32
      %dma_start3A_520 = tpu.memref_slice %arg3[%dma_start3A_519, %add3A_514] : memref<3x320000xi32, #tpu.memory_space<hbm>> -> memref<1x40xi32, #tpu.memory_space<hbm>>
      %dma_start3A_521 = tpu.memref_squeeze %dma_start3A_520 : memref<1x40xi32, #tpu.memory_space<hbm>> -> memref<40xi32, #tpu.memory_space<hbm>>
      %dma_start3A_522 = tpu.memref_slice %arg3[%dma_start3A_519, %add3A_514] : memref<3x320000xi32, #tpu.memory_space<hbm>> -> memref<1x40xi32, #tpu.memory_space<hbm>>
      %dma_start3A_523 = tpu.memref_squeeze %dma_start3A_522 : memref<1x40xi32, #tpu.memory_space<hbm>> -> memref<40xi32, #tpu.memory_space<hbm>>
      tpu.enqueue_dma source(%dma_start3A_523 : memref<40xi32, #tpu.memory_space<hbm>>) target(%arg21 : memref<40xi32, #tpu.memory_space<vmem>>) target_semaphore(%arg46 : memref<!tpu.dma_semaphore, #tpu.memory_space<semaphore_mem>>)
      %dma_start3A_524 = arith.constant 0 : i32
      %dma_start3A_525 = arith.constant 0 : i32
      %dma_start3A_526 = tpu.memref_slice %arg8[%dma_start3A_524, %dma_start3A_525] : memref<10240x128xf32, #tpu.memory_space<vmem_shared>> -> memref<10240x128xf32, #tpu.memory_space<vmem_shared>>
      tpu.enqueue_indirect_dma source(%arg34 : memref<40x128xf32, #tpu.memory_space<vmem>>) target(%dma_start3A_526 : memref<10240x128xf32, #tpu.memory_space<vmem_shared>>) offsets(%arg24 : memref<40xi32, #tpu.memory_space<vmem>>) semaphore(%arg45 : memref<!tpu.dma_semaphore, #tpu.memory_space<semaphore_mem>>) {add = true}
      %dma_start3A_527 = arith.constant 0 : i32
      %dma_start3A_528 = arith.constant 0 : i32
      %dma_start3A_529 = tpu.memref_slice %arg9[%dma_start3A_527, %dma_start3A_528] : memref<10240x16xf32, #tpu.memory_space<vmem_shared>> -> memref<10240x16xf32, #tpu.memory_space<vmem_shared>>
      tpu.enqueue_indirect_dma source(%arg35 : memref<40x16xf32, #tpu.memory_space<vmem>>) target(%dma_start3A_529 : memref<10240x16xf32, #tpu.memory_space<vmem_shared>>) offsets(%arg24 : memref<40xi32, #tpu.memory_space<vmem>>) semaphore(%arg47 : memref<!tpu.dma_semaphore, #tpu.memory_space<semaphore_mem>>) {add = true}
      %dma_wait3A_530 = arith.constant 0 : i32
      %dma_wait3A_531 = arith.constant 0 : i32
      %dma_wait3A_532 = tpu.memref_slice %arg2[%dma_wait3A_530, %dma_wait3A_531] : memref<20000x128xf32, #tpu.memory_space<hbm>> -> memref<40x128xf32, #tpu.memory_space<hbm>>
      %dma_wait3A_533 = arith.constant 0 : i32
      %dma_wait3A_534 = arith.constant 0 : i32
      %dma_wait3A_535 = tpu.memref_slice %arg2[%dma_wait3A_533, %dma_wait3A_534] : memref<20000x128xf32, #tpu.memory_space<hbm>> -> memref<40x128xf32, #tpu.memory_space<hbm>>
      tpu.wait_dma2 semaphore(%arg36 : memref<!tpu.dma_semaphore, #tpu.memory_space<semaphore_mem>>) src(%dma_wait3A_535 : memref<40x128xf32, #tpu.memory_space<hbm>>) dst(%arg30 : memref<40x128xf32, #tpu.memory_space<vmem>>)
      %dma_wait3A_536 = arith.constant 0 : i32
      %dma_wait3A_537 = arith.constant 0 : i32
      %dma_wait3A_538 = tpu.memref_slice %arg2[%dma_wait3A_536, %dma_wait3A_537] : memref<20000x128xf32, #tpu.memory_space<hbm>> -> memref<40x128xf32, #tpu.memory_space<hbm>>
      %dma_wait3A_539 = arith.constant 0 : i32
      %dma_wait3A_540 = arith.constant 0 : i32
      %dma_wait3A_541 = tpu.memref_slice %arg2[%dma_wait3A_539, %dma_wait3A_540] : memref<20000x128xf32, #tpu.memory_space<hbm>> -> memref<40x128xf32, #tpu.memory_space<hbm>>
      tpu.wait_dma2 semaphore(%arg45 : memref<!tpu.dma_semaphore, #tpu.memory_space<semaphore_mem>>) src(%dma_wait3A_541 : memref<40x128xf32, #tpu.memory_space<hbm>>) dst(%arg34 : memref<40x128xf32, #tpu.memory_space<vmem>>)
      tpu.wait_dma2 semaphore(%arg47 : memref<!tpu.dma_semaphore, #tpu.memory_space<semaphore_mem>>) src(%arg6 : memref<40x16xf32, #tpu.memory_space<hbm>>) dst(%arg35 : memref<40x16xf32, #tpu.memory_space<vmem>>)
      %dma_wait3A_542 = arith.constant 0 : i32
      %dma_wait3A_543 = arith.constant 0 : i32
      %dma_wait3A_544 = tpu.memref_slice %arg3[%dma_wait3A_542, %dma_wait3A_543] : memref<3x320000xi32, #tpu.memory_space<hbm>> -> memref<1x40xi32, #tpu.memory_space<hbm>>
      %dma_wait3A_545 = tpu.memref_squeeze %dma_wait3A_544 : memref<1x40xi32, #tpu.memory_space<hbm>> -> memref<40xi32, #tpu.memory_space<hbm>>
      %dma_wait3A_546 = arith.constant 0 : i32
      %dma_wait3A_547 = tpu.memref_slice %arg3[%dma_wait3A_542, %dma_wait3A_546] : memref<3x320000xi32, #tpu.memory_space<hbm>> -> memref<1x40xi32, #tpu.memory_space<hbm>>
      %dma_wait3A_548 = tpu.memref_squeeze %dma_wait3A_547 : memref<1x40xi32, #tpu.memory_space<hbm>> -> memref<40xi32, #tpu.memory_space<hbm>>
      tpu.wait_dma2 semaphore(%arg46 : memref<!tpu.dma_semaphore, #tpu.memory_space<semaphore_mem>>) src(%dma_wait3A_548 : memref<40xi32, #tpu.memory_space<hbm>>) dst(%arg10 : memref<40xi32, #tpu.memory_space<vmem>>)
      %dma_wait3A_549 = arith.constant 0 : i32
      %dma_wait3A_550 = arith.constant 0 : i32
      %dma_wait3A_551 = tpu.memref_slice %arg3[%dma_wait3A_549, %dma_wait3A_550] : memref<3x320000xi32, #tpu.memory_space<hbm>> -> memref<1x40xi32, #tpu.memory_space<hbm>>
      %dma_wait3A_552 = tpu.memref_squeeze %dma_wait3A_551 : memref<1x40xi32, #tpu.memory_space<hbm>> -> memref<40xi32, #tpu.memory_space<hbm>>
      %dma_wait3A_553 = arith.constant 0 : i32
      %dma_wait3A_554 = tpu.memref_slice %arg3[%dma_wait3A_549, %dma_wait3A_553] : memref<3x320000xi32, #tpu.memory_space<hbm>> -> memref<1x40xi32, #tpu.memory_space<hbm>>
      %dma_wait3A_555 = tpu.memref_squeeze %dma_wait3A_554 : memref<1x40xi32, #tpu.memory_space<hbm>> -> memref<40xi32, #tpu.memory_space<hbm>>
      tpu.wait_dma2 semaphore(%arg46 : memref<!tpu.dma_semaphore, #tpu.memory_space<semaphore_mem>>) src(%dma_wait3A_555 : memref<40xi32, #tpu.memory_space<hbm>>) dst(%arg20 : memref<40xi32, #tpu.memory_space<vmem>>)
      %dma_start3A_556 = arith.constant 0 : i32
      %dma_start3A_557 = arith.constant 0 : i32
      %dma_start3A_558 = tpu.memref_slice %arg2[%dma_start3A_556, %dma_start3A_557] : memref<20000x128xf32, #tpu.memory_space<hbm>> -> memref<20000x128xf32, #tpu.memory_space<hbm>>
      tpu.enqueue_indirect_dma source(%dma_start3A_558 : memref<20000x128xf32, #tpu.memory_space<hbm>>) target(%arg34 : memref<40x128xf32, #tpu.memory_space<vmem>>) offsets(%arg19 : memref<40xi32, #tpu.memory_space<vmem>>) semaphore(%arg40 : memref<!tpu.dma_semaphore, #tpu.memory_space<semaphore_mem>>)
      %mul3A_559 = arith.constant 10 : i32
      %mul3A_560 = arith.muli %scan3A_256, %mul3A_559 : i32
      %add3A_561 = arith.constant 5 : i32
      %add3A_562 = arith.addi %mul3A_560, %add3A_561 : i32
      %add3A_563 = arith.constant 7 : i32
      %add3A_564 = arith.addi %add3A_562, %add3A_563 : i32
      %min3A_565 = arith.constant 499 : i32
      %min3A_566 = arith.minsi %add3A_564, %min3A_565 : i32
      %mul3A_567 = arith.constant 40 : i32
      %mul3A_568 = arith.muli %min3A_566, %mul3A_567 : i32
      %add3A_569 = arith.addi %mul3A_2, %mul3A_568 : i32
      %dma_start3A_570 = tpu.memref_slice %arg3[%arg0, %add3A_569] : memref<3x320000xi32, #tpu.memory_space<hbm>> -> memref<1x40xi32, #tpu.memory_space<hbm>>
      %dma_start3A_571 = tpu.memref_squeeze %dma_start3A_570 : memref<1x40xi32, #tpu.memory_space<hbm>> -> memref<40xi32, #tpu.memory_space<hbm>>
      %dma_start3A_572 = tpu.memref_slice %arg3[%arg0, %add3A_569] : memref<3x320000xi32, #tpu.memory_space<hbm>> -> memref<1x40xi32, #tpu.memory_space<hbm>>
      %dma_start3A_573 = tpu.memref_squeeze %dma_start3A_572 : memref<1x40xi32, #tpu.memory_space<hbm>> -> memref<40xi32, #tpu.memory_space<hbm>>
      tpu.enqueue_dma source(%dma_start3A_573 : memref<40xi32, #tpu.memory_space<hbm>>) target(%arg12 : memref<40xi32, #tpu.memory_space<vmem>>) target_semaphore(%arg46 : memref<!tpu.dma_semaphore, #tpu.memory_space<semaphore_mem>>)
      %dma_start3A_574 = arith.constant 2 : i32
      %dma_start3A_575 = tpu.memref_slice %arg3[%dma_start3A_574, %add3A_569] : memref<3x320000xi32, #tpu.memory_space<hbm>> -> memref<1x40xi32, #tpu.memory_space<hbm>>
      %dma_start3A_576 = tpu.memref_squeeze %dma_start3A_575 : memref<1x40xi32, #tpu.memory_space<hbm>> -> memref<40xi32, #tpu.memory_space<hbm>>
      %dma_start3A_577 = tpu.memref_slice %arg3[%dma_start3A_574, %add3A_569] : memref<3x320000xi32, #tpu.memory_space<hbm>> -> memref<1x40xi32, #tpu.memory_space<hbm>>
      %dma_start3A_578 = tpu.memref_squeeze %dma_start3A_577 : memref<1x40xi32, #tpu.memory_space<hbm>> -> memref<40xi32, #tpu.memory_space<hbm>>
      tpu.enqueue_dma source(%dma_start3A_578 : memref<40xi32, #tpu.memory_space<hbm>>) target(%arg22 : memref<40xi32, #tpu.memory_space<vmem>>) target_semaphore(%arg46 : memref<!tpu.dma_semaphore, #tpu.memory_space<semaphore_mem>>)
      %dma_start3A_579 = arith.constant 0 : i32
      %dma_start3A_580 = arith.constant 0 : i32
      %dma_start3A_581 = tpu.memref_slice %arg8[%dma_start3A_579, %dma_start3A_580] : memref<10240x128xf32, #tpu.memory_space<vmem_shared>> -> memref<10240x128xf32, #tpu.memory_space<vmem_shared>>
      tpu.enqueue_indirect_dma source(%arg30 : memref<40x128xf32, #tpu.memory_space<vmem>>) target(%dma_start3A_581 : memref<10240x128xf32, #tpu.memory_space<vmem_shared>>) offsets(%arg25 : memref<40xi32, #tpu.memory_space<vmem>>) semaphore(%arg41 : memref<!tpu.dma_semaphore, #tpu.memory_space<semaphore_mem>>) {add = true}
      %dma_start3A_582 = arith.constant 0 : i32
      %dma_start3A_583 = arith.constant 0 : i32
      %dma_start3A_584 = tpu.memref_slice %arg9[%dma_start3A_582, %dma_start3A_583] : memref<10240x16xf32, #tpu.memory_space<vmem_shared>> -> memref<10240x16xf32, #tpu.memory_space<vmem_shared>>
      tpu.enqueue_indirect_dma source(%arg35 : memref<40x16xf32, #tpu.memory_space<vmem>>) target(%dma_start3A_584 : memref<10240x16xf32, #tpu.memory_space<vmem_shared>>) offsets(%arg25 : memref<40xi32, #tpu.memory_space<vmem>>) semaphore(%arg47 : memref<!tpu.dma_semaphore, #tpu.memory_space<semaphore_mem>>) {add = true}
      %dma_wait3A_585 = arith.constant 0 : i32
      %dma_wait3A_586 = arith.constant 0 : i32
      %dma_wait3A_587 = tpu.memref_slice %arg2[%dma_wait3A_585, %dma_wait3A_586] : memref<20000x128xf32, #tpu.memory_space<hbm>> -> memref<40x128xf32, #tpu.memory_space<hbm>>
      %dma_wait3A_588 = arith.constant 0 : i32
      %dma_wait3A_589 = arith.constant 0 : i32
      %dma_wait3A_590 = tpu.memref_slice %arg2[%dma_wait3A_588, %dma_wait3A_589] : memref<20000x128xf32, #tpu.memory_space<hbm>> -> memref<40x128xf32, #tpu.memory_space<hbm>>
      tpu.wait_dma2 semaphore(%arg37 : memref<!tpu.dma_semaphore, #tpu.memory_space<semaphore_mem>>) src(%dma_wait3A_590 : memref<40x128xf32, #tpu.memory_space<hbm>>) dst(%arg31 : memref<40x128xf32, #tpu.memory_space<vmem>>)
      %dma_wait3A_591 = arith.constant 0 : i32
      %dma_wait3A_592 = arith.constant 0 : i32
      %dma_wait3A_593 = tpu.memref_slice %arg2[%dma_wait3A_591, %dma_wait3A_592] : memref<20000x128xf32, #tpu.memory_space<hbm>> -> memref<40x128xf32, #tpu.memory_space<hbm>>
      %dma_wait3A_594 = arith.constant 0 : i32
      %dma_wait3A_595 = arith.constant 0 : i32
      %dma_wait3A_596 = tpu.memref_slice %arg2[%dma_wait3A_594, %dma_wait3A_595] : memref<20000x128xf32, #tpu.memory_space<hbm>> -> memref<40x128xf32, #tpu.memory_space<hbm>>
      tpu.wait_dma2 semaphore(%arg41 : memref<!tpu.dma_semaphore, #tpu.memory_space<semaphore_mem>>) src(%dma_wait3A_596 : memref<40x128xf32, #tpu.memory_space<hbm>>) dst(%arg30 : memref<40x128xf32, #tpu.memory_space<vmem>>)
      tpu.wait_dma2 semaphore(%arg47 : memref<!tpu.dma_semaphore, #tpu.memory_space<semaphore_mem>>) src(%arg6 : memref<40x16xf32, #tpu.memory_space<hbm>>) dst(%arg35 : memref<40x16xf32, #tpu.memory_space<vmem>>)
      %dma_wait3A_597 = arith.constant 0 : i32
      %dma_wait3A_598 = arith.constant 0 : i32
      %dma_wait3A_599 = tpu.memref_slice %arg3[%dma_wait3A_597, %dma_wait3A_598] : memref<3x320000xi32, #tpu.memory_space<hbm>> -> memref<1x40xi32, #tpu.memory_space<hbm>>
      %dma_wait3A_600 = tpu.memref_squeeze %dma_wait3A_599 : memref<1x40xi32, #tpu.memory_space<hbm>> -> memref<40xi32, #tpu.memory_space<hbm>>
      %dma_wait3A_601 = arith.constant 0 : i32
      %dma_wait3A_602 = tpu.memref_slice %arg3[%dma_wait3A_597, %dma_wait3A_601] : memref<3x320000xi32, #tpu.memory_space<hbm>> -> memref<1x40xi32, #tpu.memory_space<hbm>>
      %dma_wait3A_603 = tpu.memref_squeeze %dma_wait3A_602 : memref<1x40xi32, #tpu.memory_space<hbm>> -> memref<40xi32, #tpu.memory_space<hbm>>
      tpu.wait_dma2 semaphore(%arg46 : memref<!tpu.dma_semaphore, #tpu.memory_space<semaphore_mem>>) src(%dma_wait3A_603 : memref<40xi32, #tpu.memory_space<hbm>>) dst(%arg10 : memref<40xi32, #tpu.memory_space<vmem>>)
      %dma_wait3A_604 = arith.constant 0 : i32
      %dma_wait3A_605 = arith.constant 0 : i32
      %dma_wait3A_606 = tpu.memref_slice %arg3[%dma_wait3A_604, %dma_wait3A_605] : memref<3x320000xi32, #tpu.memory_space<hbm>> -> memref<1x40xi32, #tpu.memory_space<hbm>>
      %dma_wait3A_607 = tpu.memref_squeeze %dma_wait3A_606 : memref<1x40xi32, #tpu.memory_space<hbm>> -> memref<40xi32, #tpu.memory_space<hbm>>
      %dma_wait3A_608 = arith.constant 0 : i32
      %dma_wait3A_609 = tpu.memref_slice %arg3[%dma_wait3A_604, %dma_wait3A_608] : memref<3x320000xi32, #tpu.memory_space<hbm>> -> memref<1x40xi32, #tpu.memory_space<hbm>>
      %dma_wait3A_610 = tpu.memref_squeeze %dma_wait3A_609 : memref<1x40xi32, #tpu.memory_space<hbm>> -> memref<40xi32, #tpu.memory_space<hbm>>
      tpu.wait_dma2 semaphore(%arg46 : memref<!tpu.dma_semaphore, #tpu.memory_space<semaphore_mem>>) src(%dma_wait3A_610 : memref<40xi32, #tpu.memory_space<hbm>>) dst(%arg20 : memref<40xi32, #tpu.memory_space<vmem>>)
      %dma_start3A_611 = arith.constant 0 : i32
      %dma_start3A_612 = arith.constant 0 : i32
      %dma_start3A_613 = tpu.memref_slice %arg2[%dma_start3A_611, %dma_start3A_612] : memref<20000x128xf32, #tpu.memory_space<hbm>> -> memref<20000x128xf32, #tpu.memory_space<hbm>>
      tpu.enqueue_indirect_dma source(%dma_start3A_613 : memref<20000x128xf32, #tpu.memory_space<hbm>>) target(%arg30 : memref<40x128xf32, #tpu.memory_space<vmem>>) offsets(%arg10 : memref<40xi32, #tpu.memory_space<vmem>>) semaphore(%arg36 : memref<!tpu.dma_semaphore, #tpu.memory_space<semaphore_mem>>)
      %mul3A_614 = arith.constant 10 : i32
      %mul3A_615 = arith.muli %scan3A_256, %mul3A_614 : i32
      %add3A_616 = arith.constant 6 : i32
      %add3A_617 = arith.addi %mul3A_615, %add3A_616 : i32
      %add3A_618 = arith.constant 7 : i32
      %add3A_619 = arith.addi %add3A_617, %add3A_618 : i32
      %min3A_620 = arith.constant 499 : i32
      %min3A_621 = arith.minsi %add3A_619, %min3A_620 : i32
      %mul3A_622 = arith.constant 40 : i32
      %mul3A_623 = arith.muli %min3A_621, %mul3A_622 : i32
      %add3A_624 = arith.addi %mul3A_2, %mul3A_623 : i32
      %dma_start3A_625 = tpu.memref_slice %arg3[%arg0, %add3A_624] : memref<3x320000xi32, #tpu.memory_space<hbm>> -> memref<1x40xi32, #tpu.memory_space<hbm>>
      %dma_start3A_626 = tpu.memref_squeeze %dma_start3A_625 : memref<1x40xi32, #tpu.memory_space<hbm>> -> memref<40xi32, #tpu.memory_space<hbm>>
      %dma_start3A_627 = tpu.memref_slice %arg3[%arg0, %add3A_624] : memref<3x320000xi32, #tpu.memory_space<hbm>> -> memref<1x40xi32, #tpu.memory_space<hbm>>
      %dma_start3A_628 = tpu.memref_squeeze %dma_start3A_627 : memref<1x40xi32, #tpu.memory_space<hbm>> -> memref<40xi32, #tpu.memory_space<hbm>>
      tpu.enqueue_dma source(%dma_start3A_628 : memref<40xi32, #tpu.memory_space<hbm>>) target(%arg13 : memref<40xi32, #tpu.memory_space<vmem>>) target_semaphore(%arg46 : memref<!tpu.dma_semaphore, #tpu.memory_space<semaphore_mem>>)
      %dma_start3A_629 = arith.constant 2 : i32
      %dma_start3A_630 = tpu.memref_slice %arg3[%dma_start3A_629, %add3A_624] : memref<3x320000xi32, #tpu.memory_space<hbm>> -> memref<1x40xi32, #tpu.memory_space<hbm>>
      %dma_start3A_631 = tpu.memref_squeeze %dma_start3A_630 : memref<1x40xi32, #tpu.memory_space<hbm>> -> memref<40xi32, #tpu.memory_space<hbm>>
      %dma_start3A_632 = tpu.memref_slice %arg3[%dma_start3A_629, %add3A_624] : memref<3x320000xi32, #tpu.memory_space<hbm>> -> memref<1x40xi32, #tpu.memory_space<hbm>>
      %dma_start3A_633 = tpu.memref_squeeze %dma_start3A_632 : memref<1x40xi32, #tpu.memory_space<hbm>> -> memref<40xi32, #tpu.memory_space<hbm>>
      tpu.enqueue_dma source(%dma_start3A_633 : memref<40xi32, #tpu.memory_space<hbm>>) target(%arg23 : memref<40xi32, #tpu.memory_space<vmem>>) target_semaphore(%arg46 : memref<!tpu.dma_semaphore, #tpu.memory_space<semaphore_mem>>)
      %dma_start3A_634 = arith.constant 0 : i32
      %dma_start3A_635 = arith.constant 0 : i32
      %dma_start3A_636 = tpu.memref_slice %arg8[%dma_start3A_634, %dma_start3A_635] : memref<10240x128xf32, #tpu.memory_space<vmem_shared>> -> memref<10240x128xf32, #tpu.memory_space<vmem_shared>>
      tpu.enqueue_indirect_dma source(%arg31 : memref<40x128xf32, #tpu.memory_space<vmem>>) target(%dma_start3A_636 : memref<10240x128xf32, #tpu.memory_space<vmem_shared>>) offsets(%arg26 : memref<40xi32, #tpu.memory_space<vmem>>) semaphore(%arg42 : memref<!tpu.dma_semaphore, #tpu.memory_space<semaphore_mem>>) {add = true}
      %dma_start3A_637 = arith.constant 0 : i32
      %dma_start3A_638 = arith.constant 0 : i32
      %dma_start3A_639 = tpu.memref_slice %arg9[%dma_start3A_637, %dma_start3A_638] : memref<10240x16xf32, #tpu.memory_space<vmem_shared>> -> memref<10240x16xf32, #tpu.memory_space<vmem_shared>>
      tpu.enqueue_indirect_dma source(%arg35 : memref<40x16xf32, #tpu.memory_space<vmem>>) target(%dma_start3A_639 : memref<10240x16xf32, #tpu.memory_space<vmem_shared>>) offsets(%arg26 : memref<40xi32, #tpu.memory_space<vmem>>) semaphore(%arg47 : memref<!tpu.dma_semaphore, #tpu.memory_space<semaphore_mem>>) {add = true}
      %dma_wait3A_640 = arith.constant 0 : i32
      %dma_wait3A_641 = arith.constant 0 : i32
      %dma_wait3A_642 = tpu.memref_slice %arg2[%dma_wait3A_640, %dma_wait3A_641] : memref<20000x128xf32, #tpu.memory_space<hbm>> -> memref<40x128xf32, #tpu.memory_space<hbm>>
      %dma_wait3A_643 = arith.constant 0 : i32
      %dma_wait3A_644 = arith.constant 0 : i32
      %dma_wait3A_645 = tpu.memref_slice %arg2[%dma_wait3A_643, %dma_wait3A_644] : memref<20000x128xf32, #tpu.memory_space<hbm>> -> memref<40x128xf32, #tpu.memory_space<hbm>>
      tpu.wait_dma2 semaphore(%arg38 : memref<!tpu.dma_semaphore, #tpu.memory_space<semaphore_mem>>) src(%dma_wait3A_645 : memref<40x128xf32, #tpu.memory_space<hbm>>) dst(%arg32 : memref<40x128xf32, #tpu.memory_space<vmem>>)
      %dma_wait3A_646 = arith.constant 0 : i32
      %dma_wait3A_647 = arith.constant 0 : i32
      %dma_wait3A_648 = tpu.memref_slice %arg2[%dma_wait3A_646, %dma_wait3A_647] : memref<20000x128xf32, #tpu.memory_space<hbm>> -> memref<40x128xf32, #tpu.memory_space<hbm>>
      %dma_wait3A_649 = arith.constant 0 : i32
      %dma_wait3A_650 = arith.constant 0 : i32
      %dma_wait3A_651 = tpu.memref_slice %arg2[%dma_wait3A_649, %dma_wait3A_650] : memref<20000x128xf32, #tpu.memory_space<hbm>> -> memref<40x128xf32, #tpu.memory_space<hbm>>
      tpu.wait_dma2 semaphore(%arg42 : memref<!tpu.dma_semaphore, #tpu.memory_space<semaphore_mem>>) src(%dma_wait3A_651 : memref<40x128xf32, #tpu.memory_space<hbm>>) dst(%arg31 : memref<40x128xf32, #tpu.memory_space<vmem>>)
      tpu.wait_dma2 semaphore(%arg47 : memref<!tpu.dma_semaphore, #tpu.memory_space<semaphore_mem>>) src(%arg6 : memref<40x16xf32, #tpu.memory_space<hbm>>) dst(%arg35 : memref<40x16xf32, #tpu.memory_space<vmem>>)
      %dma_wait3A_652 = arith.constant 0 : i32
      %dma_wait3A_653 = arith.constant 0 : i32
      %dma_wait3A_654 = tpu.memref_slice %arg3[%dma_wait3A_652, %dma_wait3A_653] : memref<3x320000xi32, #tpu.memory_space<hbm>> -> memref<1x40xi32, #tpu.memory_space<hbm>>
      %dma_wait3A_655 = tpu.memref_squeeze %dma_wait3A_654 : memref<1x40xi32, #tpu.memory_space<hbm>> -> memref<40xi32, #tpu.memory_space<hbm>>
      %dma_wait3A_656 = arith.constant 0 : i32
      %dma_wait3A_657 = tpu.memref_slice %arg3[%dma_wait3A_652, %dma_wait3A_656] : memref<3x320000xi32, #tpu.memory_space<hbm>> -> memref<1x40xi32, #tpu.memory_space<hbm>>
      %dma_wait3A_658 = tpu.memref_squeeze %dma_wait3A_657 : memref<1x40xi32, #tpu.memory_space<hbm>> -> memref<40xi32, #tpu.memory_space<hbm>>
      tpu.wait_dma2 semaphore(%arg46 : memref<!tpu.dma_semaphore, #tpu.memory_space<semaphore_mem>>) src(%dma_wait3A_658 : memref<40xi32, #tpu.memory_space<hbm>>) dst(%arg10 : memref<40xi32, #tpu.memory_space<vmem>>)
      %dma_wait3A_659 = arith.constant 0 : i32
      %dma_wait3A_660 = arith.constant 0 : i32
      %dma_wait3A_661 = tpu.memref_slice %arg3[%dma_wait3A_659, %dma_wait3A_660] : memref<3x320000xi32, #tpu.memory_space<hbm>> -> memref<1x40xi32, #tpu.memory_space<hbm>>
      %dma_wait3A_662 = tpu.memref_squeeze %dma_wait3A_661 : memref<1x40xi32, #tpu.memory_space<hbm>> -> memref<40xi32, #tpu.memory_space<hbm>>
      %dma_wait3A_663 = arith.constant 0 : i32
      %dma_wait3A_664 = tpu.memref_slice %arg3[%dma_wait3A_659, %dma_wait3A_663] : memref<3x320000xi32, #tpu.memory_space<hbm>> -> memref<1x40xi32, #tpu.memory_space<hbm>>
      %dma_wait3A_665 = tpu.memref_squeeze %dma_wait3A_664 : memref<1x40xi32, #tpu.memory_space<hbm>> -> memref<40xi32, #tpu.memory_space<hbm>>
      tpu.wait_dma2 semaphore(%arg46 : memref<!tpu.dma_semaphore, #tpu.memory_space<semaphore_mem>>) src(%dma_wait3A_665 : memref<40xi32, #tpu.memory_space<hbm>>) dst(%arg20 : memref<40xi32, #tpu.memory_space<vmem>>)
      %dma_start3A_666 = arith.constant 0 : i32
      %dma_start3A_667 = arith.constant 0 : i32
      %dma_start3A_668 = tpu.memref_slice %arg2[%dma_start3A_666, %dma_start3A_667] : memref<20000x128xf32, #tpu.memory_space<hbm>> -> memref<20000x128xf32, #tpu.memory_space<hbm>>
      tpu.enqueue_indirect_dma source(%dma_start3A_668 : memref<20000x128xf32, #tpu.memory_space<hbm>>) target(%arg31 : memref<40x128xf32, #tpu.memory_space<vmem>>) offsets(%arg11 : memref<40xi32, #tpu.memory_space<vmem>>) semaphore(%arg37 : memref<!tpu.dma_semaphore, #tpu.memory_space<semaphore_mem>>)
      %mul3A_669 = arith.constant 10 : i32
      %mul3A_670 = arith.muli %scan3A_256, %mul3A_669 : i32
      %add3A_671 = arith.constant 7 : i32
      %add3A_672 = arith.addi %mul3A_670, %add3A_671 : i32
      %add3A_673 = arith.constant 7 : i32
      %add3A_674 = arith.addi %add3A_672, %add3A_673 : i32
      %min3A_675 = arith.constant 499 : i32
      %min3A_676 = arith.minsi %add3A_674, %min3A_675 : i32
      %mul3A_677 = arith.constant 40 : i32
      %mul3A_678 = arith.muli %min3A_676, %mul3A_677 : i32
      %add3A_679 = arith.addi %mul3A_2, %mul3A_678 : i32
      %dma_start3A_680 = tpu.memref_slice %arg3[%arg0, %add3A_679] : memref<3x320000xi32, #tpu.memory_space<hbm>> -> memref<1x40xi32, #tpu.memory_space<hbm>>
      %dma_start3A_681 = tpu.memref_squeeze %dma_start3A_680 : memref<1x40xi32, #tpu.memory_space<hbm>> -> memref<40xi32, #tpu.memory_space<hbm>>
      %dma_start3A_682 = tpu.memref_slice %arg3[%arg0, %add3A_679] : memref<3x320000xi32, #tpu.memory_space<hbm>> -> memref<1x40xi32, #tpu.memory_space<hbm>>
      %dma_start3A_683 = tpu.memref_squeeze %dma_start3A_682 : memref<1x40xi32, #tpu.memory_space<hbm>> -> memref<40xi32, #tpu.memory_space<hbm>>
      tpu.enqueue_dma source(%dma_start3A_683 : memref<40xi32, #tpu.memory_space<hbm>>) target(%arg14 : memref<40xi32, #tpu.memory_space<vmem>>) target_semaphore(%arg46 : memref<!tpu.dma_semaphore, #tpu.memory_space<semaphore_mem>>)
      %dma_start3A_684 = arith.constant 2 : i32
      %dma_start3A_685 = tpu.memref_slice %arg3[%dma_start3A_684, %add3A_679] : memref<3x320000xi32, #tpu.memory_space<hbm>> -> memref<1x40xi32, #tpu.memory_space<hbm>>
      %dma_start3A_686 = tpu.memref_squeeze %dma_start3A_685 : memref<1x40xi32, #tpu.memory_space<hbm>> -> memref<40xi32, #tpu.memory_space<hbm>>
      %dma_start3A_687 = tpu.memref_slice %arg3[%dma_start3A_684, %add3A_679] : memref<3x320000xi32, #tpu.memory_space<hbm>> -> memref<1x40xi32, #tpu.memory_space<hbm>>
      %dma_start3A_688 = tpu.memref_squeeze %dma_start3A_687 : memref<1x40xi32, #tpu.memory_space<hbm>> -> memref<40xi32, #tpu.memory_space<hbm>>
      tpu.enqueue_dma source(%dma_start3A_688 : memref<40xi32, #tpu.memory_space<hbm>>) target(%arg24 : memref<40xi32, #tpu.memory_space<vmem>>) target_semaphore(%arg46 : memref<!tpu.dma_semaphore, #tpu.memory_space<semaphore_mem>>)
      %dma_start3A_689 = arith.constant 0 : i32
      %dma_start3A_690 = arith.constant 0 : i32
      %dma_start3A_691 = tpu.memref_slice %arg8[%dma_start3A_689, %dma_start3A_690] : memref<10240x128xf32, #tpu.memory_space<vmem_shared>> -> memref<10240x128xf32, #tpu.memory_space<vmem_shared>>
      tpu.enqueue_indirect_dma source(%arg32 : memref<40x128xf32, #tpu.memory_space<vmem>>) target(%dma_start3A_691 : memref<10240x128xf32, #tpu.memory_space<vmem_shared>>) offsets(%arg27 : memref<40xi32, #tpu.memory_space<vmem>>) semaphore(%arg43 : memref<!tpu.dma_semaphore, #tpu.memory_space<semaphore_mem>>) {add = true}
      %dma_start3A_692 = arith.constant 0 : i32
      %dma_start3A_693 = arith.constant 0 : i32
      %dma_start3A_694 = tpu.memref_slice %arg9[%dma_start3A_692, %dma_start3A_693] : memref<10240x16xf32, #tpu.memory_space<vmem_shared>> -> memref<10240x16xf32, #tpu.memory_space<vmem_shared>>
      tpu.enqueue_indirect_dma source(%arg35 : memref<40x16xf32, #tpu.memory_space<vmem>>) target(%dma_start3A_694 : memref<10240x16xf32, #tpu.memory_space<vmem_shared>>) offsets(%arg27 : memref<40xi32, #tpu.memory_space<vmem>>) semaphore(%arg47 : memref<!tpu.dma_semaphore, #tpu.memory_space<semaphore_mem>>) {add = true}
      %dma_wait3A_695 = arith.constant 0 : i32
      %dma_wait3A_696 = arith.constant 0 : i32
      %dma_wait3A_697 = tpu.memref_slice %arg2[%dma_wait3A_695, %dma_wait3A_696] : memref<20000x128xf32, #tpu.memory_space<hbm>> -> memref<40x128xf32, #tpu.memory_space<hbm>>
      %dma_wait3A_698 = arith.constant 0 : i32
      %dma_wait3A_699 = arith.constant 0 : i32
      %dma_wait3A_700 = tpu.memref_slice %arg2[%dma_wait3A_698, %dma_wait3A_699] : memref<20000x128xf32, #tpu.memory_space<hbm>> -> memref<40x128xf32, #tpu.memory_space<hbm>>
      tpu.wait_dma2 semaphore(%arg39 : memref<!tpu.dma_semaphore, #tpu.memory_space<semaphore_mem>>) src(%dma_wait3A_700 : memref<40x128xf32, #tpu.memory_space<hbm>>) dst(%arg33 : memref<40x128xf32, #tpu.memory_space<vmem>>)
      %dma_wait3A_701 = arith.constant 0 : i32
      %dma_wait3A_702 = arith.constant 0 : i32
      %dma_wait3A_703 = tpu.memref_slice %arg2[%dma_wait3A_701, %dma_wait3A_702] : memref<20000x128xf32, #tpu.memory_space<hbm>> -> memref<40x128xf32, #tpu.memory_space<hbm>>
      %dma_wait3A_704 = arith.constant 0 : i32
      %dma_wait3A_705 = arith.constant 0 : i32
      %dma_wait3A_706 = tpu.memref_slice %arg2[%dma_wait3A_704, %dma_wait3A_705] : memref<20000x128xf32, #tpu.memory_space<hbm>> -> memref<40x128xf32, #tpu.memory_space<hbm>>
      tpu.wait_dma2 semaphore(%arg43 : memref<!tpu.dma_semaphore, #tpu.memory_space<semaphore_mem>>) src(%dma_wait3A_706 : memref<40x128xf32, #tpu.memory_space<hbm>>) dst(%arg32 : memref<40x128xf32, #tpu.memory_space<vmem>>)
      tpu.wait_dma2 semaphore(%arg47 : memref<!tpu.dma_semaphore, #tpu.memory_space<semaphore_mem>>) src(%arg6 : memref<40x16xf32, #tpu.memory_space<hbm>>) dst(%arg35 : memref<40x16xf32, #tpu.memory_space<vmem>>)
      %dma_wait3A_707 = arith.constant 0 : i32
      %dma_wait3A_708 = arith.constant 0 : i32
      %dma_wait3A_709 = tpu.memref_slice %arg3[%dma_wait3A_707, %dma_wait3A_708] : memref<3x320000xi32, #tpu.memory_space<hbm>> -> memref<1x40xi32, #tpu.memory_space<hbm>>
      %dma_wait3A_710 = tpu.memref_squeeze %dma_wait3A_709 : memref<1x40xi32, #tpu.memory_space<hbm>> -> memref<40xi32, #tpu.memory_space<hbm>>
      %dma_wait3A_711 = arith.constant 0 : i32
      %dma_wait3A_712 = tpu.memref_slice %arg3[%dma_wait3A_707, %dma_wait3A_711] : memref<3x320000xi32, #tpu.memory_space<hbm>> -> memref<1x40xi32, #tpu.memory_space<hbm>>
      %dma_wait3A_713 = tpu.memref_squeeze %dma_wait3A_712 : memref<1x40xi32, #tpu.memory_space<hbm>> -> memref<40xi32, #tpu.memory_space<hbm>>
      tpu.wait_dma2 semaphore(%arg46 : memref<!tpu.dma_semaphore, #tpu.memory_space<semaphore_mem>>) src(%dma_wait3A_713 : memref<40xi32, #tpu.memory_space<hbm>>) dst(%arg10 : memref<40xi32, #tpu.memory_space<vmem>>)
      %dma_wait3A_714 = arith.constant 0 : i32
      %dma_wait3A_715 = arith.constant 0 : i32
      %dma_wait3A_716 = tpu.memref_slice %arg3[%dma_wait3A_714, %dma_wait3A_715] : memref<3x320000xi32, #tpu.memory_space<hbm>> -> memref<1x40xi32, #tpu.memory_space<hbm>>
      %dma_wait3A_717 = tpu.memref_squeeze %dma_wait3A_716 : memref<1x40xi32, #tpu.memory_space<hbm>> -> memref<40xi32, #tpu.memory_space<hbm>>
      %dma_wait3A_718 = arith.constant 0 : i32
      %dma_wait3A_719 = tpu.memref_slice %arg3[%dma_wait3A_714, %dma_wait3A_718] : memref<3x320000xi32, #tpu.memory_space<hbm>> -> memref<1x40xi32, #tpu.memory_space<hbm>>
      %dma_wait3A_720 = tpu.memref_squeeze %dma_wait3A_719 : memref<1x40xi32, #tpu.memory_space<hbm>> -> memref<40xi32, #tpu.memory_space<hbm>>
      tpu.wait_dma2 semaphore(%arg46 : memref<!tpu.dma_semaphore, #tpu.memory_space<semaphore_mem>>) src(%dma_wait3A_720 : memref<40xi32, #tpu.memory_space<hbm>>) dst(%arg20 : memref<40xi32, #tpu.memory_space<vmem>>)
      %dma_start3A_721 = arith.constant 0 : i32
      %dma_start3A_722 = arith.constant 0 : i32
      %dma_start3A_723 = tpu.memref_slice %arg2[%dma_start3A_721, %dma_start3A_722] : memref<20000x128xf32, #tpu.memory_space<hbm>> -> memref<20000x128xf32, #tpu.memory_space<hbm>>
      tpu.enqueue_indirect_dma source(%dma_start3A_723 : memref<20000x128xf32, #tpu.memory_space<hbm>>) target(%arg32 : memref<40x128xf32, #tpu.memory_space<vmem>>) offsets(%arg12 : memref<40xi32, #tpu.memory_space<vmem>>) semaphore(%arg38 : memref<!tpu.dma_semaphore, #tpu.memory_space<semaphore_mem>>)
      %mul3A_724 = arith.constant 10 : i32
      %mul3A_725 = arith.muli %scan3A_256, %mul3A_724 : i32
      %add3A_726 = arith.constant 8 : i32
      %add3A_727 = arith.addi %mul3A_725, %add3A_726 : i32
      %add3A_728 = arith.constant 7 : i32
      %add3A_729 = arith.addi %add3A_727, %add3A_728 : i32
      %min3A_730 = arith.constant 499 : i32
      %min3A_731 = arith.minsi %add3A_729, %min3A_730 : i32
      %mul3A_732 = arith.constant 40 : i32
      %mul3A_733 = arith.muli %min3A_731, %mul3A_732 : i32
      %add3A_734 = arith.addi %mul3A_2, %mul3A_733 : i32
      %dma_start3A_735 = tpu.memref_slice %arg3[%arg0, %add3A_734] : memref<3x320000xi32, #tpu.memory_space<hbm>> -> memref<1x40xi32, #tpu.memory_space<hbm>>
      %dma_start3A_736 = tpu.memref_squeeze %dma_start3A_735 : memref<1x40xi32, #tpu.memory_space<hbm>> -> memref<40xi32, #tpu.memory_space<hbm>>
      %dma_start3A_737 = tpu.memref_slice %arg3[%arg0, %add3A_734] : memref<3x320000xi32, #tpu.memory_space<hbm>> -> memref<1x40xi32, #tpu.memory_space<hbm>>
      %dma_start3A_738 = tpu.memref_squeeze %dma_start3A_737 : memref<1x40xi32, #tpu.memory_space<hbm>> -> memref<40xi32, #tpu.memory_space<hbm>>
      tpu.enqueue_dma source(%dma_start3A_738 : memref<40xi32, #tpu.memory_space<hbm>>) target(%arg15 : memref<40xi32, #tpu.memory_space<vmem>>) target_semaphore(%arg46 : memref<!tpu.dma_semaphore, #tpu.memory_space<semaphore_mem>>)
      %dma_start3A_739 = arith.constant 2 : i32
      %dma_start3A_740 = tpu.memref_slice %arg3[%dma_start3A_739, %add3A_734] : memref<3x320000xi32, #tpu.memory_space<hbm>> -> memref<1x40xi32, #tpu.memory_space<hbm>>
      %dma_start3A_741 = tpu.memref_squeeze %dma_start3A_740 : memref<1x40xi32, #tpu.memory_space<hbm>> -> memref<40xi32, #tpu.memory_space<hbm>>
      %dma_start3A_742 = tpu.memref_slice %arg3[%dma_start3A_739, %add3A_734] : memref<3x320000xi32, #tpu.memory_space<hbm>> -> memref<1x40xi32, #tpu.memory_space<hbm>>
      %dma_start3A_743 = tpu.memref_squeeze %dma_start3A_742 : memref<1x40xi32, #tpu.memory_space<hbm>> -> memref<40xi32, #tpu.memory_space<hbm>>
      tpu.enqueue_dma source(%dma_start3A_743 : memref<40xi32, #tpu.memory_space<hbm>>) target(%arg25 : memref<40xi32, #tpu.memory_space<vmem>>) target_semaphore(%arg46 : memref<!tpu.dma_semaphore, #tpu.memory_space<semaphore_mem>>)
      %dma_start3A_744 = arith.constant 0 : i32
      %dma_start3A_745 = arith.constant 0 : i32
      %dma_start3A_746 = tpu.memref_slice %arg8[%dma_start3A_744, %dma_start3A_745] : memref<10240x128xf32, #tpu.memory_space<vmem_shared>> -> memref<10240x128xf32, #tpu.memory_space<vmem_shared>>
      tpu.enqueue_indirect_dma source(%arg33 : memref<40x128xf32, #tpu.memory_space<vmem>>) target(%dma_start3A_746 : memref<10240x128xf32, #tpu.memory_space<vmem_shared>>) offsets(%arg28 : memref<40xi32, #tpu.memory_space<vmem>>) semaphore(%arg44 : memref<!tpu.dma_semaphore, #tpu.memory_space<semaphore_mem>>) {add = true}
      %dma_start3A_747 = arith.constant 0 : i32
      %dma_start3A_748 = arith.constant 0 : i32
      %dma_start3A_749 = tpu.memref_slice %arg9[%dma_start3A_747, %dma_start3A_748] : memref<10240x16xf32, #tpu.memory_space<vmem_shared>> -> memref<10240x16xf32, #tpu.memory_space<vmem_shared>>
      tpu.enqueue_indirect_dma source(%arg35 : memref<40x16xf32, #tpu.memory_space<vmem>>) target(%dma_start3A_749 : memref<10240x16xf32, #tpu.memory_space<vmem_shared>>) offsets(%arg28 : memref<40xi32, #tpu.memory_space<vmem>>) semaphore(%arg47 : memref<!tpu.dma_semaphore, #tpu.memory_space<semaphore_mem>>) {add = true}
      %dma_wait3A_750 = arith.constant 0 : i32
      %dma_wait3A_751 = arith.constant 0 : i32
      %dma_wait3A_752 = tpu.memref_slice %arg2[%dma_wait3A_750, %dma_wait3A_751] : memref<20000x128xf32, #tpu.memory_space<hbm>> -> memref<40x128xf32, #tpu.memory_space<hbm>>
      %dma_wait3A_753 = arith.constant 0 : i32
      %dma_wait3A_754 = arith.constant 0 : i32
      %dma_wait3A_755 = tpu.memref_slice %arg2[%dma_wait3A_753, %dma_wait3A_754] : memref<20000x128xf32, #tpu.memory_space<hbm>> -> memref<40x128xf32, #tpu.memory_space<hbm>>
      tpu.wait_dma2 semaphore(%arg40 : memref<!tpu.dma_semaphore, #tpu.memory_space<semaphore_mem>>) src(%dma_wait3A_755 : memref<40x128xf32, #tpu.memory_space<hbm>>) dst(%arg34 : memref<40x128xf32, #tpu.memory_space<vmem>>)
      %dma_wait3A_756 = arith.constant 0 : i32
      %dma_wait3A_757 = arith.constant 0 : i32
      %dma_wait3A_758 = tpu.memref_slice %arg2[%dma_wait3A_756, %dma_wait3A_757] : memref<20000x128xf32, #tpu.memory_space<hbm>> -> memref<40x128xf32, #tpu.memory_space<hbm>>
      %dma_wait3A_759 = arith.constant 0 : i32
      %dma_wait3A_760 = arith.constant 0 : i32
      %dma_wait3A_761 = tpu.memref_slice %arg2[%dma_wait3A_759, %dma_wait3A_760] : memref<20000x128xf32, #tpu.memory_space<hbm>> -> memref<40x128xf32, #tpu.memory_space<hbm>>
      tpu.wait_dma2 semaphore(%arg44 : memref<!tpu.dma_semaphore, #tpu.memory_space<semaphore_mem>>) src(%dma_wait3A_761 : memref<40x128xf32, #tpu.memory_space<hbm>>) dst(%arg33 : memref<40x128xf32, #tpu.memory_space<vmem>>)
      tpu.wait_dma2 semaphore(%arg47 : memref<!tpu.dma_semaphore, #tpu.memory_space<semaphore_mem>>) src(%arg6 : memref<40x16xf32, #tpu.memory_space<hbm>>) dst(%arg35 : memref<40x16xf32, #tpu.memory_space<vmem>>)
      %dma_wait3A_762 = arith.constant 0 : i32
      %dma_wait3A_763 = arith.constant 0 : i32
      %dma_wait3A_764 = tpu.memref_slice %arg3[%dma_wait3A_762, %dma_wait3A_763] : memref<3x320000xi32, #tpu.memory_space<hbm>> -> memref<1x40xi32, #tpu.memory_space<hbm>>
      %dma_wait3A_765 = tpu.memref_squeeze %dma_wait3A_764 : memref<1x40xi32, #tpu.memory_space<hbm>> -> memref<40xi32, #tpu.memory_space<hbm>>
      %dma_wait3A_766 = arith.constant 0 : i32
      %dma_wait3A_767 = tpu.memref_slice %arg3[%dma_wait3A_762, %dma_wait3A_766] : memref<3x320000xi32, #tpu.memory_space<hbm>> -> memref<1x40xi32, #tpu.memory_space<hbm>>
      %dma_wait3A_768 = tpu.memref_squeeze %dma_wait3A_767 : memref<1x40xi32, #tpu.memory_space<hbm>> -> memref<40xi32, #tpu.memory_space<hbm>>
      tpu.wait_dma2 semaphore(%arg46 : memref<!tpu.dma_semaphore, #tpu.memory_space<semaphore_mem>>) src(%dma_wait3A_768 : memref<40xi32, #tpu.memory_space<hbm>>) dst(%arg10 : memref<40xi32, #tpu.memory_space<vmem>>)
      %dma_wait3A_769 = arith.constant 0 : i32
      %dma_wait3A_770 = arith.constant 0 : i32
      %dma_wait3A_771 = tpu.memref_slice %arg3[%dma_wait3A_769, %dma_wait3A_770] : memref<3x320000xi32, #tpu.memory_space<hbm>> -> memref<1x40xi32, #tpu.memory_space<hbm>>
      %dma_wait3A_772 = tpu.memref_squeeze %dma_wait3A_771 : memref<1x40xi32, #tpu.memory_space<hbm>> -> memref<40xi32, #tpu.memory_space<hbm>>
      %dma_wait3A_773 = arith.constant 0 : i32
      %dma_wait3A_774 = tpu.memref_slice %arg3[%dma_wait3A_769, %dma_wait3A_773] : memref<3x320000xi32, #tpu.memory_space<hbm>> -> memref<1x40xi32, #tpu.memory_space<hbm>>
      %dma_wait3A_775 = tpu.memref_squeeze %dma_wait3A_774 : memref<1x40xi32, #tpu.memory_space<hbm>> -> memref<40xi32, #tpu.memory_space<hbm>>
      tpu.wait_dma2 semaphore(%arg46 : memref<!tpu.dma_semaphore, #tpu.memory_space<semaphore_mem>>) src(%dma_wait3A_775 : memref<40xi32, #tpu.memory_space<hbm>>) dst(%arg20 : memref<40xi32, #tpu.memory_space<vmem>>)
      %dma_start3A_776 = arith.constant 0 : i32
      %dma_start3A_777 = arith.constant 0 : i32
      %dma_start3A_778 = tpu.memref_slice %arg2[%dma_start3A_776, %dma_start3A_777] : memref<20000x128xf32, #tpu.memory_space<hbm>> -> memref<20000x128xf32, #tpu.memory_space<hbm>>
      tpu.enqueue_indirect_dma source(%dma_start3A_778 : memref<20000x128xf32, #tpu.memory_space<hbm>>) target(%arg33 : memref<40x128xf32, #tpu.memory_space<vmem>>) offsets(%arg13 : memref<40xi32, #tpu.memory_space<vmem>>) semaphore(%arg39 : memref<!tpu.dma_semaphore, #tpu.memory_space<semaphore_mem>>)
      %mul3A_779 = arith.constant 10 : i32
      %mul3A_780 = arith.muli %scan3A_256, %mul3A_779 : i32
      %add3A_781 = arith.constant 9 : i32
      %add3A_782 = arith.addi %mul3A_780, %add3A_781 : i32
      %add3A_783 = arith.constant 7 : i32
      %add3A_784 = arith.addi %add3A_782, %add3A_783 : i32
      %min3A_785 = arith.constant 499 : i32
      %min3A_786 = arith.minsi %add3A_784, %min3A_785 : i32
      %mul3A_787 = arith.constant 40 : i32
      %mul3A_788 = arith.muli %min3A_786, %mul3A_787 : i32
      %add3A_789 = arith.addi %mul3A_2, %mul3A_788 : i32
      %dma_start3A_790 = tpu.memref_slice %arg3[%arg0, %add3A_789] : memref<3x320000xi32, #tpu.memory_space<hbm>> -> memref<1x40xi32, #tpu.memory_space<hbm>>
      %dma_start3A_791 = tpu.memref_squeeze %dma_start3A_790 : memref<1x40xi32, #tpu.memory_space<hbm>> -> memref<40xi32, #tpu.memory_space<hbm>>
      %dma_start3A_792 = tpu.memref_slice %arg3[%arg0, %add3A_789] : memref<3x320000xi32, #tpu.memory_space<hbm>> -> memref<1x40xi32, #tpu.memory_space<hbm>>
      %dma_start3A_793 = tpu.memref_squeeze %dma_start3A_792 : memref<1x40xi32, #tpu.memory_space<hbm>> -> memref<40xi32, #tpu.memory_space<hbm>>
      tpu.enqueue_dma source(%dma_start3A_793 : memref<40xi32, #tpu.memory_space<hbm>>) target(%arg16 : memref<40xi32, #tpu.memory_space<vmem>>) target_semaphore(%arg46 : memref<!tpu.dma_semaphore, #tpu.memory_space<semaphore_mem>>)
      %dma_start3A_794 = arith.constant 2 : i32
      %dma_start3A_795 = tpu.memref_slice %arg3[%dma_start3A_794, %add3A_789] : memref<3x320000xi32, #tpu.memory_space<hbm>> -> memref<1x40xi32, #tpu.memory_space<hbm>>
      %dma_start3A_796 = tpu.memref_squeeze %dma_start3A_795 : memref<1x40xi32, #tpu.memory_space<hbm>> -> memref<40xi32, #tpu.memory_space<hbm>>
      %dma_start3A_797 = tpu.memref_slice %arg3[%dma_start3A_794, %add3A_789] : memref<3x320000xi32, #tpu.memory_space<hbm>> -> memref<1x40xi32, #tpu.memory_space<hbm>>
      %dma_start3A_798 = tpu.memref_squeeze %dma_start3A_797 : memref<1x40xi32, #tpu.memory_space<hbm>> -> memref<40xi32, #tpu.memory_space<hbm>>
      tpu.enqueue_dma source(%dma_start3A_798 : memref<40xi32, #tpu.memory_space<hbm>>) target(%arg26 : memref<40xi32, #tpu.memory_space<vmem>>) target_semaphore(%arg46 : memref<!tpu.dma_semaphore, #tpu.memory_space<semaphore_mem>>)
      %dma_start3A_799 = arith.constant 0 : i32
      %dma_start3A_800 = arith.constant 0 : i32
      %dma_start3A_801 = tpu.memref_slice %arg8[%dma_start3A_799, %dma_start3A_800] : memref<10240x128xf32, #tpu.memory_space<vmem_shared>> -> memref<10240x128xf32, #tpu.memory_space<vmem_shared>>
      tpu.enqueue_indirect_dma source(%arg34 : memref<40x128xf32, #tpu.memory_space<vmem>>) target(%dma_start3A_801 : memref<10240x128xf32, #tpu.memory_space<vmem_shared>>) offsets(%arg29 : memref<40xi32, #tpu.memory_space<vmem>>) semaphore(%arg45 : memref<!tpu.dma_semaphore, #tpu.memory_space<semaphore_mem>>) {add = true}
      %dma_start3A_802 = arith.constant 0 : i32
      %dma_start3A_803 = arith.constant 0 : i32
      %dma_start3A_804 = tpu.memref_slice %arg9[%dma_start3A_802, %dma_start3A_803] : memref<10240x16xf32, #tpu.memory_space<vmem_shared>> -> memref<10240x16xf32, #tpu.memory_space<vmem_shared>>
      tpu.enqueue_indirect_dma source(%arg35 : memref<40x16xf32, #tpu.memory_space<vmem>>) target(%dma_start3A_804 : memref<10240x16xf32, #tpu.memory_space<vmem_shared>>) offsets(%arg29 : memref<40xi32, #tpu.memory_space<vmem>>) semaphore(%arg47 : memref<!tpu.dma_semaphore, #tpu.memory_space<semaphore_mem>>) {add = true}
    }
    %scan3A_176 = arith.constant 50 : i32
    %dma_wait3A_177 = arith.constant 0 : i32
    %dma_wait3A_178 = arith.constant 0 : i32
    %dma_wait3A_179 = tpu.memref_slice %arg2[%dma_wait3A_177, %dma_wait3A_178] : memref<20000x128xf32, #tpu.memory_space<hbm>> -> memref<40x128xf32, #tpu.memory_space<hbm>>
    %dma_wait3A_180 = arith.constant 0 : i32
    %dma_wait3A_181 = arith.constant 0 : i32
    %dma_wait3A_182 = tpu.memref_slice %arg2[%dma_wait3A_180, %dma_wait3A_181] : memref<20000x128xf32, #tpu.memory_space<hbm>> -> memref<40x128xf32, #tpu.memory_space<hbm>>
    tpu.wait_dma2 semaphore(%arg36 : memref<!tpu.dma_semaphore, #tpu.memory_space<semaphore_mem>>) src(%dma_wait3A_182 : memref<40x128xf32, #tpu.memory_space<hbm>>) dst(%arg30 : memref<40x128xf32, #tpu.memory_space<vmem>>)
    %dma_wait3A_183 = arith.constant 0 : i32
    %dma_wait3A_184 = arith.constant 0 : i32
    %dma_wait3A_185 = tpu.memref_slice %arg2[%dma_wait3A_183, %dma_wait3A_184] : memref<20000x128xf32, #tpu.memory_space<hbm>> -> memref<40x128xf32, #tpu.memory_space<hbm>>
    %dma_wait3A_186 = arith.constant 0 : i32
    %dma_wait3A_187 = arith.constant 0 : i32
    %dma_wait3A_188 = tpu.memref_slice %arg2[%dma_wait3A_186, %dma_wait3A_187] : memref<20000x128xf32, #tpu.memory_space<hbm>> -> memref<40x128xf32, #tpu.memory_space<hbm>>
    tpu.wait_dma2 semaphore(%arg37 : memref<!tpu.dma_semaphore, #tpu.memory_space<semaphore_mem>>) src(%dma_wait3A_188 : memref<40x128xf32, #tpu.memory_space<hbm>>) dst(%arg31 : memref<40x128xf32, #tpu.memory_space<vmem>>)
    %dma_wait3A_189 = arith.constant 0 : i32
    %dma_wait3A_190 = arith.constant 0 : i32
    %dma_wait3A_191 = tpu.memref_slice %arg2[%dma_wait3A_189, %dma_wait3A_190] : memref<20000x128xf32, #tpu.memory_space<hbm>> -> memref<40x128xf32, #tpu.memory_space<hbm>>
    %dma_wait3A_192 = arith.constant 0 : i32
    %dma_wait3A_193 = arith.constant 0 : i32
    %dma_wait3A_194 = tpu.memref_slice %arg2[%dma_wait3A_192, %dma_wait3A_193] : memref<20000x128xf32, #tpu.memory_space<hbm>> -> memref<40x128xf32, #tpu.memory_space<hbm>>
    tpu.wait_dma2 semaphore(%arg38 : memref<!tpu.dma_semaphore, #tpu.memory_space<semaphore_mem>>) src(%dma_wait3A_194 : memref<40x128xf32, #tpu.memory_space<hbm>>) dst(%arg32 : memref<40x128xf32, #tpu.memory_space<vmem>>)
    %dma_wait3A_195 = arith.constant 0 : i32
    %dma_wait3A_196 = arith.constant 0 : i32
    %dma_wait3A_197 = tpu.memref_slice %arg2[%dma_wait3A_195, %dma_wait3A_196] : memref<20000x128xf32, #tpu.memory_space<hbm>> -> memref<40x128xf32, #tpu.memory_space<hbm>>
    %dma_wait3A_198 = arith.constant 0 : i32
    %dma_wait3A_199 = arith.constant 0 : i32
    %dma_wait3A_200 = tpu.memref_slice %arg2[%dma_wait3A_198, %dma_wait3A_199] : memref<20000x128xf32, #tpu.memory_space<hbm>> -> memref<40x128xf32, #tpu.memory_space<hbm>>
    tpu.wait_dma2 semaphore(%arg39 : memref<!tpu.dma_semaphore, #tpu.memory_space<semaphore_mem>>) src(%dma_wait3A_200 : memref<40x128xf32, #tpu.memory_space<hbm>>) dst(%arg33 : memref<40x128xf32, #tpu.memory_space<vmem>>)
    %dma_wait3A_201 = arith.constant 0 : i32
    %dma_wait3A_202 = arith.constant 0 : i32
    %dma_wait3A_203 = tpu.memref_slice %arg2[%dma_wait3A_201, %dma_wait3A_202] : memref<20000x128xf32, #tpu.memory_space<hbm>> -> memref<40x128xf32, #tpu.memory_space<hbm>>
    %dma_wait3A_204 = arith.constant 0 : i32
    %dma_wait3A_205 = arith.constant 0 : i32
    %dma_wait3A_206 = tpu.memref_slice %arg2[%dma_wait3A_204, %dma_wait3A_205] : memref<20000x128xf32, #tpu.memory_space<hbm>> -> memref<40x128xf32, #tpu.memory_space<hbm>>
    tpu.wait_dma2 semaphore(%arg45 : memref<!tpu.dma_semaphore, #tpu.memory_space<semaphore_mem>>) src(%dma_wait3A_206 : memref<40x128xf32, #tpu.memory_space<hbm>>) dst(%arg34 : memref<40x128xf32, #tpu.memory_space<vmem>>)
    tpu.wait_dma2 semaphore(%arg47 : memref<!tpu.dma_semaphore, #tpu.memory_space<semaphore_mem>>) src(%arg6 : memref<40x16xf32, #tpu.memory_space<hbm>>) dst(%arg35 : memref<40x16xf32, #tpu.memory_space<vmem>>)
    %dma_wait3A_207 = arith.constant 0 : i32
    %dma_wait3A_208 = arith.constant 0 : i32
    %dma_wait3A_209 = tpu.memref_slice %arg3[%dma_wait3A_207, %dma_wait3A_208] : memref<3x320000xi32, #tpu.memory_space<hbm>> -> memref<1x40xi32, #tpu.memory_space<hbm>>
    %dma_wait3A_210 = tpu.memref_squeeze %dma_wait3A_209 : memref<1x40xi32, #tpu.memory_space<hbm>> -> memref<40xi32, #tpu.memory_space<hbm>>
    %dma_wait3A_211 = arith.constant 0 : i32
    %dma_wait3A_212 = tpu.memref_slice %arg3[%dma_wait3A_207, %dma_wait3A_211] : memref<3x320000xi32, #tpu.memory_space<hbm>> -> memref<1x40xi32, #tpu.memory_space<hbm>>
    %dma_wait3A_213 = tpu.memref_squeeze %dma_wait3A_212 : memref<1x40xi32, #tpu.memory_space<hbm>> -> memref<40xi32, #tpu.memory_space<hbm>>
    tpu.wait_dma2 semaphore(%arg46 : memref<!tpu.dma_semaphore, #tpu.memory_space<semaphore_mem>>) src(%dma_wait3A_213 : memref<40xi32, #tpu.memory_space<hbm>>) dst(%arg10 : memref<40xi32, #tpu.memory_space<vmem>>)
    %dma_wait3A_214 = arith.constant 0 : i32
    %dma_wait3A_215 = arith.constant 0 : i32
    %dma_wait3A_216 = tpu.memref_slice %arg3[%dma_wait3A_214, %dma_wait3A_215] : memref<3x320000xi32, #tpu.memory_space<hbm>> -> memref<1x40xi32, #tpu.memory_space<hbm>>
    %dma_wait3A_217 = tpu.memref_squeeze %dma_wait3A_216 : memref<1x40xi32, #tpu.memory_space<hbm>> -> memref<40xi32, #tpu.memory_space<hbm>>
    %dma_wait3A_218 = arith.constant 0 : i32
    %dma_wait3A_219 = tpu.memref_slice %arg3[%dma_wait3A_214, %dma_wait3A_218] : memref<3x320000xi32, #tpu.memory_space<hbm>> -> memref<1x40xi32, #tpu.memory_space<hbm>>
    %dma_wait3A_220 = tpu.memref_squeeze %dma_wait3A_219 : memref<1x40xi32, #tpu.memory_space<hbm>> -> memref<40xi32, #tpu.memory_space<hbm>>
    tpu.wait_dma2 semaphore(%arg46 : memref<!tpu.dma_semaphore, #tpu.memory_space<semaphore_mem>>) src(%dma_wait3A_220 : memref<40xi32, #tpu.memory_space<hbm>>) dst(%arg20 : memref<40xi32, #tpu.memory_space<vmem>>)
    %dma_wait3A_221 = arith.constant 0 : i32
    %dma_wait3A_222 = arith.constant 0 : i32
    %dma_wait3A_223 = tpu.memref_slice %arg3[%dma_wait3A_221, %dma_wait3A_222] : memref<3x320000xi32, #tpu.memory_space<hbm>> -> memref<1x40xi32, #tpu.memory_space<hbm>>
    %dma_wait3A_224 = tpu.memref_squeeze %dma_wait3A_223 : memref<1x40xi32, #tpu.memory_space<hbm>> -> memref<40xi32, #tpu.memory_space<hbm>>
    %dma_wait3A_225 = arith.constant 0 : i32
    %dma_wait3A_226 = tpu.memref_slice %arg3[%dma_wait3A_221, %dma_wait3A_225] : memref<3x320000xi32, #tpu.memory_space<hbm>> -> memref<1x40xi32, #tpu.memory_space<hbm>>
    %dma_wait3A_227 = tpu.memref_squeeze %dma_wait3A_226 : memref<1x40xi32, #tpu.memory_space<hbm>> -> memref<40xi32, #tpu.memory_space<hbm>>
    tpu.wait_dma2 semaphore(%arg46 : memref<!tpu.dma_semaphore, #tpu.memory_space<semaphore_mem>>) src(%dma_wait3A_227 : memref<40xi32, #tpu.memory_space<hbm>>) dst(%arg10 : memref<40xi32, #tpu.memory_space<vmem>>)
    %dma_wait3A_228 = arith.constant 0 : i32
    %dma_wait3A_229 = arith.constant 0 : i32
    %dma_wait3A_230 = tpu.memref_slice %arg3[%dma_wait3A_228, %dma_wait3A_229] : memref<3x320000xi32, #tpu.memory_space<hbm>> -> memref<1x40xi32, #tpu.memory_space<hbm>>
    %dma_wait3A_231 = tpu.memref_squeeze %dma_wait3A_230 : memref<1x40xi32, #tpu.memory_space<hbm>> -> memref<40xi32, #tpu.memory_space<hbm>>
    %dma_wait3A_232 = arith.constant 0 : i32
    %dma_wait3A_233 = tpu.memref_slice %arg3[%dma_wait3A_228, %dma_wait3A_232] : memref<3x320000xi32, #tpu.memory_space<hbm>> -> memref<1x40xi32, #tpu.memory_space<hbm>>
    %dma_wait3A_234 = tpu.memref_squeeze %dma_wait3A_233 : memref<1x40xi32, #tpu.memory_space<hbm>> -> memref<40xi32, #tpu.memory_space<hbm>>
    tpu.wait_dma2 semaphore(%arg46 : memref<!tpu.dma_semaphore, #tpu.memory_space<semaphore_mem>>) src(%dma_wait3A_234 : memref<40xi32, #tpu.memory_space<hbm>>) dst(%arg20 : memref<40xi32, #tpu.memory_space<vmem>>)
    %dma_wait3A_235 = arith.constant 0 : i32
    %dma_wait3A_236 = arith.constant 0 : i32
    %dma_wait3A_237 = tpu.memref_slice %arg3[%dma_wait3A_235, %dma_wait3A_236] : memref<3x320000xi32, #tpu.memory_space<hbm>> -> memref<1x40xi32, #tpu.memory_space<hbm>>
    %dma_wait3A_238 = tpu.memref_squeeze %dma_wait3A_237 : memref<1x40xi32, #tpu.memory_space<hbm>> -> memref<40xi32, #tpu.memory_space<hbm>>
    %dma_wait3A_239 = arith.constant 0 : i32
    %dma_wait3A_240 = tpu.memref_slice %arg3[%dma_wait3A_235, %dma_wait3A_239] : memref<3x320000xi32, #tpu.memory_space<hbm>> -> memref<1x40xi32, #tpu.memory_space<hbm>>
    %dma_wait3A_241 = tpu.memref_squeeze %dma_wait3A_240 : memref<1x40xi32, #tpu.memory_space<hbm>> -> memref<40xi32, #tpu.memory_space<hbm>>
    tpu.wait_dma2 semaphore(%arg46 : memref<!tpu.dma_semaphore, #tpu.memory_space<semaphore_mem>>) src(%dma_wait3A_241 : memref<40xi32, #tpu.memory_space<hbm>>) dst(%arg10 : memref<40xi32, #tpu.memory_space<vmem>>)
    %dma_wait3A_242 = arith.constant 0 : i32
    %dma_wait3A_243 = arith.constant 0 : i32
    %dma_wait3A_244 = tpu.memref_slice %arg3[%dma_wait3A_242, %dma_wait3A_243] : memref<3x320000xi32, #tpu.memory_space<hbm>> -> memref<1x40xi32, #tpu.memory_space<hbm>>
    %dma_wait3A_245 = tpu.memref_squeeze %dma_wait3A_244 : memref<1x40xi32, #tpu.memory_space<hbm>> -> memref<40xi32, #tpu.memory_space<hbm>>
    %dma_wait3A_246 = arith.constant 0 : i32
    %dma_wait3A_247 = tpu.memref_slice %arg3[%dma_wait3A_242, %dma_wait3A_246] : memref<3x320000xi32, #tpu.memory_space<hbm>> -> memref<1x40xi32, #tpu.memory_space<hbm>>
    %dma_wait3A_248 = tpu.memref_squeeze %dma_wait3A_247 : memref<1x40xi32, #tpu.memory_space<hbm>> -> memref<40xi32, #tpu.memory_space<hbm>>
    tpu.wait_dma2 semaphore(%arg46 : memref<!tpu.dma_semaphore, #tpu.memory_space<semaphore_mem>>) src(%dma_wait3A_248 : memref<40xi32, #tpu.memory_space<hbm>>) dst(%arg20 : memref<40xi32, #tpu.memory_space<vmem>>)
    %barrier3A_249 = arith.constant 0 : index
    tpu.barrier barrier_id(%barrier3A_249)
    %lt3A = arith.constant 15 : i32
    %lt3A_250 = arith.cmpi slt, %arg1, %lt3A : i32
    %convert_element_type3A = arith.extui %lt3A_250 : i1 to i32
    %cond3A = arith.constant 0 : i32
    %cond3A_251 = arith.cmpi ne, %convert_element_type3A, %cond3A : i32
    scf.if %cond3A_251 {
      %scan3A_256 = arith.constant 0 : i32
      %scan3A_257 = arith.constant 0 : i32
      %scan3A_258 = arith.constant 16 : i32
      %scan3A_259 = arith.addi %scan3A_257, %scan3A_258 : i32
      %scan3A_260 = arith.constant 1 : i32
      scf.for %scan3A_262 = %scan3A_257 to %scan3A_259 step %scan3A_260  : i32 {
        %mul3A_263 = arith.constant 40 : i32
        %mul3A_264 = arith.muli %scan3A_262, %mul3A_263 : i32
        %add3A_265 = arith.addi %mul3A_0, %mul3A_264 : i32
        "tpu.region"() ({
          %run_scoped3A = tpu.sem_alloc : memref<!tpu.dma_semaphore, #tpu.memory_space<semaphore_mem>>
          %dma_start3A_275 = arith.constant 0 : i32
          %dma_start3A_276 = tpu.memref_slice %arg8[%add3A_265, %dma_start3A_275] : memref<10240x128xf32, #tpu.memory_space<vmem_shared>> -> memref<40x128xf32, #tpu.memory_space<vmem_shared>>
          %dma_start3A_277 = arith.constant 0 : i32
          %dma_start3A_278 = tpu.memref_slice %arg8[%add3A_265, %dma_start3A_277] : memref<10240x128xf32, #tpu.memory_space<vmem_shared>> -> memref<40x128xf32, #tpu.memory_space<vmem_shared>>
          tpu.enqueue_dma source(%dma_start3A_278 : memref<40x128xf32, #tpu.memory_space<vmem_shared>>) target(%arg30 : memref<40x128xf32, #tpu.memory_space<vmem>>) target_semaphore(%run_scoped3A : memref<!tpu.dma_semaphore, #tpu.memory_space<semaphore_mem>>)
          %dma_wait3A_279 = arith.constant 0 : i32
          %dma_wait3A_280 = tpu.memref_slice %arg8[%add3A_265, %dma_wait3A_279] : memref<10240x128xf32, #tpu.memory_space<vmem_shared>> -> memref<40x128xf32, #tpu.memory_space<vmem_shared>>
          %dma_wait3A_281 = arith.constant 0 : i32
          %dma_wait3A_282 = tpu.memref_slice %arg8[%add3A_265, %dma_wait3A_281] : memref<10240x128xf32, #tpu.memory_space<vmem_shared>> -> memref<40x128xf32, #tpu.memory_space<vmem_shared>>
          tpu.wait_dma2 semaphore(%run_scoped3A : memref<!tpu.dma_semaphore, #tpu.memory_space<semaphore_mem>>) src(%dma_wait3A_282 : memref<40x128xf32, #tpu.memory_space<vmem_shared>>) dst(%arg30 : memref<40x128xf32, #tpu.memory_space<vmem>>)
          tpu.yield
        }) : () -> ()
        "tpu.region"() ({
          %run_scoped3A = tpu.sem_alloc : memref<!tpu.dma_semaphore, #tpu.memory_space<semaphore_mem>>
          %dma_start3A_275 = arith.constant 0 : i32
          %dma_start3A_276 = tpu.memref_slice %arg9[%add3A_265, %dma_start3A_275] : memref<10240x16xf32, #tpu.memory_space<vmem_shared>> -> memref<40x16xf32, #tpu.memory_space<vmem_shared>>
          %dma_start3A_277 = arith.constant 0 : i32
          %dma_start3A_278 = tpu.memref_slice %arg9[%add3A_265, %dma_start3A_277] : memref<10240x16xf32, #tpu.memory_space<vmem_shared>> -> memref<40x16xf32, #tpu.memory_space<vmem_shared>>
          tpu.enqueue_dma source(%dma_start3A_278 : memref<40x16xf32, #tpu.memory_space<vmem_shared>>) target(%arg35 : memref<40x16xf32, #tpu.memory_space<vmem>>) target_semaphore(%run_scoped3A : memref<!tpu.dma_semaphore, #tpu.memory_space<semaphore_mem>>)
          %dma_wait3A_279 = arith.constant 0 : i32
          %dma_wait3A_280 = tpu.memref_slice %arg9[%add3A_265, %dma_wait3A_279] : memref<10240x16xf32, #tpu.memory_space<vmem_shared>> -> memref<40x16xf32, #tpu.memory_space<vmem_shared>>
          %dma_wait3A_281 = arith.constant 0 : i32
          %dma_wait3A_282 = tpu.memref_slice %arg9[%add3A_265, %dma_wait3A_281] : memref<10240x16xf32, #tpu.memory_space<vmem_shared>> -> memref<40x16xf32, #tpu.memory_space<vmem_shared>>
          tpu.wait_dma2 semaphore(%run_scoped3A : memref<!tpu.dma_semaphore, #tpu.memory_space<semaphore_mem>>) src(%dma_wait3A_282 : memref<40x16xf32, #tpu.memory_space<vmem_shared>>) dst(%arg35 : memref<40x16xf32, #tpu.memory_space<vmem>>)
          tpu.yield
        }) : () -> ()
        %scan3A_266 = arith.constant 0 : i32
        %scan3A_267 = arith.constant 0 : i32
        %scan3A_268 = arith.constant 40 : i32
        %scan3A_269 = arith.addi %scan3A_267, %scan3A_268 : i32
        %scan3A_270 = arith.constant 1 : i32
        scf.for %scan3A_275 = %scan3A_267 to %scan3A_269 step %scan3A_270  : i32 {
          %get3A = arith.index_cast %scan3A_275 : i32 to index
          %get3A_276 = arith.constant 0 : index
          %get3A_277 = tpu.vector_load %arg35[%get3A, %get3A_276] {strides = array<i32>} : memref<40x16xf32, #tpu.memory_space<vmem>>, vector<1x16xf32>,
          %get3A_278 = vector.shape_cast %get3A_277 : vector<1x16xf32> to vector<16xf32>
          %max3A = arith.constant 1.000000e+00 : f32
          %max3A_279 = vector.broadcast %max3A : f32 to vector<16xf32>
          %max3A_280 = arith.maximumf %get3A_278, %max3A_279 : vector<16xf32>
          %div3A = arith.constant 1.000000e+00 : f32
          %div3A_281 = vector.broadcast %div3A : f32 to vector<16xf32>
          %div3A_282 = arith.divf %div3A_281, %max3A_280 : vector<16xf32>
          %get3A_283 = arith.index_cast %scan3A_275 : i32 to index
          %get3A_284 = arith.constant 0 : index
          %get3A_285 = tpu.vector_load %arg30[%get3A_283, %get3A_284] {strides = array<i32>} : memref<40x128xf32, #tpu.memory_space<vmem>>, vector<1x16xf32>,
          %get3A_286 = vector.shape_cast %get3A_285 : vector<1x16xf32> to vector<16xf32>
          %mul3A_287 = arith.mulf %get3A_286, %div3A_282 : vector<16xf32>
          %swap3A = arith.index_cast %scan3A_275 : i32 to index
          %swap3A_288 = arith.constant 0 : index
          %swap3A_289 = tpu.vector_load %arg30[%swap3A, %swap3A_288] {strides = array<i32>} : memref<40x128xf32, #tpu.memory_space<vmem>>, vector<1x16xf32>,
          %swap3A_290 = vector.shape_cast %swap3A_289 : vector<1x16xf32> to vector<16xf32>
          %swap3A_291 = vector.shape_cast %mul3A_287 : vector<16xf32> to vector<1x16xf32>
          tpu.vector_store %arg30[%swap3A, %swap3A_288], %swap3A_291 {strides = array<i32>} : memref<40x128xf32, #tpu.memory_space<vmem>>, vector<1x16xf32>,
          %get3A_292 = arith.index_cast %scan3A_275 : i32 to index
          %get3A_293 = arith.constant 16 : index
          %get3A_294 = tpu.vector_load %arg30[%get3A_292, %get3A_293] {strides = array<i32>} : memref<40x128xf32, #tpu.memory_space<vmem>>, vector<1x16xf32>,
          %get3A_295 = vector.shape_cast %get3A_294 : vector<1x16xf32> to vector<16xf32>
          %mul3A_296 = arith.mulf %get3A_295, %div3A_282 : vector<16xf32>
          %swap3A_297 = arith.index_cast %scan3A_275 : i32 to index
          %swap3A_298 = arith.constant 16 : index
          %swap3A_299 = tpu.vector_load %arg30[%swap3A_297, %swap3A_298] {strides = array<i32>} : memref<40x128xf32, #tpu.memory_space<vmem>>, vector<1x16xf32>,
          %swap3A_300 = vector.shape_cast %swap3A_299 : vector<1x16xf32> to vector<16xf32>
          %swap3A_301 = vector.shape_cast %mul3A_296 : vector<16xf32> to vector<1x16xf32>
          tpu.vector_store %arg30[%swap3A_297, %swap3A_298], %swap3A_301 {strides = array<i32>} : memref<40x128xf32, #tpu.memory_space<vmem>>, vector<1x16xf32>,
          %get3A_302 = arith.index_cast %scan3A_275 : i32 to index
          %get3A_303 = arith.constant 32 : index
          %get3A_304 = tpu.vector_load %arg30[%get3A_302, %get3A_303] {strides = array<i32>} : memref<40x128xf32, #tpu.memory_space<vmem>>, vector<1x16xf32>,
          %get3A_305 = vector.shape_cast %get3A_304 : vector<1x16xf32> to vector<16xf32>
          %mul3A_306 = arith.mulf %get3A_305, %div3A_282 : vector<16xf32>
          %swap3A_307 = arith.index_cast %scan3A_275 : i32 to index
          %swap3A_308 = arith.constant 32 : index
          %swap3A_309 = tpu.vector_load %arg30[%swap3A_307, %swap3A_308] {strides = array<i32>} : memref<40x128xf32, #tpu.memory_space<vmem>>, vector<1x16xf32>,
          %swap3A_310 = vector.shape_cast %swap3A_309 : vector<1x16xf32> to vector<16xf32>
          %swap3A_311 = vector.shape_cast %mul3A_306 : vector<16xf32> to vector<1x16xf32>
          tpu.vector_store %arg30[%swap3A_307, %swap3A_308], %swap3A_311 {strides = array<i32>} : memref<40x128xf32, #tpu.memory_space<vmem>>, vector<1x16xf32>,
          %get3A_312 = arith.index_cast %scan3A_275 : i32 to index
          %get3A_313 = arith.constant 48 : index
          %get3A_314 = tpu.vector_load %arg30[%get3A_312, %get3A_313] {strides = array<i32>} : memref<40x128xf32, #tpu.memory_space<vmem>>, vector<1x16xf32>,
          %get3A_315 = vector.shape_cast %get3A_314 : vector<1x16xf32> to vector<16xf32>
          %mul3A_316 = arith.mulf %get3A_315, %div3A_282 : vector<16xf32>
          %swap3A_317 = arith.index_cast %scan3A_275 : i32 to index
          %swap3A_318 = arith.constant 48 : index
          %swap3A_319 = tpu.vector_load %arg30[%swap3A_317, %swap3A_318] {strides = array<i32>} : memref<40x128xf32, #tpu.memory_space<vmem>>, vector<1x16xf32>,
          %swap3A_320 = vector.shape_cast %swap3A_319 : vector<1x16xf32> to vector<16xf32>
          %swap3A_321 = vector.shape_cast %mul3A_316 : vector<16xf32> to vector<1x16xf32>
          tpu.vector_store %arg30[%swap3A_317, %swap3A_318], %swap3A_321 {strides = array<i32>} : memref<40x128xf32, #tpu.memory_space<vmem>>, vector<1x16xf32>,
          %get3A_322 = arith.index_cast %scan3A_275 : i32 to index
          %get3A_323 = arith.constant 64 : index
          %get3A_324 = tpu.vector_load %arg30[%get3A_322, %get3A_323] {strides = array<i32>} : memref<40x128xf32, #tpu.memory_space<vmem>>, vector<1x16xf32>,
          %get3A_325 = vector.shape_cast %get3A_324 : vector<1x16xf32> to vector<16xf32>
          %mul3A_326 = arith.mulf %get3A_325, %div3A_282 : vector<16xf32>
          %swap3A_327 = arith.index_cast %scan3A_275 : i32 to index
          %swap3A_328 = arith.constant 64 : index
          %swap3A_329 = tpu.vector_load %arg30[%swap3A_327, %swap3A_328] {strides = array<i32>} : memref<40x128xf32, #tpu.memory_space<vmem>>, vector<1x16xf32>,
          %swap3A_330 = vector.shape_cast %swap3A_329 : vector<1x16xf32> to vector<16xf32>
          %swap3A_331 = vector.shape_cast %mul3A_326 : vector<16xf32> to vector<1x16xf32>
          tpu.vector_store %arg30[%swap3A_327, %swap3A_328], %swap3A_331 {strides = array<i32>} : memref<40x128xf32, #tpu.memory_space<vmem>>, vector<1x16xf32>,
          %get3A_332 = arith.index_cast %scan3A_275 : i32 to index
          %get3A_333 = arith.constant 80 : index
          %get3A_334 = tpu.vector_load %arg30[%get3A_332, %get3A_333] {strides = array<i32>} : memref<40x128xf32, #tpu.memory_space<vmem>>, vector<1x16xf32>,
          %get3A_335 = vector.shape_cast %get3A_334 : vector<1x16xf32> to vector<16xf32>
          %mul3A_336 = arith.mulf %get3A_335, %div3A_282 : vector<16xf32>
          %swap3A_337 = arith.index_cast %scan3A_275 : i32 to index
          %swap3A_338 = arith.constant 80 : index
          %swap3A_339 = tpu.vector_load %arg30[%swap3A_337, %swap3A_338] {strides = array<i32>} : memref<40x128xf32, #tpu.memory_space<vmem>>, vector<1x16xf32>,
          %swap3A_340 = vector.shape_cast %swap3A_339 : vector<1x16xf32> to vector<16xf32>
          %swap3A_341 = vector.shape_cast %mul3A_336 : vector<16xf32> to vector<1x16xf32>
          tpu.vector_store %arg30[%swap3A_337, %swap3A_338], %swap3A_341 {strides = array<i32>} : memref<40x128xf32, #tpu.memory_space<vmem>>, vector<1x16xf32>,
          %get3A_342 = arith.index_cast %scan3A_275 : i32 to index
          %get3A_343 = arith.constant 96 : index
          %get3A_344 = tpu.vector_load %arg30[%get3A_342, %get3A_343] {strides = array<i32>} : memref<40x128xf32, #tpu.memory_space<vmem>>, vector<1x16xf32>,
          %get3A_345 = vector.shape_cast %get3A_344 : vector<1x16xf32> to vector<16xf32>
          %mul3A_346 = arith.mulf %get3A_345, %div3A_282 : vector<16xf32>
          %swap3A_347 = arith.index_cast %scan3A_275 : i32 to index
          %swap3A_348 = arith.constant 96 : index
          %swap3A_349 = tpu.vector_load %arg30[%swap3A_347, %swap3A_348] {strides = array<i32>} : memref<40x128xf32, #tpu.memory_space<vmem>>, vector<1x16xf32>,
          %swap3A_350 = vector.shape_cast %swap3A_349 : vector<1x16xf32> to vector<16xf32>
          %swap3A_351 = vector.shape_cast %mul3A_346 : vector<16xf32> to vector<1x16xf32>
          tpu.vector_store %arg30[%swap3A_347, %swap3A_348], %swap3A_351 {strides = array<i32>} : memref<40x128xf32, #tpu.memory_space<vmem>>, vector<1x16xf32>,
          %get3A_352 = arith.index_cast %scan3A_275 : i32 to index
          %get3A_353 = arith.constant 112 : index
          %get3A_354 = tpu.vector_load %arg30[%get3A_352, %get3A_353] {strides = array<i32>} : memref<40x128xf32, #tpu.memory_space<vmem>>, vector<1x16xf32>,
          %get3A_355 = vector.shape_cast %get3A_354 : vector<1x16xf32> to vector<16xf32>
          %mul3A_356 = arith.mulf %get3A_355, %div3A_282 : vector<16xf32>
          %swap3A_357 = arith.index_cast %scan3A_275 : i32 to index
          %swap3A_358 = arith.constant 112 : index
          %swap3A_359 = tpu.vector_load %arg30[%swap3A_357, %swap3A_358] {strides = array<i32>} : memref<40x128xf32, #tpu.memory_space<vmem>>, vector<1x16xf32>,
          %swap3A_360 = vector.shape_cast %swap3A_359 : vector<1x16xf32> to vector<16xf32>
          %swap3A_361 = vector.shape_cast %mul3A_356 : vector<16xf32> to vector<1x16xf32>
          tpu.vector_store %arg30[%swap3A_357, %swap3A_358], %swap3A_361 {strides = array<i32>} : memref<40x128xf32, #tpu.memory_space<vmem>>, vector<1x16xf32>,
        }
        %scan3A_271 = arith.constant 40 : i32
        %mul3A_272 = arith.constant 10000 : i32
        %mul3A_273 = arith.muli %arg0, %mul3A_272 : i32
        %add3A_274 = arith.addi %mul3A_273, %add3A_265 : i32
        "tpu.region"() ({
          %run_scoped3A = tpu.sem_alloc : memref<!tpu.dma_semaphore, #tpu.memory_space<semaphore_mem>>
          %dma_start3A_275 = arith.constant 0 : i32
          %dma_start3A_276 = tpu.memref_slice %arg7[%add3A_274, %dma_start3A_275] : memref<20000x128xf32, #tpu.memory_space<hbm>> -> memref<40x128xf32, #tpu.memory_space<hbm>>
          %dma_start3A_277 = arith.constant 0 : i32
          %dma_start3A_278 = tpu.memref_slice %arg7[%add3A_274, %dma_start3A_277] : memref<20000x128xf32, #tpu.memory_space<hbm>> -> memref<40x128xf32, #tpu.memory_space<hbm>>
          tpu.enqueue_dma source(%arg30 : memref<40x128xf32, #tpu.memory_space<vmem>>) target(%dma_start3A_278 : memref<40x128xf32, #tpu.memory_space<hbm>>) target_semaphore(%run_scoped3A : memref<!tpu.dma_semaphore, #tpu.memory_space<semaphore_mem>>)
          %dma_wait3A_279 = arith.constant 0 : i32
          %dma_wait3A_280 = tpu.memref_slice %arg7[%add3A_274, %dma_wait3A_279] : memref<20000x128xf32, #tpu.memory_space<hbm>> -> memref<40x128xf32, #tpu.memory_space<hbm>>
          %dma_wait3A_281 = arith.constant 0 : i32
          %dma_wait3A_282 = tpu.memref_slice %arg7[%add3A_274, %dma_wait3A_281] : memref<20000x128xf32, #tpu.memory_space<hbm>> -> memref<40x128xf32, #tpu.memory_space<hbm>>
          tpu.wait_dma2 semaphore(%run_scoped3A : memref<!tpu.dma_semaphore, #tpu.memory_space<semaphore_mem>>) src(%arg30 : memref<40x128xf32, #tpu.memory_space<vmem>>) dst(%dma_wait3A_282 : memref<40x128xf32, #tpu.memory_space<hbm>>)
          tpu.yield
        }) : () -> ()
      }
      %scan3A_261 = arith.constant 16 : i32
    } else {
    }
    %eq3A = arith.constant 15 : i32
    %eq3A_252 = arith.cmpi eq, %arg1, %eq3A : i32
    %convert_element_type3A_253 = arith.extui %eq3A_252 : i1 to i32
    %cond3A_254 = arith.constant 0 : i32
    %cond3A_255 = arith.cmpi ne, %convert_element_type3A_253, %cond3A_254 : i32
    scf.if %cond3A_255 {
      %scan3A_256 = arith.constant 0 : i32
      %scan3A_257 = arith.constant 0 : i32
      %scan3A_258 = arith.constant 10 : i32
      %scan3A_259 = arith.addi %scan3A_257, %scan3A_258 : i32
      %scan3A_260 = arith.constant 1 : i32
      scf.for %scan3A_262 = %scan3A_257 to %scan3A_259 step %scan3A_260  : i32 {
        %mul3A_263 = arith.constant 40 : i32
        %mul3A_264 = arith.muli %scan3A_262, %mul3A_263 : i32
        %add3A_265 = arith.addi %mul3A_0, %mul3A_264 : i32
        "tpu.region"() ({
          %run_scoped3A = tpu.sem_alloc : memref<!tpu.dma_semaphore, #tpu.memory_space<semaphore_mem>>
          %dma_start3A_275 = arith.constant 0 : i32
          %dma_start3A_276 = tpu.memref_slice %arg8[%add3A_265, %dma_start3A_275] : memref<10240x128xf32, #tpu.memory_space<vmem_shared>> -> memref<40x128xf32, #tpu.memory_space<vmem_shared>>
          %dma_start3A_277 = arith.constant 0 : i32
          %dma_start3A_278 = tpu.memref_slice %arg8[%add3A_265, %dma_start3A_277] : memref<10240x128xf32, #tpu.memory_space<vmem_shared>> -> memref<40x128xf32, #tpu.memory_space<vmem_shared>>
          tpu.enqueue_dma source(%dma_start3A_278 : memref<40x128xf32, #tpu.memory_space<vmem_shared>>) target(%arg30 : memref<40x128xf32, #tpu.memory_space<vmem>>) target_semaphore(%run_scoped3A : memref<!tpu.dma_semaphore, #tpu.memory_space<semaphore_mem>>)
          %dma_wait3A_279 = arith.constant 0 : i32
          %dma_wait3A_280 = tpu.memref_slice %arg8[%add3A_265, %dma_wait3A_279] : memref<10240x128xf32, #tpu.memory_space<vmem_shared>> -> memref<40x128xf32, #tpu.memory_space<vmem_shared>>
          %dma_wait3A_281 = arith.constant 0 : i32
          %dma_wait3A_282 = tpu.memref_slice %arg8[%add3A_265, %dma_wait3A_281] : memref<10240x128xf32, #tpu.memory_space<vmem_shared>> -> memref<40x128xf32, #tpu.memory_space<vmem_shared>>
          tpu.wait_dma2 semaphore(%run_scoped3A : memref<!tpu.dma_semaphore, #tpu.memory_space<semaphore_mem>>) src(%dma_wait3A_282 : memref<40x128xf32, #tpu.memory_space<vmem_shared>>) dst(%arg30 : memref<40x128xf32, #tpu.memory_space<vmem>>)
          tpu.yield
        }) : () -> ()
        "tpu.region"() ({
          %run_scoped3A = tpu.sem_alloc : memref<!tpu.dma_semaphore, #tpu.memory_space<semaphore_mem>>
          %dma_start3A_275 = arith.constant 0 : i32
          %dma_start3A_276 = tpu.memref_slice %arg9[%add3A_265, %dma_start3A_275] : memref<10240x16xf32, #tpu.memory_space<vmem_shared>> -> memref<40x16xf32, #tpu.memory_space<vmem_shared>>
          %dma_start3A_277 = arith.constant 0 : i32
          %dma_start3A_278 = tpu.memref_slice %arg9[%add3A_265, %dma_start3A_277] : memref<10240x16xf32, #tpu.memory_space<vmem_shared>> -> memref<40x16xf32, #tpu.memory_space<vmem_shared>>
          tpu.enqueue_dma source(%dma_start3A_278 : memref<40x16xf32, #tpu.memory_space<vmem_shared>>) target(%arg35 : memref<40x16xf32, #tpu.memory_space<vmem>>) target_semaphore(%run_scoped3A : memref<!tpu.dma_semaphore, #tpu.memory_space<semaphore_mem>>)
          %dma_wait3A_279 = arith.constant 0 : i32
          %dma_wait3A_280 = tpu.memref_slice %arg9[%add3A_265, %dma_wait3A_279] : memref<10240x16xf32, #tpu.memory_space<vmem_shared>> -> memref<40x16xf32, #tpu.memory_space<vmem_shared>>
          %dma_wait3A_281 = arith.constant 0 : i32
          %dma_wait3A_282 = tpu.memref_slice %arg9[%add3A_265, %dma_wait3A_281] : memref<10240x16xf32, #tpu.memory_space<vmem_shared>> -> memref<40x16xf32, #tpu.memory_space<vmem_shared>>
          tpu.wait_dma2 semaphore(%run_scoped3A : memref<!tpu.dma_semaphore, #tpu.memory_space<semaphore_mem>>) src(%dma_wait3A_282 : memref<40x16xf32, #tpu.memory_space<vmem_shared>>) dst(%arg35 : memref<40x16xf32, #tpu.memory_space<vmem>>)
          tpu.yield
        }) : () -> ()
        %scan3A_266 = arith.constant 0 : i32
        %scan3A_267 = arith.constant 0 : i32
        %scan3A_268 = arith.constant 40 : i32
        %scan3A_269 = arith.addi %scan3A_267, %scan3A_268 : i32
        %scan3A_270 = arith.constant 1 : i32
        scf.for %scan3A_275 = %scan3A_267 to %scan3A_269 step %scan3A_270  : i32 {
          %get3A = arith.index_cast %scan3A_275 : i32 to index
          %get3A_276 = arith.constant 0 : index
          %get3A_277 = tpu.vector_load %arg35[%get3A, %get3A_276] {strides = array<i32>} : memref<40x16xf32, #tpu.memory_space<vmem>>, vector<1x16xf32>,
          %get3A_278 = vector.shape_cast %get3A_277 : vector<1x16xf32> to vector<16xf32>
          %max3A = arith.constant 1.000000e+00 : f32
          %max3A_279 = vector.broadcast %max3A : f32 to vector<16xf32>
          %max3A_280 = arith.maximumf %get3A_278, %max3A_279 : vector<16xf32>
          %div3A = arith.constant 1.000000e+00 : f32
          %div3A_281 = vector.broadcast %div3A : f32 to vector<16xf32>
          %div3A_282 = arith.divf %div3A_281, %max3A_280 : vector<16xf32>
          %get3A_283 = arith.index_cast %scan3A_275 : i32 to index
          %get3A_284 = arith.constant 0 : index
          %get3A_285 = tpu.vector_load %arg30[%get3A_283, %get3A_284] {strides = array<i32>} : memref<40x128xf32, #tpu.memory_space<vmem>>, vector<1x16xf32>,
          %get3A_286 = vector.shape_cast %get3A_285 : vector<1x16xf32> to vector<16xf32>
          %mul3A_287 = arith.mulf %get3A_286, %div3A_282 : vector<16xf32>
          %swap3A = arith.index_cast %scan3A_275 : i32 to index
          %swap3A_288 = arith.constant 0 : index
          %swap3A_289 = tpu.vector_load %arg30[%swap3A, %swap3A_288] {strides = array<i32>} : memref<40x128xf32, #tpu.memory_space<vmem>>, vector<1x16xf32>,
          %swap3A_290 = vector.shape_cast %swap3A_289 : vector<1x16xf32> to vector<16xf32>
          %swap3A_291 = vector.shape_cast %mul3A_287 : vector<16xf32> to vector<1x16xf32>
          tpu.vector_store %arg30[%swap3A, %swap3A_288], %swap3A_291 {strides = array<i32>} : memref<40x128xf32, #tpu.memory_space<vmem>>, vector<1x16xf32>,
          %get3A_292 = arith.index_cast %scan3A_275 : i32 to index
          %get3A_293 = arith.constant 16 : index
          %get3A_294 = tpu.vector_load %arg30[%get3A_292, %get3A_293] {strides = array<i32>} : memref<40x128xf32, #tpu.memory_space<vmem>>, vector<1x16xf32>,
          %get3A_295 = vector.shape_cast %get3A_294 : vector<1x16xf32> to vector<16xf32>
          %mul3A_296 = arith.mulf %get3A_295, %div3A_282 : vector<16xf32>
          %swap3A_297 = arith.index_cast %scan3A_275 : i32 to index
          %swap3A_298 = arith.constant 16 : index
          %swap3A_299 = tpu.vector_load %arg30[%swap3A_297, %swap3A_298] {strides = array<i32>} : memref<40x128xf32, #tpu.memory_space<vmem>>, vector<1x16xf32>,
          %swap3A_300 = vector.shape_cast %swap3A_299 : vector<1x16xf32> to vector<16xf32>
          %swap3A_301 = vector.shape_cast %mul3A_296 : vector<16xf32> to vector<1x16xf32>
          tpu.vector_store %arg30[%swap3A_297, %swap3A_298], %swap3A_301 {strides = array<i32>} : memref<40x128xf32, #tpu.memory_space<vmem>>, vector<1x16xf32>,
          %get3A_302 = arith.index_cast %scan3A_275 : i32 to index
          %get3A_303 = arith.constant 32 : index
          %get3A_304 = tpu.vector_load %arg30[%get3A_302, %get3A_303] {strides = array<i32>} : memref<40x128xf32, #tpu.memory_space<vmem>>, vector<1x16xf32>,
          %get3A_305 = vector.shape_cast %get3A_304 : vector<1x16xf32> to vector<16xf32>
          %mul3A_306 = arith.mulf %get3A_305, %div3A_282 : vector<16xf32>
          %swap3A_307 = arith.index_cast %scan3A_275 : i32 to index
          %swap3A_308 = arith.constant 32 : index
          %swap3A_309 = tpu.vector_load %arg30[%swap3A_307, %swap3A_308] {strides = array<i32>} : memref<40x128xf32, #tpu.memory_space<vmem>>, vector<1x16xf32>,
          %swap3A_310 = vector.shape_cast %swap3A_309 : vector<1x16xf32> to vector<16xf32>
          %swap3A_311 = vector.shape_cast %mul3A_306 : vector<16xf32> to vector<1x16xf32>
          tpu.vector_store %arg30[%swap3A_307, %swap3A_308], %swap3A_311 {strides = array<i32>} : memref<40x128xf32, #tpu.memory_space<vmem>>, vector<1x16xf32>,
          %get3A_312 = arith.index_cast %scan3A_275 : i32 to index
          %get3A_313 = arith.constant 48 : index
          %get3A_314 = tpu.vector_load %arg30[%get3A_312, %get3A_313] {strides = array<i32>} : memref<40x128xf32, #tpu.memory_space<vmem>>, vector<1x16xf32>,
          %get3A_315 = vector.shape_cast %get3A_314 : vector<1x16xf32> to vector<16xf32>
          %mul3A_316 = arith.mulf %get3A_315, %div3A_282 : vector<16xf32>
          %swap3A_317 = arith.index_cast %scan3A_275 : i32 to index
          %swap3A_318 = arith.constant 48 : index
          %swap3A_319 = tpu.vector_load %arg30[%swap3A_317, %swap3A_318] {strides = array<i32>} : memref<40x128xf32, #tpu.memory_space<vmem>>, vector<1x16xf32>,
          %swap3A_320 = vector.shape_cast %swap3A_319 : vector<1x16xf32> to vector<16xf32>
          %swap3A_321 = vector.shape_cast %mul3A_316 : vector<16xf32> to vector<1x16xf32>
          tpu.vector_store %arg30[%swap3A_317, %swap3A_318], %swap3A_321 {strides = array<i32>} : memref<40x128xf32, #tpu.memory_space<vmem>>, vector<1x16xf32>,
          %get3A_322 = arith.index_cast %scan3A_275 : i32 to index
          %get3A_323 = arith.constant 64 : index
          %get3A_324 = tpu.vector_load %arg30[%get3A_322, %get3A_323] {strides = array<i32>} : memref<40x128xf32, #tpu.memory_space<vmem>>, vector<1x16xf32>,
          %get3A_325 = vector.shape_cast %get3A_324 : vector<1x16xf32> to vector<16xf32>
          %mul3A_326 = arith.mulf %get3A_325, %div3A_282 : vector<16xf32>
          %swap3A_327 = arith.index_cast %scan3A_275 : i32 to index
          %swap3A_328 = arith.constant 64 : index
          %swap3A_329 = tpu.vector_load %arg30[%swap3A_327, %swap3A_328] {strides = array<i32>} : memref<40x128xf32, #tpu.memory_space<vmem>>, vector<1x16xf32>,
          %swap3A_330 = vector.shape_cast %swap3A_329 : vector<1x16xf32> to vector<16xf32>
          %swap3A_331 = vector.shape_cast %mul3A_326 : vector<16xf32> to vector<1x16xf32>
          tpu.vector_store %arg30[%swap3A_327, %swap3A_328], %swap3A_331 {strides = array<i32>} : memref<40x128xf32, #tpu.memory_space<vmem>>, vector<1x16xf32>,
          %get3A_332 = arith.index_cast %scan3A_275 : i32 to index
          %get3A_333 = arith.constant 80 : index
          %get3A_334 = tpu.vector_load %arg30[%get3A_332, %get3A_333] {strides = array<i32>} : memref<40x128xf32, #tpu.memory_space<vmem>>, vector<1x16xf32>,
          %get3A_335 = vector.shape_cast %get3A_334 : vector<1x16xf32> to vector<16xf32>
          %mul3A_336 = arith.mulf %get3A_335, %div3A_282 : vector<16xf32>
          %swap3A_337 = arith.index_cast %scan3A_275 : i32 to index
          %swap3A_338 = arith.constant 80 : index
          %swap3A_339 = tpu.vector_load %arg30[%swap3A_337, %swap3A_338] {strides = array<i32>} : memref<40x128xf32, #tpu.memory_space<vmem>>, vector<1x16xf32>,
          %swap3A_340 = vector.shape_cast %swap3A_339 : vector<1x16xf32> to vector<16xf32>
          %swap3A_341 = vector.shape_cast %mul3A_336 : vector<16xf32> to vector<1x16xf32>
          tpu.vector_store %arg30[%swap3A_337, %swap3A_338], %swap3A_341 {strides = array<i32>} : memref<40x128xf32, #tpu.memory_space<vmem>>, vector<1x16xf32>,
          %get3A_342 = arith.index_cast %scan3A_275 : i32 to index
          %get3A_343 = arith.constant 96 : index
          %get3A_344 = tpu.vector_load %arg30[%get3A_342, %get3A_343] {strides = array<i32>} : memref<40x128xf32, #tpu.memory_space<vmem>>, vector<1x16xf32>,
          %get3A_345 = vector.shape_cast %get3A_344 : vector<1x16xf32> to vector<16xf32>
          %mul3A_346 = arith.mulf %get3A_345, %div3A_282 : vector<16xf32>
          %swap3A_347 = arith.index_cast %scan3A_275 : i32 to index
          %swap3A_348 = arith.constant 96 : index
          %swap3A_349 = tpu.vector_load %arg30[%swap3A_347, %swap3A_348] {strides = array<i32>} : memref<40x128xf32, #tpu.memory_space<vmem>>, vector<1x16xf32>,
          %swap3A_350 = vector.shape_cast %swap3A_349 : vector<1x16xf32> to vector<16xf32>
          %swap3A_351 = vector.shape_cast %mul3A_346 : vector<16xf32> to vector<1x16xf32>
          tpu.vector_store %arg30[%swap3A_347, %swap3A_348], %swap3A_351 {strides = array<i32>} : memref<40x128xf32, #tpu.memory_space<vmem>>, vector<1x16xf32>,
          %get3A_352 = arith.index_cast %scan3A_275 : i32 to index
          %get3A_353 = arith.constant 112 : index
          %get3A_354 = tpu.vector_load %arg30[%get3A_352, %get3A_353] {strides = array<i32>} : memref<40x128xf32, #tpu.memory_space<vmem>>, vector<1x16xf32>,
          %get3A_355 = vector.shape_cast %get3A_354 : vector<1x16xf32> to vector<16xf32>
          %mul3A_356 = arith.mulf %get3A_355, %div3A_282 : vector<16xf32>
          %swap3A_357 = arith.index_cast %scan3A_275 : i32 to index
          %swap3A_358 = arith.constant 112 : index
          %swap3A_359 = tpu.vector_load %arg30[%swap3A_357, %swap3A_358] {strides = array<i32>} : memref<40x128xf32, #tpu.memory_space<vmem>>, vector<1x16xf32>,
          %swap3A_360 = vector.shape_cast %swap3A_359 : vector<1x16xf32> to vector<16xf32>
          %swap3A_361 = vector.shape_cast %mul3A_356 : vector<16xf32> to vector<1x16xf32>
          tpu.vector_store %arg30[%swap3A_357, %swap3A_358], %swap3A_361 {strides = array<i32>} : memref<40x128xf32, #tpu.memory_space<vmem>>, vector<1x16xf32>,
        }
        %scan3A_271 = arith.constant 40 : i32
        %mul3A_272 = arith.constant 10000 : i32
        %mul3A_273 = arith.muli %arg0, %mul3A_272 : i32
        %add3A_274 = arith.addi %mul3A_273, %add3A_265 : i32
        "tpu.region"() ({
          %run_scoped3A = tpu.sem_alloc : memref<!tpu.dma_semaphore, #tpu.memory_space<semaphore_mem>>
          %dma_start3A_275 = arith.constant 0 : i32
          %dma_start3A_276 = tpu.memref_slice %arg7[%add3A_274, %dma_start3A_275] : memref<20000x128xf32, #tpu.memory_space<hbm>> -> memref<40x128xf32, #tpu.memory_space<hbm>>
          %dma_start3A_277 = arith.constant 0 : i32
          %dma_start3A_278 = tpu.memref_slice %arg7[%add3A_274, %dma_start3A_277] : memref<20000x128xf32, #tpu.memory_space<hbm>> -> memref<40x128xf32, #tpu.memory_space<hbm>>
          tpu.enqueue_dma source(%arg30 : memref<40x128xf32, #tpu.memory_space<vmem>>) target(%dma_start3A_278 : memref<40x128xf32, #tpu.memory_space<hbm>>) target_semaphore(%run_scoped3A : memref<!tpu.dma_semaphore, #tpu.memory_space<semaphore_mem>>)
          %dma_wait3A_279 = arith.constant 0 : i32
          %dma_wait3A_280 = tpu.memref_slice %arg7[%add3A_274, %dma_wait3A_279] : memref<20000x128xf32, #tpu.memory_space<hbm>> -> memref<40x128xf32, #tpu.memory_space<hbm>>
          %dma_wait3A_281 = arith.constant 0 : i32
          %dma_wait3A_282 = tpu.memref_slice %arg7[%add3A_274, %dma_wait3A_281] : memref<20000x128xf32, #tpu.memory_space<hbm>> -> memref<40x128xf32, #tpu.memory_space<hbm>>
          tpu.wait_dma2 semaphore(%run_scoped3A : memref<!tpu.dma_semaphore, #tpu.memory_space<semaphore_mem>>) src(%arg30 : memref<40x128xf32, #tpu.memory_space<vmem>>) dst(%dma_wait3A_282 : memref<40x128xf32, #tpu.memory_space<hbm>>)
          tpu.yield
        }) : () -> ()
      }
      %scan3A_261 = arith.constant 10 : i32
    } else {
    }
    return
  }
}

module attributes {stable_mosaic.version = 14 : i64} {
  func.func @_tc_body(%arg0: i32, %arg1: memref<1000x128xf32, #tpu.memory_space<vmem>>, %arg2: memref<1000x128xf32, #tpu.memory_space<vmem>>, %arg3: memref<128x128xf32, #tpu.memory_space<vmem>>, %arg4: memref<1x128xf32, #tpu.memory_space<vmem>>, %arg5: memref<128x128xf32, #tpu.memory_space<vmem>>, %arg6: memref<1000x128xf32, #tpu.memory_space<vmem>>) attributes {dimension_semantics = [#tpu.dimension_semantics<arbitrary>], iteration_bounds = array<i64: 20>, scalar_prefetch = 0 : i64, scratch_operands = 0 : i64, tpu.core_type = #tpu.core_type<tc>, window_params = [{transform_indices = @transform_0, window_bounds = array<i64: 1000, 128>}, {transform_indices = @transform_1, window_bounds = array<i64: 1000, 128>}, {pipeline_mode = #tpu.pipeline_mode<synchronous>, transform_indices = @transform_2, window_bounds = array<i64: 128, 128>}, {pipeline_mode = #tpu.pipeline_mode<synchronous>, transform_indices = @transform_3, window_bounds = array<i64: 1, 128>}, {pipeline_mode = #tpu.pipeline_mode<synchronous>, transform_indices = @transform_4, window_bounds = array<i64: 128, 128>}, {transform_indices = @transform_5, window_bounds = array<i64: 1000, 128>}]} {
    %get3A = arith.constant 0 : index
    %get3A_0 = arith.constant 0 : index
    %get3A_1 = vector.load %arg1[%get3A, %get3A_0] : memref<1000x128xf32, #tpu.memory_space<vmem>>, vector<1000x128xf32>
    %get3A_2 = arith.constant 0 : index
    %get3A_3 = arith.constant 0 : index
    %get3A_4 = vector.load %arg3[%get3A_2, %get3A_3] : memref<128x128xf32, #tpu.memory_space<vmem>>, vector<128x128xf32>
    %dot_general3A = arith.constant dense<0.000000e+00> : vector<1000x128xf32>
    %dot_general3A_5 = tpu.matmul %get3A_1, %get3A_4, %dot_general3A {dimension_numbers = #tpu.dot_dimension_numbers<[1], [0], [0], [1], [0, 0, 1, 1], [], []>, transpose_lhs_hint = false} : vector<1000x128xf32>, vector<128x128xf32>, vector<1000x128xf32> -> vector<1000x128xf32>
    %get3A_6 = arith.constant 0 : index
    %get3A_7 = arith.constant 0 : index
    %get3A_8 = vector.load %arg4[%get3A_6, %get3A_7] : memref<1x128xf32, #tpu.memory_space<vmem>>, vector<1x128xf32>
    %add3A = vector.broadcast %get3A_8 : vector<1x128xf32> to vector<1000x128xf32>
    %add3A_9 = arith.addf %dot_general3A_5, %add3A : vector<1000x128xf32>
    %get3A_10 = arith.constant 0 : index
    %get3A_11 = arith.constant 0 : index
    %get3A_12 = vector.load %arg2[%get3A_10, %get3A_11] : memref<1000x128xf32, #tpu.memory_space<vmem>>, vector<1000x128xf32>
    %get3A_13 = arith.constant 0 : index
    %get3A_14 = arith.constant 0 : index
    %get3A_15 = vector.load %arg5[%get3A_13, %get3A_14] : memref<128x128xf32, #tpu.memory_space<vmem>>, vector<128x128xf32>
    %dot_general3A_16 = arith.constant dense<0.000000e+00> : vector<1000x128xf32>
    %dot_general3A_17 = tpu.matmul %get3A_12, %get3A_15, %dot_general3A_16 {dimension_numbers = #tpu.dot_dimension_numbers<[1], [0], [0], [1], [0, 0, 1, 1], [], []>, transpose_lhs_hint = false} : vector<1000x128xf32>, vector<128x128xf32>, vector<1000x128xf32> -> vector<1000x128xf32>
    %add3A_18 = arith.addf %add3A_9, %dot_general3A_17 : vector<1000x128xf32>
    %swap3A = arith.constant 0 : index
    %swap3A_19 = arith.constant 0 : index
    %swap3A_20 = vector.load %arg6[%swap3A, %swap3A_19] : memref<1000x128xf32, #tpu.memory_space<vmem>>, vector<1000x128xf32>
    tpu.vector_store %arg6[%swap3A, %swap3A_19], %add3A_18 {strides = array<i32>} : memref<1000x128xf32, #tpu.memory_space<vmem>>, vector<1000x128xf32>,
    return
  }
  func.func @transform_0(%arg0: i32) -> (i32, i32) {
    %c0_i32 = arith.constant 0 : i32
    %c0_i32_0 = arith.constant 0 : i32
    return %arg0, %c0_i32 : i32, i32
  }
  func.func @transform_1(%arg0: i32) -> (i32, i32) {
    %c0_i32 = arith.constant 0 : i32
    %c0_i32_0 = arith.constant 0 : i32
    return %arg0, %c0_i32 : i32, i32
  }
  func.func @transform_2(%arg0: i32) -> (i32, i32) {
    %c0_i32 = arith.constant 0 : i32
    %c0_i32_0 = arith.constant 0 : i32
    %c0_i32_1 = arith.constant 0 : i32
    return %c0_i32, %c0_i32_0 : i32, i32
  }
  func.func @transform_3(%arg0: i32) -> (i32, i32) {
    %c0_i32 = arith.constant 0 : i32
    %c0_i32_0 = arith.constant 0 : i32
    %c0_i32_1 = arith.constant 0 : i32
    return %c0_i32, %c0_i32_0 : i32, i32
  }
  func.func @transform_4(%arg0: i32) -> (i32, i32) {
    %c0_i32 = arith.constant 0 : i32
    %c0_i32_0 = arith.constant 0 : i32
    %c0_i32_1 = arith.constant 0 : i32
    return %c0_i32, %c0_i32_0 : i32, i32
  }
  func.func @transform_5(%arg0: i32) -> (i32, i32) {
    %c0_i32 = arith.constant 0 : i32
    %c0_i32_0 = arith.constant 0 : i32
    return %arg0, %c0_i32 : i32, i32
  }
}

</mosaic_0001>

<sc_bundles>
// kernel: kernel.4.cloned.1.call-start
scs
__scs_entry_jumppad:
0x0: {  	(pc) =	sbr.rel $0x88, $3  }
0x1: {  	(tag) =	ssettag $0x0;
	lr =	simm.s32 $0x1  }
0x2: {  	[smem:$0x3F9C] =	sst lr;
	_ =	strace $0xD0000000  }
0x3: {  	_ = 	snop  }
0x4: {  	_ = 	snop  }
0x5: {  	_ = 	snop  }
0x6: {  	_ = 	snop  }
0x7: {  	_ = 	snop  }
__scs_overlays_trampoline_lowered:
0x8: {  	[smem:$0x3FAB] =	sst s0  }
0x9: {  	[smem:$0x3FAC] =	sst s1  }
0xa: {  	[smem:$0x3FAD] =	sst s2  }
0xb: {  	[smem:$0x3FAE] =	sst s3  }
0xc: {  	[smem:$0x3FAF] =	sst s4  }
0xd: {  	[smem:$0x3FB0] =	sst s5  }
0xe: {  	[smem:$0x3FB1] =	sst s6  }
0xf: {  	[smem:$0x3FB2] =	sst s7  }
0x10: {  	[smem:$0x3FB3] =	sst s8  }
0x11: {  	[smem:$0x3FB4] =	sst s9;
	s0 =	simm.s32 @!p0 $0x0  }
0x12: {  	s1 =	sld [smem:$0x3F9A];
	s0 =	simm.s32 @p0 $0x1  }
0x13: {  	[smem:$0x3FB5] =	sst s0;
	s0 =	simm.s32 @!p1 $0x0  }
0x14: {  	s2 =	sld [smem:$0x3F99];
	s0 =	simm.s32 @p1 $0x1  }
0x15: {  	[smem:$0x3FB6] =	sst s0;
	s0 =	simm.s32 @!p2 $0x0  }
0x16: {  	s3 =	sld [smem:$0x3FDB];
	s0 =	simm.s32 @p2 $0x1  }
0x17: {  	s4 =	simm.s32 $0x1BF5;
	[smem:$0x3FB8] =	sst s0  }
0x18: {  	s0 =	sld [smem:$0x3F9B];
	_ =	swait.ge [sflag:s4], $0x0  }
0x19: {  	s7 =	sld [smem:$0x3F9C]  }
0x1a: {  	s8 =	sadd.s32 $0xFFFFE003, lr  }
0x1b: {  	s9 =	sadd.s32 $0xFFFFFEF7, lr;
	s5 =	simm.s32 $0xFFFFFFFF;
	p2 =	slt.u32 s8, $0xFFFFF086  }
0x1c: {  	p1 =	slt.u32 s9, $0xF7A;
	s5 =	simm.s32 @!p2 $0x0  }
0x1d: {  	s5 =	simm.s32 @p1 $0x1;
	p0 =	seq.s32 s7, s2  }
0x1e: {  	s7 =	smul.u32 @!p0 $0xF7A, s2;
	p2 =	seq.s32 @!p0 s5, $0x0  }
0x1f: {  	s9 =	smul.u32 $0xF7A, s1;
	s8 =	simm.s32 @!p0 $0x1BF5;
	p2 =	por !p2, p0  }
0x20: {  	[sflag:s8] =	ssyncset.s32 @!p0 $0xFFFFF086;
	s6 =	sadd.s32 @!p0 s3, s7;
	s7 =	simm.s32 @!p0 $0x108  }
0x21: {  	s3 =	sadd.s32 s3, s9;
	s6 =	sadd.s32 @!p0 $0x88, s6;
	s7 =	simm.s32 @p2 $0x1082  }
0x22: {  	[simem:s7], [sflag:s8] =	dma.local @!p0 [hbm:s6], $0xF7A  }
0x23: {  	s9 =	sor.u32 $0xD0000000, s2;
	s6 =	simm.s32 $0x108;
	_ =	swait.ge @!p0 [sflag:s8], $0x0  }
0x24: {  	s3 =	sadd.s32 $0x88, s3;
	s6 =	simm.s32 @!p1 $0x1082;
	[sflag:s4] =	ssyncset.s32 $0xFFFFF086  }
0x25: {  	[simem:s6], [sflag:s4] =	dma.local [hbm:s3], $0xF7A  }
0x26: {  	[smem:$0x3F9C] =	sst s1;
	(tag) =	ssettag s2;
	_ =	strace s9  }
0x27: {  	s1 =	sld [smem:$0x3FAC]  }
0x28: {  	s2 =	sld [smem:$0x3FAD]  }
0x29: {  	s4 =	sld [smem:$0x3FAF]  }
0x2a: {  	p0 =	seq.s32 s5, $0x0;
	s5 =	sld [smem:$0x3FB0]  }
0x2b: {  	s6 =	sld [smem:$0x3FB1]  }
0x2c: {  	s7 =	sld [smem:$0x3FB2]  }
0x2d: {  	s3 =	simm.s32 $0x108;
	s8 =	sld [smem:$0x3FB3]  }
0x2e: {  	s3 =	simm.s32 @!p0 $0x1082;
	s9 =	sld [smem:$0x3FB4]  }
0x2f: {  	lr =	sadd.s32 s0, s3;
	s0 =	sld [smem:$0x3FAB]  }
0x30: {  	s3 =	sld [smem:$0x3FAE]  }
0x31: {  	[smem:$0x3FB7] =	sst s10  }
0x32: {  	s10 =	sld [smem:$0x3FB5];
	_ =	sdelay $0x3  }
0x33: {  	p0 =	seq.s32 s10, $0x1;
	s10 =	sld [smem:$0x3FB7];
	_ =	sdelay $0x3  }
0x34: {  	[smem:$0x3FB7] =	sst s10  }
0x35: {  	s10 =	sld [smem:$0x3FB6];
	_ =	sdelay $0x3  }
0x36: {  	p1 =	seq.s32 s10, $0x1;
	s10 =	sld [smem:$0x3FB7];
	_ =	sdelay $0x3  }
0x37: {  	[smem:$0x3FB7] =	sst s10  }
0x38: {  	s10 =	sld [smem:$0x3FB8]  }
0x39: {  	_ = 	snop;
	(pc) =	sbr.ind lr, $3  }
0x3a: {  	_ = 	snop  }
0x3b: {  	_ = 	snop  }
0x3c: {  	p2 =	seq.s32 s10, $0x1;
	s10 =	sld [smem:$0x3FB7]  }
0x3d: {  	_ =	shalt  }
0x3e: {  	_ =	shalt  }
0x3f: {  	_ =	shalt  }
0x40: {  	_ =	shalt  }
0x41: {  	_ =	shalt  }
0x42: {  	_ =	shalt  }
0x43: {  	_ =	shalt  }
0x44: {  	_ =	shalt  }
0x45: {  	_ =	shalt  }
0x46: {  	_ =	shalt  }
0x47: {  	_ =	shalt  }
0x48: {  	_ =	shalt  }
0x49: {  	_ =	shalt  }
0x4a: {  	_ =	shalt  }
0x4b: {  	_ =	shalt  }
0x4c: {  	_ =	shalt  }
0x4d: {  	_ =	shalt  }
0x4e: {  	_ =	shalt  }
0x4f: {  	_ =	shalt  }
0x50: {  	_ =	shalt  }
0x51: {  	_ =	shalt  }
0x52: {  	_ =	shalt  }
0x53: {  	_ =	shalt  }
0x54: {  	_ =	shalt  }
0x55: {  	_ =	shalt  }
0x56: {  	_ =	shalt  }
0x57: {  	_ =	shalt  }
0x58: {  	_ =	shalt  }
0x59: {  	_ =	shalt  }
0x5a: {  	_ =	shalt  }
0x5b: {  	_ =	shalt  }
0x5c: {  	_ =	shalt  }
0x5d: {  	_ =	shalt  }
0x5e: {  	_ =	shalt  }
0x5f: {  	_ =	shalt  }
0x60: {  	_ =	shalt  }
0x61: {  	_ =	shalt  }
0x62: {  	_ =	shalt  }
0x63: {  	_ =	shalt  }
0x64: {  	_ =	shalt  }
0x65: {  	_ =	shalt  }
0x66: {  	_ =	shalt  }
0x67: {  	_ =	shalt  }
0x68: {  	_ =	shalt  }
0x69: {  	_ =	shalt  }
0x6a: {  	_ =	shalt  }
0x6b: {  	_ =	shalt  }
0x6c: {  	_ =	shalt  }
0x6d: {  	_ =	shalt  }
0x6e: {  	_ =	shalt  }
0x6f: {  	_ =	shalt  }
0x70: {  	_ =	shalt  }
0x71: {  	_ =	shalt  }
0x72: {  	_ =	shalt  }
0x73: {  	_ =	shalt  }
0x74: {  	_ =	shalt  }
0x75: {  	_ =	shalt  }
0x76: {  	_ =	shalt  }
0x77: {  	_ =	shalt  }
0x78: {  	_ =	shalt  }
0x79: {  	_ =	shalt  }
0x7a: {  	_ =	shalt  }
0x7b: {  	_ =	shalt  }
0x7c: {  	_ =	shalt  }
0x7d: {  	_ =	shalt  }
0x7e: {  	_ =	shalt  }
0x7f: {  	_ =	shalt  }
0x80: {  	_ =	shalt  }
0x81: {  	_ =	shalt  }
0x82: {  	_ =	shalt  }
0x83: {  	_ =	shalt  }
0x84: {  	_ =	shalt  }
0x85: {  	_ =	shalt  }
0x86: {  	_ =	shalt  }
0x87: {  	_ =	shalt  }
.Lfunc_end0:
.L_simem_size_0:
called_computation_lowered:
.L_overlay_start_0:
0x88: {  	s2 =	sld [smem:$0x3FD9]  }
0x89: {  	s3 =	sld [smem:$0x3FFE];
	_ =	sdelay $0x1  }
0x8a: {  	s1 =	srdreg.scid  }
0x8b: {  	s0 =	sand.u32 $0x1, s1  }
0x8c: {  	s17 =	sshll.u32 s0, $0xA;
	s2 =	sadd.s32 s3, s2  }
0x8d: {  	s2 =	sadd.s32 s2, s17  }
0x8e: {  	[smem:$0x3FC3] =	sst s2  }
0x8f: {  	_ = 	snop  }
0x90: {  	s2 =	sld [smem:$0x3FC9]  }
0x91: {  	s18 =	sld [smem:$0x3FD0];
	(tm) =	ssettm $0x1  }
0x92: {  	s4 =	sld [smem:$0x3FFB];
	_ =	sdelay $0x3  }
0x93: {  	_ =	strace s4  }
0x94: {  	s4 =	sld [smem:$0x3FFC];
	_ =	sdelay $0x3  }
0x95: {  	_ =	strace s4  }
0x96: {  	s4 =	sld [smem:$0x3FFD];
	_ =	sdelay $0x3  }
0x97: {  	_ =	strace s4  }
0x98: {  	_ =	strace $0x8FFFFFFF  }
0x99: {  	s19 =	sld [smem:$0x3FDB];
	_ =	sdelay $0x1  }
0x9a: {  	s5 =	simm.s32 $_scs_section_size  }
0x9b: {  	s6 =	simm.s32 $_size__tile_overlayer_lowered;
	s7 =	simm.s32 $_tile_overlayer_lowered  }
0x9c: {  	s22 =	simm.s32 $0x1BFF;
	s21 =	sshll.u32 s7, $0x1;
	s4 =	sadd.s32 s5, s19  }
0x9d: {  	s8 =	simm.s32 $0x0;
	s20 =	sshll.u32 s6, $0x1;
	s6 =	sadd.s32 s21, s4  }
0x9e: {  	[timem:s8], [sflag:s22] =	dma.local [hbm:s6], s20  }
0x9f: {  	_ =	swait.ge [sflag:s22], s20  }
0xa0: {  	s5 =	ssub.s32 $0x0, s20;
	[sflag:s22] =	ssyncset.done $0x0  }
0xa1: {  	[sflag:s22] =	ssyncadd.s32 s5;
	_ =	sdelay $0x1  }
0xa2: {  	s23 =	simm.s32 $0x1B8B  }
0xa3: {  	_ =	swait.ge [sflag:s23], $0x1  }
0xa4: {  	[sflag:s23] =	ssyncset.done $0x0  }
0xa5: {  	s25 =	simm.s32 $0x1B8E;
	s24 =	sld [smem:$0x3FFE];
	[sflag:s23] =	ssyncadd.s32 $0xFFFFFFFF  }
0xa6: {  	s26 =	simm.s32 $execute0_lowered;
	[smem:$0x3FD2] =	sst s25  }
0xa7: {  	s6 =	sshll.u32 s26, $0x1;
	_ =	strace $0x80000046;
	[dreg:$0x1] =	wrdreg $0xFFFFFFFF  }
0xa8: {  	s28 =	simm.s32 $_size_execute0_lowered;
	s4 =	sadd.s32 s4, s6;
	[dreg:$0x0] =	wrdreg $0x0  }
0xa9: {  	s6 =	sshll.u32 s28, $0x1;
	[dreg:$0x2] =	wrdreg s4  }
0xaa: {  	[dreg:$0x3] =	wrdreg s6  }
0xab: {  	[dreg:$0x4] =	wrdreg $0xC0  }
0xac: {  	_ =	task [dreg:s8], $0x5FFFF  }
0xad: {  	[dreg:$0x1] =	wrdreg $0xFFFFFFFF  }
0xae: {  	[dreg:$0x0] =	wrdreg $0x60  }
0xaf: {  	[dreg:$0x2] =	wrdreg s2  }
0xb0: {  	[dreg:$0x3] =	wrdreg s24  }
0xb1: {  	[dreg:$0x4] =	wrdreg s18  }
0xb2: {  	[dreg:$0x5] =	wrdreg $0x0  }
0xb3: {  	[dreg:$0x6] =	wrdreg $0x140000  }
0xb4: {  	[dreg:$0x7] =	wrdreg $0x9  }
0xb5: {  	_ =	task.clear_ibuf [dreg:s8], $0x8FFFF;
	_ =	strace $0x90000046  }
0xb6: {  	s29 =	simm.s32 $0x9;
	_ =	strace $0x80000048  }
0xb7: {  	_ =	swait.ge [sflag:s29], $0x1  }
0xb8: {  	[sflag:s29] =	ssyncadd.s32 $0xFFFFFFFF  }
0xb9: {  	_ =	strace $0x90000048  }
0xba: {  	_ =	sfence  }
0xbb: {  	s30 =	sld [smem:$0x0];
	_ =	sdelay $0x2  }
0xbc: {  	s31 =	sshll.u32 s1, $0xD;
	s1 =	sshrl.u32 s1, $0x2  }
0xbd: {  	s3 =	sand.u32 $0x4000, s31;
	s1 =	sadd.s32 s1, s30  }
0xbe: {  	s0 =	sor.u32 s3, s0;
	s1 =	sshll.u32 s1, $0x11  }
0xbf: {  	s0 =	sor.u32 s1, s0  }
0xc0: {  	s0 =	sadd.s32 $0x8F2B, s0  }
0xc1: {  	[sflag:s0] =	ssyncadd.remote.s32 $0x1  }
0xc2: {  	_ =	sfence.sel $0xFFFF  }
0xc3: {  	[dreg:$0x0] =	wrdreg $0xFFFFFFFF;
	(pc) =	sbr.abs _section_cstart, $3  }
0xc4: {  	[dreg:$0x1] =	wrdreg $0xFFFFFFFF  }
0xc5: {  	_ =	task.clear_ibuf [dreg:s8], $0x2FFFF;
	_ =	strace $0x9FFFFFFF  }
0xc6: {  	(tm) =	ssettm $0x7FFFFFFF  }
0xc7: {  	_ =	shalt  }
tec
execute0_lowered:
.L_overlay_start_1:
0x0: {  	(tag) =	ssettag $0x1  }
0x1: {  	s29 =	rddreg [dreg:$0x0]  }
0x2: {  	s2 =	rddreg [dreg:$0x1]  }
0x3: {  	s25 =	rddreg [dreg:$0x3]  }
0x4: {  	s5 =	rddreg [dreg:$0x4];
	s6 =	simm.s32 $0x0  }
0x5: {  	s1 =	stileid.u32;
	s3 =	srdreg.scid;
	s28 =	simm.s32 $0xB  }
0x6: {  	s30 =	simm.s32 $0x28;
	s31 =	simm.s32 $0x6;
	s9 =	smul.u32 $0x14000, s1  }
0x7: {  	[smem:$0x7FF] =	sst s6;
	s10 =	smul.u32 $0x2800, s1;
	s13 =	sadd.s32 $0x1A00, s2  }
0x8: {  	s7 =	smul.u32 $0x4E20, s1;
	s16 =	sshll.u32 s1, $0x6;
	p0 =	seq.s32 s1, $0xF  }
0x9: {  	_ =	strace $0x80000047;
	s0 =	sshrl.u32 s9, $0x3;
	s4 =	sshrl.u32 s10, $0x3  }
0xa: {  	s19 =	sadd.s32 $0x190, s7;
	s20 =	sshrl.u32 s7, $0x3;
	s21 =	sadd.s32 $0x1B8, s7  }
0xb: {  	s22 =	sadd.s32 $0x1E0, s7;
	s24 =	sadd.s32 $0x208, s7;
	[dreg:$0x6] =	wrdreg s19  }
0xc: {  	s11 =	sadd.s32 s0, s2;
	s0 =	sand.u32 $0x1, s3;
	[dreg:$0x7] =	wrdreg s21  }
0xd: {  	s14 =	sadd.s32 s4, s2;
	s2 =	sadd.s32 $0x1F000, s2;
	[dreg:$0x8] =	wrdreg s22  }
0xe: {  	[dreg:$0x9] =	wrdreg s24;
	s22 =	sadd.s32 $0x9C428, s7;
	s12 =	ssub.s32 $0x2, s0  }
0xf: {  	s4 =	smul.u32 $0x4E200, s0;
	[dreg:$0x11] =	wrdreg s2;
	s15 =	sadd.s32 $0x24200, s11  }
0x10: {  	s2 =	sadd.s32 s9, s25;
	s9 =	sor.u32 $0x1C0D, s16;
	[dreg:$0x12] =	wrdreg s15  }
0x11: {  	s18 =	sadd.s32 $0x1F200, s14;
	s16 =	sadd.s32 $0x280, s7;
	[dreg:$0x13] =	wrdreg s9  }
0x12: {  	s0 =	smul.u32 $0x2710, s0;
	s8 =	sshrl.u32 s12, $0x1;
	[dreg:$0x14] =	wrdreg s18  }
0x13: {  	s9 =	sadd.s32 s10, s5;
	s15 =	sadd.s32 $0x258, s7;
	[dreg:$0xc] =	wrdreg s16  }
0x14: {  	s3 =	ssub.s32 s12, s8;
	s11 =	sadd.s32 s7, s4;
	s12 =	sadd.s32 s13, s20  }
0x15: {  	s8 =	sadd.s32 $0x230, s7;
	[dreg:$0xb] =	wrdreg s15;
	s15 =	smul.u32 $0x9C4, s1  }
0x16: {  	[smem:$0x7F6] =	sst s0;
	s0 =	simm.s32 $0x0;
	s17 =	sshrl.u32 s11, $0x3  }
0x17: {  	s23 =	sadd.s32 $0x13880, s12;
	s26 =	sadd.s32 $0x28, s11;
	[dreg:$0xa] =	wrdreg s8  }
0x18: {  	s18 =	sadd.s32 $0x168, s11;
	s20 =	sadd.s32 $0x140, s11;
	s24 =	sadd.s32 $0x78, s11  }
0x19: {  	s8 =	sadd.s32 $0x9C478, s7;
	s7 =	sadd.s32 $0x9C4C8, s7;
	s16 =	sadd.s32 $0x13894, s12  }
0x1a: {  	s17 =	sadd.s32 s13, s17;
	[dreg:$0x16] =	wrdreg s23;
	s14 =	sshrl.u32 s26, $0x3  }
0x1b: {  	s19 =	sadd.s32 s15, s13;
	s10 =	sshrl.u32 s18, $0x3;
	[dreg:$0x1e] =	wrdreg s16  }
0x1c: {  	s21 =	sshrl.u32 s20, $0x3;
	s18 =	sadd.s32 $0x1389E, s12;
	[dreg:$0xd] =	wrdreg s19  }
0x1d: {  	s26 =	sadd.s32 $0x118, s11;
	s20 =	sshrl.u32 s2, $0x3;
	[dreg:$0x1f] =	wrdreg s18  }
0x1e: {  	s15 =	sshrl.u32 s22, $0x3;
	s11 =	sadd.s32 $0xC8, s11;
	[smem:$0x7F8] =	sst s20  }
0x1f: {  	s22 =	smul.u32 $0x280, s1;
	s14 =	sadd.s32 s13, s14;
	[dreg:$0x15] =	wrdreg s17  }
0x20: {  	s1 =	simm.s32 $0xD;
	s10 =	sadd.s32 s10, s13;
	[dreg:$0x17] =	wrdreg s14  }
0x21: {  	s2 =	simm.s32 $0x169E0;
	s23 =	sadd.s32 s21, s13;
	[dreg:$0xe] =	wrdreg s10  }
0x22: {  	s16 =	simm.s32 $0x16A08;
	s15 =	sadd.s32 s13, s15;
	[dreg:$0xf] =	wrdreg s23  }
0x23: {  	s11 =	sshrl.u32 s11, $0x3;
	s19 =	smax.u32 s3, $0x1;
	[dreg:$0x18] =	wrdreg s15  }
0x24: {  	s21 =	sshrl.u32 s9, $0x3;
	s9 =	simm.s32 $0x1CF20;
	[smem:$0x7F7] =	sst s19  }
0x25: {  	s14 =	sshrl.u32 s24, $0x3;
	s10 =	sshrl.u32 s26, $0x3;
	[smem:$0x7F9] =	sst s21  }
0x26: {  	s11 =	sadd.s32 s13, s11;
	s15 =	sadd.s32 $0x1388A, s12;
	[smem:$0x7FA] =	sst s22  }
0x27: {  	s23 =	sadd.s32 $0xA, s17;
	s24 =	sadd.s32 $0x14, s17;
	[dreg:$0x1b] =	wrdreg s11  }
0x28: {  	s26 =	sadd.s32 $0x1E, s17;
	s21 =	simm.s32 $0x16990;
	[dreg:$0x1d] =	wrdreg s15  }
0x29: {  	s19 =	simm.s32 $0x7;
	s22 =	simm.s32 $0x4;
	[smem:$0x7FB] =	sst s23  }
0x2a: {  	s14 =	sadd.s32 s13, s14;
	s10 =	sadd.s32 s10, s13;
	[smem:$0x7FC] =	sst s24  }
0x2b: {  	[smem:$0x7FD] =	sst s26;
	s23 =	simm.s32 $0x16828;
	s24 =	simm.s32 $0x169B8  }
.Ltmp0:
0x2c: {  	s15 =	simm.s32 $0x16850;
	s11 =	simm.s32 $0x16878;
	(pc) =	sbr.rel .LBB2_1-.Ltmp0, $4  }
0x2d: {  	s26 =	simm.s32 $0x16A08;
	[dreg:$0x10] =	wrdreg s10;
	s10 =	sshrl.u32 s8, $0x3  }
0x2e: {  	[dreg:$0x19] =	wrdreg s14;
	s14 =	sshrl.u32 s7, $0x3;
	s10 =	sadd.s32 s13, s10  }
0x2f: {  	s8 =	simm.s32 $0x1CF20;
	[dreg:$0x1a] =	wrdreg s10;
	s10 =	sadd.s32 s13, s14  }
0x30: {  	s7 =	simm.s32 $0x0;
	[dreg:$0x1c] =	wrdreg s10;
	s10 =	simm.s32 $0xC  }
.LBB2_10:
0x31: {  	s14 =	sld [smem:$0x7F7];
	_ =	sdelay $0x1  }
0x32: {  	s0 =	sadd.s32 $0x1, s0  }
0x33: {  	p1 =	sne.s32 s0, s14  }
.Ltmp1:
0x34: {  	_ = 	snop;
	(pc) =	sbr.rel @!p1 .LBB2_11-.Ltmp1, $2  }
0x35: {  	_ =	sdelay $0x2  }
0x36: {  	s21 =	simm.s32 $0x16990;
	s23 =	simm.s32 $0x16828;
	s26 =	simm.s32 $0x16A08  }
.LBB2_1:
0x37: {  	[smem:$0x7F5] =	sst s0  }
0x38: {  	s20 =	sld [smem:$0x7F8]  }
0x39: {  	s14 =	rddreg [dreg:$0x12]  }
0x3a: {  	s18 =	rddreg [dreg:$0x13]  }
0x3b: {  	[spmem:s20], [sflag:s18] =	dma.local [hbm:s14], $0x2800  }
0x3c: {  	_ =	swait.ge [sflag:s1], $0x2800  }
0x3d: {  	s3 =	sld [smem:$0x7F9]  }
0x3e: {  	[sflag:s1] =	ssyncset.done $0x0  }
0x3f: {  	s0 =	rddreg [dreg:$0x14];
	[sflag:s1] =	ssyncadd.s32 $0xFFFFD800  }
0x40: {  	[spmem:s3], [sflag:s18] =	dma.local [hbm:s0], $0x500  }
0x41: {  	_ =	swait.ge [sflag:s1], $0x500  }
0x42: {  	[sflag:s1] =	ssyncset.done $0x0  }
0x43: {  	s12 =	rddreg [dreg:$0x11];
	[sflag:s1] =	ssyncadd.s32 $0xFFFFFB00  }
0x44: {  	[tilespmem:s9], [sflag:$0xD] =	stream.linear.gather [hbm4b:s12+s6], $0x280, $0x38;
	[tilespmem:$0x1D1A0] =	vst v63  }
0x45: {  	_ =	swait.ge [sflag:s1], $0x280  }
0x46: {  	[sflag:s1] =	ssyncset.done $0x0  }
0x47: {  	[sflag:s1] =	ssyncadd.s32 $0xFFFFFD80  }
0x48: {  	[bflag:$0x0] =	sbarrier.arrive $0xFFFF  }
0x49: {  	s0 =	simm.s32 $0x16800;
	s17 =	rddreg [dreg:$0x15]  }
0x4a: {  	[tilespmem:s0], [sflag:$0xB] =	stream.linear.gather [hbm4b:s17+s6], $0x28, $0x38;
	[tilespmem:$0x1D1A0] =	vst v63  }
0x4b: {  	s18 =	rddreg [dreg:$0x16]  }
0x4c: {  	[tilespmem:s21], [sflag:$0xB] =	stream.linear.gather [hbm4b:s18+s6], $0x28, $0x38;
	[tilespmem:$0x1D1A0] =	vst v63  }
0x4d: {  	s20 =	rddreg [dreg:$0x17]  }
0x4e: {  	[tilespmem:s23], [sflag:$0xB] =	stream.linear.gather [hbm4b:s20+s6], $0x28, $0x38;
	[tilespmem:$0x1D1A0] =	vst v63  }
0x4f: {  	s21 =	rddreg [dreg:$0x18]  }
0x50: {  	[tilespmem:s24], [sflag:$0xB] =	stream.linear.gather [hbm4b:s21+s6], $0x28, $0x38;
	[tilespmem:$0x1D1A0] =	vst v63  }
0x51: {  	s24 =	sld [smem:$0x7FB];
	_ =	sdelay $0x1  }
0x52: {  	s1 =	rddreg [dreg:$0x1d]  }
0x53: {  	[tilespmem:s15], [sflag:$0xB] =	stream.linear.gather [hbm4b:s24+s6], $0x28, $0x38;
	[tilespmem:$0x1D1A0] =	vst v63  }
0x54: {  	s3 =	rddreg [dreg:$0x19]  }
0x55: {  	[tilespmem:s2], [sflag:$0xB] =	stream.linear.gather [hbm4b:s1+s6], $0x28, $0x38;
	[tilespmem:$0x1D1A0] =	vst v63  }
0x56: {  	s12 =	rddreg [dreg:$0x1a]  }
0x57: {  	[tilespmem:s11], [sflag:$0xB] =	stream.linear.gather [hbm4b:s3+s6], $0x28, $0x38;
	[tilespmem:$0x1D1A0] =	vst v63  }
0x58: {  	s17 =	sld [smem:$0x7FC]  }
0x59: {  	[tilespmem:s26], [sflag:$0xB] =	stream.linear.gather [hbm4b:s12+s6], $0x28, $0x38;
	[tilespmem:$0x1D1A0] =	vst v63  }
0x5a: {  	s18 =	simm.s32 $0x168A0;
	s20 =	rddreg [dreg:$0x1e]  }
0x5b: {  	[tilespmem:s18], [sflag:$0xB] =	stream.linear.gather [hbm4b:s17+s6], $0x28, $0x38;
	[tilespmem:$0x1D1A0] =	vst v63  }
0x5c: {  	s21 =	simm.s32 $0x16A30;
	s24 =	rddreg [dreg:$0x1b]  }
0x5d: {  	[tilespmem:s21], [sflag:$0xB] =	stream.linear.gather [hbm4b:s20+s6], $0x28, $0x38;
	[tilespmem:$0x1D1A0] =	vst v63  }
0x5e: {  	s1 =	rddreg [dreg:$0x1c];
	s26 =	simm.s32 $0x168C8  }
0x5f: {  	[tilespmem:s26], [sflag:$0xB] =	stream.linear.gather [hbm4b:s24+s6], $0x28, $0x38;
	[tilespmem:$0x1D1A0] =	vst v63  }
0x60: {  	s2 =	simm.s32 $0x16A58;
	s3 =	sld [smem:$0x7FD]  }
0x61: {  	[tilespmem:s2], [sflag:$0xB] =	stream.linear.gather [hbm4b:s1+s6], $0x28, $0x38;
	[tilespmem:$0x1D1A0] =	vst v63  }
0x62: {  	s12 =	simm.s32 $0x168F0  }
0x63: {  	[tilespmem:s12], [sflag:$0xB] =	stream.linear.gather [hbm4b:s3+s6], $0x28, $0x38;
	[tilespmem:$0x1D1A0] =	vst v63  }
0x64: {  	s17 =	rddreg [dreg:$0x1f];
	s20 =	simm.s32 $0x16A80  }
0x65: {  	[tilespmem:s20], [sflag:$0xB] =	stream.linear.gather [hbm4b:s17+s6], $0x28, $0x38;
	[tilespmem:$0x1D1A0] =	vst v63  }
0x66: {  	_ =	swait.ge [sflag:s28], $0x28  }
0x67: {  	[sflag:s28] =	ssyncset.done $0x0  }
0x68: {  	[sflag:s28] =	ssyncadd.s32 $0xFFFFFFD8  }
0x69: {  	_ =	swait.ge [sflag:s28], $0x28  }
0x6a: {  	[sflag:s28] =	ssyncset.done $0x0  }
0x6b: {  	s18 =	simm.s32 $0x16B20;
	[sflag:s28] =	ssyncadd.s32 $0xFFFFFFD8  }
0x6c: {  	[tilespmem:s18], [sflag:$0x1] =	stream.indirect.gather [hbm4b:s29+s30], $0x80, s0, s30, $0xb8;
	[tilespmem:$0x1D1A0] =	vst v63  }
0x6d: {  	_ =	swait.ge [sflag:s28], $0x28  }
0x6e: {  	[sflag:s28] =	ssyncset.done $0x0  }
0x6f: {  	[sflag:s28] =	ssyncadd.s32 $0xFFFFFFD8  }
0x70: {  	_ =	swait.ge [sflag:s28], $0x28  }
0x71: {  	[sflag:s28] =	ssyncset.done $0x0  }
0x72: {  	s21 =	simm.s32 $0x17F20;
	[sflag:s28] =	ssyncadd.s32 $0xFFFFFFD8  }
0x73: {  	[tilespmem:s21], [sflag:$0x2] =	stream.indirect.gather [hbm4b:s29+s30], $0x80, s23, s30, $0xb8;
	[tilespmem:$0x1D1A0] =	vst v63  }
0x74: {  	_ =	swait.ge [sflag:s28], $0x28  }
0x75: {  	[sflag:s28] =	ssyncset.done $0x0  }
0x76: {  	[sflag:s28] =	ssyncadd.s32 $0xFFFFFFD8  }
0x77: {  	_ =	swait.ge [sflag:s28], $0x28  }
0x78: {  	[sflag:s28] =	ssyncset.done $0x0  }
0x79: {  	s24 =	simm.s32 $0x19320;
	[sflag:s28] =	ssyncadd.s32 $0xFFFFFFD8  }
0x7a: {  	[tilespmem:s24], [sflag:$0x3] =	stream.indirect.gather [hbm4b:s29+s30], $0x80, s15, s30, $0xb8;
	[tilespmem:$0x1D1A0] =	vst v63  }
0x7b: {  	_ =	swait.ge [sflag:s28], $0x28  }
0x7c: {  	[sflag:s28] =	ssyncset.done $0x0  }
0x7d: {  	[sflag:s28] =	ssyncadd.s32 $0xFFFFFFD8  }
0x7e: {  	_ =	swait.ge [sflag:s28], $0x28  }
0x7f: {  	[sflag:s28] =	ssyncset.done $0x0  }
0x80: {  	s26 =	simm.s32 $0x1A720;
	[sflag:s28] =	ssyncadd.s32 $0xFFFFFFD8  }
0x81: {  	[tilespmem:s26], [sflag:$0x4] =	stream.indirect.gather [hbm4b:s29+s30], $0x80, s11, s30, $0xb8;
	[tilespmem:$0x1D1A0] =	vst v63  }
0x82: {  	s23 =	simm.s32 $0x0;
	s26 =	simm.s32 $0x0  }
.LBB2_2:
0x83: {  	s20 =	simm.s32 $0x1  }
0x84: {  	_ =	swait.ge [sflag:s20], $0x1400  }
0x85: {  	p1 =	seq.s32 s26, $0x0;
	[sflag:s20] =	ssyncset.done $0x0  }
0x86: {  	s14 =	simm.s32 @!p1 $0xA;
	[sflag:s20] =	ssyncadd.s32 $0xFFFFEC00  }
0x87: {  	_ =	swait.ge @!p1 [sflag:s14], $0x1400  }
0x88: {  	[sflag:s14] =	ssyncset.done @!p1 $0x0  }
0x89: {  	[sflag:s14] =	ssyncadd.s32 @!p1 $0xFFFFEC00;
	s14 =	simm.s32 @!p1 $0xC  }
0x8a: {  	_ =	swait.ge @!p1 [sflag:s14], $0x280  }
0x8b: {  	[sflag:s14] =	ssyncset.done @!p1 $0x0  }
0x8c: {  	[sflag:s14] =	ssyncadd.s32 @!p1 $0xFFFFFD80  }
0x8d: {  	_ =	swait.ge [sflag:s28], $0x28  }
0x8e: {  	[sflag:s28] =	ssyncset.done $0x0  }
0x8f: {  	[sflag:s28] =	ssyncadd.s32 $0xFFFFFFD8  }
0x90: {  	_ =	swait.ge [sflag:s28], $0x28  }
0x91: {  	s1 =	simm.s32 $0x168A0;
	[sflag:s28] =	ssyncset.done $0x0  }
0x92: {  	s0 =	simm.s32 $0x1BB20;
	s24 =	rddreg [dreg:$0x10];
	[sflag:s28] =	ssyncadd.s32 $0xFFFFFFD8  }
0x93: {  	[tilespmem:s0], [sflag:$0x5] =	stream.indirect.gather [hbm4b:s29+s30], $0x80, s1, s30, $0xb8;
	[tilespmem:$0x1D1A0] =	vst v63  }
0x94: {  	s3 =	simm.s32 $0x16918;
	s18 =	rddreg [dreg:$0xd];
	s14 =	sadd.s32 s26, s24  }
0x95: {  	[tilespmem:s3], [sflag:$0xB] =	stream.linear.gather [hbm4b:s14+s6], $0x28, $0x38;
	[tilespmem:$0x1D1A0] =	vst v63  }
0x96: {  	s14 =	sadd.s32 s26, s18  }
0x97: {  	s1 =	simm.s32 $0x16AA8;
	s18 =	sadd.s32 $0x138A3, s14  }
0x98: {  	[tilespmem:s1], [sflag:$0xB] =	stream.linear.gather [hbm4b:s18+s6], $0x28, $0x38;
	[tilespmem:$0x1D1A0] =	vst v63  }
0x99: {  	s15 =	simm.s32 $0x16B20;
	s0 =	simm.s32 $0x16990  }
0x9a: {  	[spmem:s25] =	stream.indirect.scatter.add.f32 [tilespmem:s15], [sflag:$0x6], $0x80, s0, s30, $0xb8;
	[tilespmem:$0x1D1A0] =	vst v63  }
0x9b: {  	s24 =	simm.s32 $0x2  }
0x9c: {  	[spmem:s5] =	stream.indirect.scatter.add.f32 [tilespmem:s9], [sflag:$0xC], $0x10, s0, s30, $0xb8;
	[tilespmem:$0x1D1A0] =	vst v63  }
0x9d: {  	_ =	swait.ge [sflag:s24], $0x1400  }
0x9e: {  	[sflag:s24] =	ssyncset.done $0x0  }
0x9f: {  	[sflag:s24] =	ssyncadd.s32 $0xFFFFEC00  }
0xa0: {  	_ =	swait.ge [sflag:s31], $0x1400  }
0xa1: {  	[sflag:s31] =	ssyncset.done $0x0  }
0xa2: {  	[sflag:s31] =	ssyncadd.s32 $0xFFFFEC00  }
0xa3: {  	_ =	swait.ge [sflag:s10], $0x280  }
0xa4: {  	[sflag:s10] =	ssyncset.done $0x0  }
0xa5: {  	[sflag:s10] =	ssyncadd.s32 $0xFFFFFD80  }
0xa6: {  	_ =	swait.ge [sflag:s28], $0x28  }
0xa7: {  	[sflag:s28] =	ssyncset.done $0x0  }
0xa8: {  	[sflag:s28] =	ssyncadd.s32 $0xFFFFFFD8  }
0xa9: {  	_ =	swait.ge [sflag:s28], $0x28  }
0xaa: {  	[sflag:s28] =	ssyncset.done $0x0  }
0xab: {  	s9 =	simm.s32 $0x168C8;
	s2 =	rddreg [dreg:$0xf];
	[sflag:s28] =	ssyncadd.s32 $0xFFFFFFD8  }
0xac: {  	[tilespmem:s15], [sflag:$0x1] =	stream.indirect.gather [hbm4b:s29+s30], $0x80, s9, s30, $0xb8;
	[tilespmem:$0x1D1A0] =	vst v63  }
0xad: {  	s17 =	simm.s32 $0x16940;
	s18 =	sadd.s32 s26, s2  }
0xae: {  	[tilespmem:s17], [sflag:$0xB] =	stream.linear.gather [hbm4b:s18+s6], $0x28, $0x38;
	[tilespmem:$0x1D1A0] =	vst v63  }
0xaf: {  	s12 =	simm.s32 $0x16AD0;
	s11 =	sadd.s32 $0x138A8, s14  }
0xb0: {  	[tilespmem:s12], [sflag:$0xB] =	stream.linear.gather [hbm4b:s11+s6], $0x28, $0x38;
	[tilespmem:$0x1D1A0] =	vst v63  }
0xb1: {  	s9 =	simm.s32 $0x169B8;
	s18 =	simm.s32 $0x17F20  }
0xb2: {  	[spmem:s25] =	stream.indirect.scatter.add.f32 [tilespmem:s18], [sflag:$0x7], $0x80, s9, s30, $0xb8;
	[tilespmem:$0x1D1A0] =	vst v63  }
0xb3: {  	s12 =	simm.s32 $0x3  }
0xb4: {  	[spmem:s5] =	stream.indirect.scatter.add.f32 [tilespmem:s8], [sflag:$0xC], $0x10, s9, s30, $0xb8;
	[tilespmem:$0x1D1A0] =	vst v63  }
0xb5: {  	_ =	swait.ge [sflag:s12], $0x1400  }
0xb6: {  	[sflag:s12] =	ssyncset.done $0x0  }
0xb7: {  	[sflag:s12] =	ssyncadd.s32 $0xFFFFEC00  }
0xb8: {  	_ =	swait.ge [sflag:s19], $0x1400  }
0xb9: {  	[sflag:s19] =	ssyncset.done $0x0  }
0xba: {  	[sflag:s19] =	ssyncadd.s32 $0xFFFFEC00  }
0xbb: {  	_ =	swait.ge [sflag:s10], $0x280  }
0xbc: {  	[sflag:s10] =	ssyncset.done $0x0  }
0xbd: {  	[sflag:s10] =	ssyncadd.s32 $0xFFFFFD80  }
0xbe: {  	_ =	swait.ge [sflag:s28], $0x28  }
0xbf: {  	[sflag:s28] =	ssyncset.done $0x0  }
0xc0: {  	[sflag:s28] =	ssyncadd.s32 $0xFFFFFFD8  }
0xc1: {  	_ =	swait.ge [sflag:s28], $0x28  }
0xc2: {  	s2 =	simm.s32 $0x17F20;
	[sflag:s28] =	ssyncset.done $0x0  }
0xc3: {  	s11 =	simm.s32 $0x168F0;
	s21 =	rddreg [dreg:$0xe];
	[sflag:s28] =	ssyncadd.s32 $0xFFFFFFD8  }
0xc4: {  	[tilespmem:s2], [sflag:$0x2] =	stream.indirect.gather [hbm4b:s29+s30], $0x80, s11, s30, $0xb8;
	[tilespmem:$0x1D1A0] =	vst v63  }
0xc5: {  	s18 =	sadd.s32 s26, s21;
	s11 =	simm.s32 $0x16968  }
0xc6: {  	[tilespmem:s11], [sflag:$0xB] =	stream.linear.gather [hbm4b:s18+s6], $0x28, $0x38;
	[tilespmem:$0x1D1A0] =	vst v63  }
0xc7: {  	s14 =	sadd.s32 $0x138AD, s14;
	s18 =	simm.s32 $0x16AF8  }
0xc8: {  	[tilespmem:s18], [sflag:$0xB] =	stream.linear.gather [hbm4b:s14+s6], $0x28, $0x38;
	[tilespmem:$0x1D1A0] =	vst v63  }
0xc9: {  	s21 =	simm.s32 $0x19320;
	s2 =	simm.s32 $0x169E0  }
0xca: {  	[spmem:s25] =	stream.indirect.scatter.add.f32 [tilespmem:s21], [sflag:$0x8], $0x80, s2, s30, $0xb8;
	[tilespmem:$0x1D1A0] =	vst v63  }
0xcb: {  	_ = 	snop  }
0xcc: {  	[spmem:s5] =	stream.indirect.scatter.add.f32 [tilespmem:s8], [sflag:$0xC], $0x10, s2, s30, $0xb8;
	[tilespmem:$0x1D1A0] =	vst v63  }
0xcd: {  	_ =	swait.ge [sflag:s22], $0x1400  }
0xce: {  	[sflag:s22] =	ssyncset.done $0x0  }
0xcf: {  	s21 =	simm.s32 $0x8;
	[sflag:s22] =	ssyncadd.s32 $0xFFFFEC00  }
0xd0: {  	_ =	swait.ge [sflag:s21], $0x1400  }
0xd1: {  	[sflag:s21] =	ssyncset.done $0x0  }
0xd2: {  	[sflag:s21] =	ssyncadd.s32 $0xFFFFEC00  }
0xd3: {  	_ =	swait.ge [sflag:s10], $0x280  }
0xd4: {  	[sflag:s10] =	ssyncset.done $0x0  }
0xd5: {  	[sflag:s10] =	ssyncadd.s32 $0xFFFFFD80  }
0xd6: {  	_ =	swait.ge [sflag:s28], $0x28  }
0xd7: {  	[sflag:s28] =	ssyncset.done $0x0  }
0xd8: {  	s14 =	smin.u32 s23, $0x1E9;
	[sflag:s28] =	ssyncadd.s32 $0xFFFFFFD8  }
0xd9: {  	s14 =	smul.u32 $0x28, s14;
	_ =	swait.ge [sflag:s28], $0x28  }
0xda: {  	[sflag:s28] =	ssyncset.done $0x0;
	s18 =	rddreg [dreg:$0x6]  }
0xdb: {  	s1 =	simm.s32 $0x19320;
	[sflag:s28] =	ssyncadd.s32 $0xFFFFFFD8;
	s14 =	sadd.s32 s14, s18  }
0xdc: {  	[tilespmem:s1], [sflag:$0x3] =	stream.indirect.gather [hbm4b:s29+s30], $0x80, s3, s30, $0xb8;
	[tilespmem:$0x1D1A0] =	vst v63  }
0xdd: {  	s18 =	sadd.s32 s4, s14  }
0xde: {  	s14 =	sshrl.u32 s14, $0x3;
	s18 =	sshrl.u32 s18, $0x3  }
0xdf: {  	s3 =	simm.s32 $0x16800;
	s14 =	sadd.s32 s13, s14;
	s18 =	sadd.s32 s13, s18  }
0xe0: {  	[tilespmem:s3], [sflag:$0xB] =	stream.linear.gather [hbm4b:s18+s6], $0x28, $0x38;
	[tilespmem:$0x1D1A0] =	vst v63  }
0xe1: {  	s14 =	sadd.s32 $0x13880, s14  }
0xe2: {  	[tilespmem:s0], [sflag:$0xB] =	stream.linear.gather [hbm4b:s14+s6], $0x28, $0x38;
	[tilespmem:$0x1D1A0] =	vst v63  }
0xe3: {  	s6 =	simm.s32 $0x1A720  }
0xe4: {  	[spmem:s25] =	stream.indirect.scatter.add.f32 [tilespmem:s6], [sflag:$0x9], $0x80, s16, s30, $0xb8;
	[tilespmem:$0x1D1A0] =	vst v63  }
0xe5: {  	s0 =	simm.s32 $0x5  }
0xe6: {  	[spmem:s5] =	stream.indirect.scatter.add.f32 [tilespmem:s8], [sflag:$0xC], $0x10, s16, s30, $0xb8;
	[tilespmem:$0x1D1A0] =	vst v63  }
0xe7: {  	_ =	swait.ge [sflag:s0], $0x1400  }
0xe8: {  	[sflag:s0] =	ssyncset.done $0x0  }
0xe9: {  	s1 =	simm.s32 $0x9;
	[sflag:s0] =	ssyncadd.s32 $0xFFFFEC00  }
0xea: {  	_ =	swait.ge [sflag:s1], $0x1400  }
0xeb: {  	[sflag:s1] =	ssyncset.done $0x0  }
0xec: {  	[sflag:s1] =	ssyncadd.s32 $0xFFFFEC00  }
0xed: {  	_ =	swait.ge [sflag:s10], $0x280  }
0xee: {  	[sflag:s10] =	ssyncset.done $0x0  }
0xef: {  	[sflag:s10] =	ssyncadd.s32 $0xFFFFFD80  }
0xf0: {  	_ =	swait.ge [sflag:s28], $0x28  }
0xf1: {  	[sflag:s28] =	ssyncset.done $0x0  }
0xf2: {  	s18 =	smin.u32 s23, $0x1E8;
	[sflag:s28] =	ssyncadd.s32 $0xFFFFFFD8  }
0xf3: {  	s14 =	smul.u32 $0x28, s18;
	_ =	swait.ge [sflag:s28], $0x28  }
0xf4: {  	[sflag:s28] =	ssyncset.done $0x0;
	s3 =	rddreg [dreg:$0x7]  }
0xf5: {  	[sflag:s28] =	ssyncadd.s32 $0xFFFFFFD8;
	s14 =	sadd.s32 s14, s3  }
0xf6: {  	[tilespmem:s6], [sflag:$0x4] =	stream.indirect.gather [hbm4b:s29+s30], $0x80, s17, s30, $0xb8;
	[tilespmem:$0x1D1A0] =	vst v63  }
0xf7: {  	s18 =	sadd.s32 s4, s14  }
0xf8: {  	s14 =	sshrl.u32 s14, $0x3;
	s18 =	sshrl.u32 s18, $0x3  }
0xf9: {  	s17 =	simm.s32 $0x16828;
	s14 =	sadd.s32 s13, s14;
	s18 =	sadd.s32 s13, s18  }
0xfa: {  	[tilespmem:s17], [sflag:$0xB] =	stream.linear.gather [hbm4b:s18+s7], $0x28, $0x38;
	[tilespmem:$0x1D1A0] =	vst v63  }
0xfb: {  	s14 =	sadd.s32 $0x13880, s14  }
0xfc: {  	[tilespmem:s9], [sflag:$0xB] =	stream.linear.gather [hbm4b:s14+s7], $0x28, $0x38;
	[tilespmem:$0x1D1A0] =	vst v63  }
0xfd: {  	s3 =	simm.s32 $0x16A30;
	s9 =	simm.s32 $0x1BB20  }
0xfe: {  	[spmem:s25] =	stream.indirect.scatter.add.f32 [tilespmem:s9], [sflag:$0xA], $0x80, s3, s30, $0xb8;
	[tilespmem:$0x1D1A0] =	vst v63  }
0xff: {  	_ = 	snop  }
0x100: {  	[spmem:s5] =	stream.indirect.scatter.add.f32 [tilespmem:s8], [sflag:$0xC], $0x10, s3, s30, $0xb8;
	[tilespmem:$0x1D1A0] =	vst v63  }
0x101: {  	_ =	swait.ge [sflag:s20], $0x1400  }
0x102: {  	[sflag:s20] =	ssyncset.done $0x0  }
0x103: {  	[sflag:s20] =	ssyncadd.s32 $0xFFFFEC00;
	s20 =	simm.s32 $0xA  }
0x104: {  	_ =	swait.ge [sflag:s20], $0x1400  }
0x105: {  	[sflag:s20] =	ssyncset.done $0x0  }
0x106: {  	[sflag:s20] =	ssyncadd.s32 $0xFFFFEC00  }
0x107: {  	_ =	swait.ge [sflag:s10], $0x280  }
0x108: {  	[sflag:s10] =	ssyncset.done $0x0  }
0x109: {  	[sflag:s10] =	ssyncadd.s32 $0xFFFFFD80  }
0x10a: {  	_ =	swait.ge [sflag:s28], $0x28  }
0x10b: {  	[sflag:s28] =	ssyncset.done $0x0  }
0x10c: {  	s18 =	smin.u32 s23, $0x1E7;
	[sflag:s28] =	ssyncadd.s32 $0xFFFFFFD8  }
0x10d: {  	s14 =	smul.u32 $0x28, s18;
	_ =	swait.ge [sflag:s28], $0x28  }
0x10e: {  	[sflag:s28] =	ssyncset.done $0x0;
	s20 =	rddreg [dreg:$0x8]  }
0x10f: {  	[sflag:s28] =	ssyncadd.s32 $0xFFFFFFD8;
	s14 =	sadd.s32 s14, s20  }
0x110: {  	[tilespmem:s9], [sflag:$0x5] =	stream.indirect.gather [hbm4b:s29+s30], $0x80, s11, s30, $0xb8;
	[tilespmem:$0x1D1A0] =	vst v63  }
0x111: {  	s18 =	sadd.s32 s4, s14  }
0x112: {  	s14 =	sshrl.u32 s14, $0x3;
	s18 =	sshrl.u32 s18, $0x3  }
0x113: {  	s20 =	simm.s32 $0x16850;
	s14 =	sadd.s32 s13, s14;
	s18 =	sadd.s32 s13, s18  }
0x114: {  	[tilespmem:s20], [sflag:$0xB] =	stream.linear.gather [hbm4b:s18+s7], $0x28, $0x38;
	[tilespmem:$0x1D1A0] =	vst v63  }
0x115: {  	s14 =	sadd.s32 $0x13880, s14  }
0x116: {  	[tilespmem:s2], [sflag:$0xB] =	stream.linear.gather [hbm4b:s14+s7], $0x28, $0x38;
	[tilespmem:$0x1D1A0] =	vst v63  }
0x117: {  	s9 =	simm.s32 $0x16A58  }
0x118: {  	[spmem:s25] =	stream.indirect.scatter.add.f32 [tilespmem:s15], [sflag:$0x6], $0x80, s9, s30, $0xb8;
	[tilespmem:$0x1D1A0] =	vst v63  }
0x119: {  	_ = 	snop  }
0x11a: {  	[spmem:s5] =	stream.indirect.scatter.add.f32 [tilespmem:s8], [sflag:$0xC], $0x10, s9, s30, $0xb8;
	[tilespmem:$0x1D1A0] =	vst v63  }
0x11b: {  	_ =	swait.ge [sflag:s24], $0x1400  }
0x11c: {  	[sflag:s24] =	ssyncset.done $0x0  }
0x11d: {  	[sflag:s24] =	ssyncadd.s32 $0xFFFFEC00  }
0x11e: {  	_ =	swait.ge [sflag:s31], $0x1400  }
0x11f: {  	[sflag:s31] =	ssyncset.done $0x0  }
0x120: {  	[sflag:s31] =	ssyncadd.s32 $0xFFFFEC00  }
0x121: {  	_ =	swait.ge [sflag:s10], $0x280  }
0x122: {  	[sflag:s10] =	ssyncset.done $0x0  }
0x123: {  	[sflag:s10] =	ssyncadd.s32 $0xFFFFFD80  }
0x124: {  	_ =	swait.ge [sflag:s28], $0x28  }
0x125: {  	[sflag:s28] =	ssyncset.done $0x0  }
0x126: {  	s18 =	smin.u32 s23, $0x1E6;
	[sflag:s28] =	ssyncadd.s32 $0xFFFFFFD8  }
0x127: {  	s14 =	smul.u32 $0x28, s18;
	_ =	swait.ge [sflag:s28], $0x28  }
0x128: {  	[sflag:s28] =	ssyncset.done $0x0;
	s24 =	rddreg [dreg:$0x9]  }
0x129: {  	s11 =	simm.s32 $0x16800;
	[sflag:s28] =	ssyncadd.s32 $0xFFFFFFD8;
	s14 =	sadd.s32 s14, s24  }
0x12a: {  	[tilespmem:s15], [sflag:$0x1] =	stream.indirect.gather [hbm4b:s29+s30], $0x80, s11, s30, $0xb8;
	[tilespmem:$0x1D1A0] =	vst v63  }
0x12b: {  	s18 =	sadd.s32 s4, s14  }
0x12c: {  	s14 =	sshrl.u32 s14, $0x3;
	s18 =	sshrl.u32 s18, $0x3  }
0x12d: {  	s2 =	simm.s32 $0x16878;
	s14 =	sadd.s32 s13, s14;
	s18 =	sadd.s32 s13, s18  }
0x12e: {  	[tilespmem:s2], [sflag:$0xB] =	stream.linear.gather [hbm4b:s18+s7], $0x28, $0x38;
	[tilespmem:$0x1D1A0] =	vst v63  }
0x12f: {  	s14 =	sadd.s32 $0x13880, s14  }
0x130: {  	[tilespmem:s16], [sflag:$0xB] =	stream.linear.gather [hbm4b:s14+s7], $0x28, $0x38;
	[tilespmem:$0x1D1A0] =	vst v63  }
0x131: {  	s11 =	simm.s32 $0x16A80;
	s18 =	simm.s32 $0x17F20  }
0x132: {  	[spmem:s25] =	stream.indirect.scatter.add.f32 [tilespmem:s18], [sflag:$0x7], $0x80, s11, s30, $0xb8;
	[tilespmem:$0x1D1A0] =	vst v63  }
0x133: {  	_ = 	snop  }
0x134: {  	[spmem:s5] =	stream.indirect.scatter.add.f32 [tilespmem:s8], [sflag:$0xC], $0x10, s11, s30, $0xb8;
	[tilespmem:$0x1D1A0] =	vst v63  }
0x135: {  	_ =	swait.ge [sflag:s12], $0x1400  }
0x136: {  	[sflag:s12] =	ssyncset.done $0x0  }
0x137: {  	[sflag:s12] =	ssyncadd.s32 $0xFFFFEC00  }
0x138: {  	_ =	swait.ge [sflag:s19], $0x1400  }
0x139: {  	[sflag:s19] =	ssyncset.done $0x0  }
0x13a: {  	[sflag:s19] =	ssyncadd.s32 $0xFFFFEC00  }
0x13b: {  	_ =	swait.ge [sflag:s10], $0x280  }
0x13c: {  	[sflag:s10] =	ssyncset.done $0x0  }
0x13d: {  	[sflag:s10] =	ssyncadd.s32 $0xFFFFFD80  }
0x13e: {  	_ =	swait.ge [sflag:s28], $0x28  }
0x13f: {  	[sflag:s28] =	ssyncset.done $0x0  }
0x140: {  	s24 =	smin.u32 s23, $0x1E5;
	[sflag:s28] =	ssyncadd.s32 $0xFFFFFFD8  }
0x141: {  	s14 =	smul.u32 $0x28, s24;
	_ =	swait.ge [sflag:s28], $0x28  }
0x142: {  	[sflag:s28] =	ssyncset.done $0x0;
	s12 =	rddreg [dreg:$0xa]  }
0x143: {  	[sflag:s28] =	ssyncadd.s32 $0xFFFFFFD8;
	s14 =	sadd.s32 s14, s12  }
0x144: {  	[tilespmem:s18], [sflag:$0x2] =	stream.indirect.gather [hbm4b:s29+s30], $0x80, s17, s30, $0xb8;
	[tilespmem:$0x1D1A0] =	vst v63  }
0x145: {  	s18 =	sadd.s32 s4, s14  }
0x146: {  	s14 =	sshrl.u32 s14, $0x3;
	s18 =	sshrl.u32 s18, $0x3  }
0x147: {  	s15 =	simm.s32 $0x168A0;
	s14 =	sadd.s32 s13, s14;
	s18 =	sadd.s32 s13, s18  }
0x148: {  	[tilespmem:s15], [sflag:$0xB] =	stream.linear.gather [hbm4b:s18+s7], $0x28, $0x38;
	[tilespmem:$0x1D1A0] =	vst v63  }
0x149: {  	s14 =	sadd.s32 $0x13880, s14  }
0x14a: {  	[tilespmem:s3], [sflag:$0xB] =	stream.linear.gather [hbm4b:s14+s7], $0x28, $0x38;
	[tilespmem:$0x1D1A0] =	vst v63  }
0x14b: {  	s17 =	simm.s32 $0x16AA8;
	s18 =	simm.s32 $0x19320  }
0x14c: {  	[spmem:s25] =	stream.indirect.scatter.add.f32 [tilespmem:s18], [sflag:$0x8], $0x80, s17, s30, $0xb8;
	[tilespmem:$0x1D1A0] =	vst v63  }
0x14d: {  	_ = 	snop  }
0x14e: {  	[spmem:s5] =	stream.indirect.scatter.add.f32 [tilespmem:s8], [sflag:$0xC], $0x10, s17, s30, $0xb8;
	[tilespmem:$0x1D1A0] =	vst v63  }
0x14f: {  	_ =	swait.ge [sflag:s22], $0x1400  }
0x150: {  	[sflag:s22] =	ssyncset.done $0x0  }
0x151: {  	[sflag:s22] =	ssyncadd.s32 $0xFFFFEC00  }
0x152: {  	_ =	swait.ge [sflag:s21], $0x1400  }
0x153: {  	[sflag:s21] =	ssyncset.done $0x0  }
0x154: {  	[sflag:s21] =	ssyncadd.s32 $0xFFFFEC00  }
0x155: {  	_ =	swait.ge [sflag:s10], $0x280  }
0x156: {  	[sflag:s10] =	ssyncset.done $0x0  }
0x157: {  	[sflag:s10] =	ssyncadd.s32 $0xFFFFFD80  }
0x158: {  	_ =	swait.ge [sflag:s28], $0x28  }
0x159: {  	[sflag:s28] =	ssyncset.done $0x0  }
0x15a: {  	s24 =	smin.u32 s23, $0x1E4;
	[sflag:s28] =	ssyncadd.s32 $0xFFFFFFD8  }
0x15b: {  	s14 =	smul.u32 $0x28, s24;
	_ =	swait.ge [sflag:s28], $0x28  }
0x15c: {  	[sflag:s28] =	ssyncset.done $0x0;
	s3 =	rddreg [dreg:$0xb]  }
0x15d: {  	[sflag:s28] =	ssyncadd.s32 $0xFFFFFFD8;
	s14 =	sadd.s32 s14, s3  }
0x15e: {  	[tilespmem:s18], [sflag:$0x3] =	stream.indirect.gather [hbm4b:s29+s30], $0x80, s20, s30, $0xb8;
	[tilespmem:$0x1D1A0] =	vst v63  }
0x15f: {  	s18 =	sadd.s32 s4, s14  }
0x160: {  	s14 =	sshrl.u32 s14, $0x3;
	s18 =	sshrl.u32 s18, $0x3  }
0x161: {  	s12 =	simm.s32 $0x168C8;
	s14 =	sadd.s32 s13, s14;
	s18 =	sadd.s32 s13, s18  }
0x162: {  	[tilespmem:s12], [sflag:$0xB] =	stream.linear.gather [hbm4b:s18+s7], $0x28, $0x38;
	[tilespmem:$0x1D1A0] =	vst v63  }
0x163: {  	s14 =	sadd.s32 $0x13880, s14  }
0x164: {  	[tilespmem:s9], [sflag:$0xB] =	stream.linear.gather [hbm4b:s14+s7], $0x28, $0x38;
	[tilespmem:$0x1D1A0] =	vst v63  }
0x165: {  	s14 =	simm.s32 $0x16AD0  }
0x166: {  	[spmem:s25] =	stream.indirect.scatter.add.f32 [tilespmem:s6], [sflag:$0x9], $0x80, s14, s30, $0xb8;
	[tilespmem:$0x1D1A0] =	vst v63  }
0x167: {  	s9 =	simm.s32 $0x1CF20  }
0x168: {  	[spmem:s5] =	stream.indirect.scatter.add.f32 [tilespmem:s9], [sflag:$0xC], $0x10, s14, s30, $0xb8;
	[tilespmem:$0x1D1A0] =	vst v63  }
0x169: {  	_ =	swait.ge [sflag:s0], $0x1400  }
0x16a: {  	[sflag:s0] =	ssyncset.done $0x0  }
0x16b: {  	[sflag:s0] =	ssyncadd.s32 $0xFFFFEC00  }
0x16c: {  	_ =	swait.ge [sflag:s1], $0x1400  }
0x16d: {  	[sflag:s1] =	ssyncset.done $0x0  }
0x16e: {  	[sflag:s1] =	ssyncadd.s32 $0xFFFFEC00  }
0x16f: {  	_ =	swait.ge [sflag:s10], $0x280  }
0x170: {  	[sflag:s10] =	ssyncset.done $0x0  }
0x171: {  	[sflag:s10] =	ssyncadd.s32 $0xFFFFFD80  }
0x172: {  	_ =	swait.ge [sflag:s28], $0x28  }
0x173: {  	[sflag:s28] =	ssyncset.done $0x0  }
0x174: {  	s15 =	smin.u32 s23, $0x1E3;
	[sflag:s28] =	ssyncadd.s32 $0xFFFFFFD8  }
0x175: {  	s14 =	smul.u32 $0x28, s15;
	_ =	swait.ge [sflag:s28], $0x28  }
0x176: {  	[sflag:s28] =	ssyncset.done $0x0;
	s17 =	rddreg [dreg:$0xc]  }
0x177: {  	[sflag:s28] =	ssyncadd.s32 $0xFFFFFFD8;
	s14 =	sadd.s32 s14, s17  }
0x178: {  	[tilespmem:s6], [sflag:$0x4] =	stream.indirect.gather [hbm4b:s29+s30], $0x80, s2, s30, $0xb8;
	[tilespmem:$0x1D1A0] =	vst v63  }
0x179: {  	s26 =	sadd.s32 $0x32, s26;
	s18 =	sadd.s32 s4, s14  }
0x17a: {  	s20 =	simm.s32 $0x168F0;
	s14 =	sshrl.u32 s14, $0x3;
	s18 =	sshrl.u32 s18, $0x3  }
0x17b: {  	s6 =	simm.s32 $0x0;
	s14 =	sadd.s32 s13, s14;
	s18 =	sadd.s32 s13, s18  }
0x17c: {  	[tilespmem:s20], [sflag:$0xB] =	stream.linear.gather [hbm4b:s18+s6], $0x28, $0x38;
	[tilespmem:$0x1D1A0] =	vst v63  }
0x17d: {  	p1 =	sne.s32 s26, $0x9C4;
	s14 =	sadd.s32 $0x13880, s14  }
0x17e: {  	[tilespmem:s11], [sflag:$0xB] =	stream.linear.gather [hbm4b:s14+s6], $0x28, $0x38;
	[tilespmem:$0x1D1A0] =	vst v63  }
.Ltmp2:
0x17f: {  	_ = 	snop;
	(pc) =	sbr.rel @p1 .LBB2_2-.Ltmp2, $4  }
0x180: {  	s24 =	simm.s32 $0x1BB20;
	s21 =	simm.s32 $0x16AF8  }
0x181: {  	[spmem:s25] =	stream.indirect.scatter.add.f32 [tilespmem:s24], [sflag:$0xA], $0x80, s21, s30, $0xb8;
	[tilespmem:$0x1D1A0] =	vst v63  }
0x182: {  	s23 =	sadd.s32 $0xA, s23  }
0x183: {  	[spmem:s5] =	stream.indirect.scatter.add.f32 [tilespmem:s9], [sflag:$0xC], $0x10, s21, s30, $0xb8;
	[tilespmem:$0x1D1A0] =	vst v63  }
0x184: {  	s0 =	simm.s32 $0x1  }
0x185: {  	_ =	swait.ge [sflag:s0], $0x1400  }
0x186: {  	[sflag:s0] =	ssyncset.done $0x0  }
0x187: {  	s21 =	simm.s32 $0x2;
	[sflag:s0] =	ssyncadd.s32 $0xFFFFEC00  }
0x188: {  	_ =	swait.ge [sflag:s21], $0x1400  }
0x189: {  	[sflag:s21] =	ssyncset.done $0x0  }
0x18a: {  	s23 =	simm.s32 $0x3;
	[sflag:s21] =	ssyncadd.s32 $0xFFFFEC00  }
0x18b: {  	_ =	swait.ge [sflag:s23], $0x1400  }
0x18c: {  	[sflag:s23] =	ssyncset.done $0x0  }
0x18d: {  	s24 =	simm.s32 $0x4;
	[sflag:s23] =	ssyncadd.s32 $0xFFFFEC00  }
0x18e: {  	_ =	swait.ge [sflag:s24], $0x1400  }
0x18f: {  	[sflag:s24] =	ssyncset.done $0x0  }
0x190: {  	s26 =	simm.s32 $0xA;
	[sflag:s24] =	ssyncadd.s32 $0xFFFFEC00  }
0x191: {  	_ =	swait.ge [sflag:s26], $0x1400  }
0x192: {  	[sflag:s26] =	ssyncset.done $0x0  }
0x193: {  	[sflag:s26] =	ssyncadd.s32 $0xFFFFEC00  }
0x194: {  	_ =	swait.ge [sflag:s10], $0x280  }
0x195: {  	[sflag:s10] =	ssyncset.done $0x0  }
0x196: {  	[sflag:s10] =	ssyncadd.s32 $0xFFFFFD80  }
0x197: {  	_ =	swait.ge [sflag:s28], $0x28  }
0x198: {  	[sflag:s28] =	ssyncset.done $0x0  }
0x199: {  	[sflag:s28] =	ssyncadd.s32 $0xFFFFFFD8  }
0x19a: {  	_ =	swait.ge [sflag:s28], $0x28  }
0x19b: {  	[sflag:s28] =	ssyncset.done $0x0  }
0x19c: {  	[sflag:s28] =	ssyncadd.s32 $0xFFFFFFD8  }
0x19d: {  	_ =	swait.ge [sflag:s28], $0x28  }
0x19e: {  	[sflag:s28] =	ssyncset.done $0x0  }
0x19f: {  	[sflag:s28] =	ssyncadd.s32 $0xFFFFFFD8  }
0x1a0: {  	_ =	swait.ge [sflag:s28], $0x28  }
0x1a1: {  	[sflag:s28] =	ssyncset.done $0x0  }
0x1a2: {  	[sflag:s28] =	ssyncadd.s32 $0xFFFFFFD8  }
0x1a3: {  	_ =	swait.ge [sflag:s28], $0x28  }
0x1a4: {  	[sflag:s28] =	ssyncset.done $0x0  }
0x1a5: {  	[sflag:s28] =	ssyncadd.s32 $0xFFFFFFD8  }
.Ltmp3:
0x1a6: {  	_ =	swait.ge [sflag:s28], $0x28;
	(pc) =	sbr.rel @!p0 .LBB2_4-.Ltmp3, $4  }
0x1a7: {  	s15 =	simm.s32 $0x16850;
	[sflag:s28] =	ssyncset.done $0x0  }
0x1a8: {  	s2 =	simm.s32 $0x169E0;
	s11 =	simm.s32 $0x16878;
	[sflag:s28] =	ssyncadd.s32 $0xFFFFFFD8  }
0x1a9: {  	s1 =	simm.s32 $0xD;
	s21 =	simm.s32 $0x16B20;
	[bflag:$0x0] =	sbarrier.arrive $0xFFFF  }
0x1aa: {  	s23 =	simm.s32 $0x0;
	s24 =	simm.s32 $0x169B8;
	s0 =	sld [smem:$0x7F5]  }
.LBB2_7:
0x1ab: {  	s18 =	sld [smem:$0x7FA]  }
0x1ac: {  	s14 =	smul.u32 $0x28, s23;
	_ =	sdelay $0x1  }
0x1ad: {  	s26 =	sadd.s32 s18, s14  }
0x1ae: {  	s14 =	sshll.u32 s26, $0x7  }
0x1af: {  	s14 =	sand.u32 $0x3FFFFF80, s14  }
0x1b0: {  	s14 =	sadd.s32 s14, s25  }
0x1b1: {  	[tilespmem:s21], [sflag:$0xD] =	stream.linear.gather [spmem:s14], $0x1400, $0x38;
	[tilespmem:$0x1D1A0] =	vst v63  }
0x1b2: {  	s18 =	sshll.u32 s26, $0x4;
	_ =	swait.ge [sflag:s1], $0x1400  }
0x1b3: {  	s14 =	sand.u32 $0x3FFFFFF0, s18;
	[sflag:s1] =	ssyncset.done $0x0  }
0x1b4: {  	s14 =	sadd.s32 s14, s5;
	[sflag:s1] =	ssyncadd.s32 $0xFFFFEC00  }
0x1b5: {  	[tilespmem:s9], [sflag:$0xD] =	stream.linear.gather [spmem:s14], $0x280, $0x38;
	[tilespmem:$0x1D1A0] =	vst v63  }
0x1b6: {  	_ =	swait.ge [sflag:s1], $0x280  }
0x1b7: {  	[sflag:s1] =	ssyncset.done $0x0  }
0x1b8: {  	s20 =	simm.s32 $0x0;
	[sflag:s1] =	ssyncadd.s32 $0xFFFFFD80  }
0x1b9: {  	v0 =	vld [tilespmem:s20+$0x1CF20];
	_ =	sdelay $0x4  }
0x1ba: {  	v0 =	vmax.f32 v0, $1.000000000e+00  }
0x1bb: {  	(erf) = vrcp.f32 v0;
	_ =	sdelay $0x3  }
0x1bc: {  	s20 =	simm.s32 $0x16B60  }
0x1bd: {  	v58 =	vld [tilespmem:s20+$0xFFFFFFC0]  }
0x1be: {  	v1 =	vld [tilespmem:s20+$0xFFFFFFD0]  }
0x1bf: {  	v2 =	vld [tilespmem:s20+$0xFFFFFFE0]  }
0x1c0: {  	v3 =	vld [tilespmem:s20+$0xFFFFFFF0]  }
0x1c1: {  	v4 =	vld [tilespmem:s20+$0x0];
	v5 =	vpop (erf)  }
0x1c2: {  	v6 =	vld [tilespmem:s20+$0x10];
	v0 =	vmul.f32 v5, v58  }
0x1c3: {  	v7 =	vld [tilespmem:s20+$0x20];
	v1 =	vmul.f32 v1, v5  }
0x1c4: {  	v8 =	vld [tilespmem:s20+$0x30];
	v2 =	vmul.f32 v2, v5;
	[tilespmem:s20+$0xFFFFFFC0] =	vst v0  }
0x1c5: {  	v59 =	vmul.f32 v3, v5;
	[tilespmem:s20+$0xFFFFFFD0] =	vst v1  }
0x1c6: {  	v60 =	vmul.f32 v4, v5;
	[tilespmem:s20+$0xFFFFFFE0] =	vst v2  }
0x1c7: {  	v61 =	vmul.f32 v6, v5;
	[tilespmem:s20+$0xFFFFFFF0] =	vst v59  }
0x1c8: {  	v62 =	vmul.f32 v7, v5;
	[tilespmem:s20+$0x0] =	vst v60  }
0x1c9: {  	v63 =	vmul.f32 v8, v5;
	[tilespmem:s20+$0x10] =	vst v61  }
0x1ca: {  	[tilespmem:s20+$0x20] =	vst v62  }
0x1cb: {  	s18 =	simm.s32 $0x10;
	s14 =	simm.s32 $0x80;
	[tilespmem:s20+$0x30] =	vst v63  }
.LBB2_8:
0x1cc: {  	p1 =	sne.s32 s14, $0x9C0;
	v0 =	vld [tilespmem:s18+$0x1CF20];
	_ =	sdelay $0x4  }
0x1cd: {  	v0 =	vmax.f32 v0, $1.000000000e+00  }
0x1ce: {  	s20 =	sadd.s32 $0x80, s20;
	(erf) = vrcp.f32 v0  }
0x1cf: {  	v0 =	vld [tilespmem:s20+$0xFFFFFFF0]  }
0x1d0: {  	v1 =	vld [tilespmem:s20+$0x30]  }
0x1d1: {  	v2 =	vld [tilespmem:s20+$0x10]  }
0x1d2: {  	v3 =	vld [tilespmem:s20+$0xFFFFFFD0]  }
0x1d3: {  	v4 =	vld [tilespmem:s20+$0xFFFFFFC0]  }
0x1d4: {  	v5 =	vld [tilespmem:s20+$0xFFFFFFE0]  }
0x1d5: {  	v6 =	vld [tilespmem:s20+$0x0]  }
0x1d6: {  	v7 =	vld [tilespmem:s20+$0x20]  }
0x1d7: {  	v8 =	vpop (erf)  }
0x1d8: {  	v4 =	vmul.f32 v8, v4;
	v3 =	vmul.f32 v3, v8  }
0x1d9: {  	v0 =	vmul.f32 v0, v8;
	v5 =	vmul.f32 v5, v8  }
0x1da: {  	v2 =	vmul.f32 v2, v8;
	[tilespmem:s20+$0xFFFFFFC0] =	vst v4;
	v4 =	vmul.f32 v6, v8  }
0x1db: {  	v1 =	vmul.f32 v1, v8;
	[tilespmem:s20+$0xFFFFFFD0] =	vst v3;
	v3 =	vmul.f32 v7, v8  }
0x1dc: {  	[tilespmem:s20+$0xFFFFFFE0] =	vst v5  }
.Ltmp4:
0x1dd: {  	[tilespmem:s20+$0xFFFFFFF0] =	vst v0;
	(pc) =	sbr.rel @p1 .LBB2_8-.Ltmp4, $4  }
0x1de: {  	[tilespmem:s20+$0x0] =	vst v4  }
0x1df: {  	[tilespmem:s20+$0x10] =	vst v2  }
0x1e0: {  	[tilespmem:s20+$0x20] =	vst v3  }
0x1e1: {  	s18 =	sshra.s32 s14, $0x2;
	s14 =	sadd.s32 $0x40, s14;
	[tilespmem:s20+$0x30] =	vst v1  }
0x1e2: {  	v0 =	vld [tilespmem:s18+$0x1CF20];
	_ =	sdelay $0x4  }
0x1e3: {  	v0 =	vmax.f32 v0, $1.000000000e+00  }
0x1e4: {  	(erf) = vrcp.f32 v0;
	_ =	sdelay $0x3  }
0x1e5: {  	s14 =	sadd.s32 $0x80, s20  }
0x1e6: {  	v58 =	vld [tilespmem:s14+$0xFFFFFFC0]  }
0x1e7: {  	v1 =	vld [tilespmem:s14+$0xFFFFFFD0]  }
0x1e8: {  	v2 =	vld [tilespmem:s14+$0xFFFFFFE0]  }
0x1e9: {  	v3 =	vld [tilespmem:s14+$0xFFFFFFF0]  }
0x1ea: {  	v4 =	vld [tilespmem:s14+$0x0];
	v5 =	vpop (erf)  }
0x1eb: {  	v6 =	vld [tilespmem:s14+$0x10];
	v0 =	vmul.f32 v5, v58  }
0x1ec: {  	v7 =	vld [tilespmem:s14+$0x20];
	v1 =	vmul.f32 v1, v5  }
0x1ed: {  	v8 =	vld [tilespmem:s14+$0x30];
	v2 =	vmul.f32 v2, v5;
	[tilespmem:s14+$0xFFFFFFC0] =	vst v0  }
0x1ee: {  	v59 =	vmul.f32 v3, v5;
	[tilespmem:s14+$0xFFFFFFD0] =	vst v1  }
0x1ef: {  	s20 =	sld [smem:$0x7F6];
	v60 =	vmul.f32 v4, v5;
	[tilespmem:s14+$0xFFFFFFE0] =	vst v2  }
0x1f0: {  	v61 =	vmul.f32 v6, v5;
	[tilespmem:s14+$0xFFFFFFF0] =	vst v59  }
0x1f1: {  	v62 =	vmul.f32 v7, v5;
	[tilespmem:s14+$0x0] =	vst v60  }
0x1f2: {  	s18 =	sadd.s32 s20, s26;
	v63 =	vmul.f32 v8, v5;
	[tilespmem:s14+$0x10] =	vst v61  }
0x1f3: {  	s23 =	sadd.s32 $0x1, s23;
	s26 =	rddreg [dreg:$0x2];
	s18 =	sshll.u32 s18, $0x4;
	[tilespmem:s14+$0x20] =	vst v62  }
0x1f4: {  	p1 =	sne.s32 s23, $0xA;
	[tilespmem:s14+$0x30] =	vst v63;
	s14 =	sadd.s32 s26, s18  }
0x1f5: {  	[hbm4b:s14+s6] =	stream.linear.scatter [tilespmem:s21], [sflag:$0xD], $0x1400, $0x38;
	[tilespmem:$0x1D1A0] =	vst v63  }
.Ltmp5:
0x1f6: {  	_ = 	snop;
	(pc) =	sbr.rel @p1 .LBB2_7-.Ltmp5, $4  }
.Ltmp6:
0x1f7: {  	_ = 	snop;
	(pc) =	sbr.rel @!p1 .LBB2_10-.Ltmp6, $4  }
0x1f8: {  	_ =	swait.ge [sflag:s1], $0x1400  }
0x1f9: {  	[sflag:s1] =	ssyncset.done $0x0  }
0x1fa: {  	[sflag:s1] =	ssyncadd.s32 $0xFFFFEC00  }
0x1fb: {  	_ = 	snop  }
.LBB2_4:
0x1fc: {  	s18 =	sld [smem:$0x7FA]  }
0x1fd: {  	s14 =	smul.u32 $0x28, s23;
	_ =	sdelay $0x1  }
0x1fe: {  	s26 =	sadd.s32 s18, s14  }
0x1ff: {  	s14 =	sshll.u32 s26, $0x7  }
0x200: {  	s14 =	sand.u32 $0x3FFFFF80, s14  }
0x201: {  	s14 =	sadd.s32 s14, s25  }
0x202: {  	[tilespmem:s21], [sflag:$0xD] =	stream.linear.gather [spmem:s14], $0x1400, $0x38;
	[tilespmem:$0x1D1A0] =	vst v63  }
0x203: {  	s18 =	sshll.u32 s26, $0x4;
	_ =	swait.ge [sflag:s1], $0x1400  }
0x204: {  	s14 =	sand.u32 $0x3FFFFFF0, s18;
	[sflag:s1] =	ssyncset.done $0x0  }
0x205: {  	s14 =	sadd.s32 s14, s5;
	[sflag:s1] =	ssyncadd.s32 $0xFFFFEC00  }
0x206: {  	[tilespmem:s9], [sflag:$0xD] =	stream.linear.gather [spmem:s14], $0x280, $0x38;
	[tilespmem:$0x1D1A0] =	vst v63  }
0x207: {  	_ =	swait.ge [sflag:s1], $0x280  }
0x208: {  	[sflag:s1] =	ssyncset.done $0x0  }
0x209: {  	s20 =	simm.s32 $0x0;
	[sflag:s1] =	ssyncadd.s32 $0xFFFFFD80  }
0x20a: {  	v0 =	vld [tilespmem:s20+$0x1CF20];
	_ =	sdelay $0x4  }
0x20b: {  	v0 =	vmax.f32 v0, $1.000000000e+00  }
0x20c: {  	(erf) = vrcp.f32 v0;
	_ =	sdelay $0x3  }
0x20d: {  	s20 =	simm.s32 $0x16B60  }
0x20e: {  	v58 =	vld [tilespmem:s20+$0xFFFFFFC0]  }
0x20f: {  	v1 =	vld [tilespmem:s20+$0xFFFFFFD0]  }
0x210: {  	v2 =	vld [tilespmem:s20+$0xFFFFFFE0]  }
0x211: {  	v3 =	vld [tilespmem:s20+$0xFFFFFFF0]  }
0x212: {  	v4 =	vld [tilespmem:s20+$0x0];
	v5 =	vpop (erf)  }
0x213: {  	v6 =	vld [tilespmem:s20+$0x10];
	v0 =	vmul.f32 v5, v58  }
0x214: {  	v7 =	vld [tilespmem:s20+$0x20];
	v1 =	vmul.f32 v1, v5  }
0x215: {  	v8 =	vld [tilespmem:s20+$0x30];
	v2 =	vmul.f32 v2, v5;
	[tilespmem:s20+$0xFFFFFFC0] =	vst v0  }
0x216: {  	v59 =	vmul.f32 v3, v5;
	[tilespmem:s20+$0xFFFFFFD0] =	vst v1  }
0x217: {  	v60 =	vmul.f32 v4, v5;
	[tilespmem:s20+$0xFFFFFFE0] =	vst v2  }
0x218: {  	v61 =	vmul.f32 v6, v5;
	[tilespmem:s20+$0xFFFFFFF0] =	vst v59  }
0x219: {  	v62 =	vmul.f32 v7, v5;
	[tilespmem:s20+$0x0] =	vst v60  }
0x21a: {  	v63 =	vmul.f32 v8, v5;
	[tilespmem:s20+$0x10] =	vst v61  }
0x21b: {  	[tilespmem:s20+$0x20] =	vst v62  }
0x21c: {  	s18 =	simm.s32 $0x10;
	s14 =	simm.s32 $0x80;
	[tilespmem:s20+$0x30] =	vst v63  }
.LBB2_5:
0x21d: {  	p1 =	sne.s32 s14, $0x9C0;
	v0 =	vld [tilespmem:s18+$0x1CF20];
	_ =	sdelay $0x4  }
0x21e: {  	v0 =	vmax.f32 v0, $1.000000000e+00  }
0x21f: {  	s20 =	sadd.s32 $0x80, s20;
	(erf) = vrcp.f32 v0  }
0x220: {  	v0 =	vld [tilespmem:s20+$0xFFFFFFF0]  }
0x221: {  	v1 =	vld [tilespmem:s20+$0x30]  }
0x222: {  	v2 =	vld [tilespmem:s20+$0x10]  }
0x223: {  	v3 =	vld [tilespmem:s20+$0xFFFFFFD0]  }
0x224: {  	v4 =	vld [tilespmem:s20+$0xFFFFFFC0]  }
0x225: {  	v5 =	vld [tilespmem:s20+$0xFFFFFFE0]  }
0x226: {  	v6 =	vld [tilespmem:s20+$0x0]  }
0x227: {  	v7 =	vld [tilespmem:s20+$0x20]  }
0x228: {  	v8 =	vpop (erf)  }
0x229: {  	v4 =	vmul.f32 v8, v4;
	v3 =	vmul.f32 v3, v8  }
0x22a: {  	v0 =	vmul.f32 v0, v8;
	v5 =	vmul.f32 v5, v8  }
0x22b: {  	v2 =	vmul.f32 v2, v8;
	[tilespmem:s20+$0xFFFFFFC0] =	vst v4;
	v4 =	vmul.f32 v6, v8  }
0x22c: {  	v1 =	vmul.f32 v1, v8;
	[tilespmem:s20+$0xFFFFFFD0] =	vst v3;
	v3 =	vmul.f32 v7, v8  }
0x22d: {  	[tilespmem:s20+$0xFFFFFFE0] =	vst v5  }
.Ltmp7:
0x22e: {  	[tilespmem:s20+$0xFFFFFFF0] =	vst v0;
	(pc) =	sbr.rel @p1 .LBB2_5-.Ltmp7, $4  }
0x22f: {  	[tilespmem:s20+$0x0] =	vst v4  }
0x230: {  	[tilespmem:s20+$0x10] =	vst v2  }
0x231: {  	[tilespmem:s20+$0x20] =	vst v3  }
0x232: {  	s18 =	sshra.s32 s14, $0x2;
	s14 =	sadd.s32 $0x40, s14;
	[tilespmem:s20+$0x30] =	vst v1  }
0x233: {  	v0 =	vld [tilespmem:s18+$0x1CF20];
	_ =	sdelay $0x4  }
0x234: {  	v0 =	vmax.f32 v0, $1.000000000e+00  }
0x235: {  	(erf) = vrcp.f32 v0;
	_ =	sdelay $0x3  }
0x236: {  	s14 =	sadd.s32 $0x80, s20  }
0x237: {  	v58 =	vld [tilespmem:s14+$0xFFFFFFC0]  }
0x238: {  	v1 =	vld [tilespmem:s14+$0xFFFFFFD0]  }
0x239: {  	v2 =	vld [tilespmem:s14+$0xFFFFFFE0]  }
0x23a: {  	v3 =	vld [tilespmem:s14+$0xFFFFFFF0]  }
0x23b: {  	v4 =	vld [tilespmem:s14+$0x0];
	v5 =	vpop (erf)  }
0x23c: {  	v6 =	vld [tilespmem:s14+$0x10];
	v0 =	vmul.f32 v5, v58  }
0x23d: {  	v7 =	vld [tilespmem:s14+$0x20];
	v1 =	vmul.f32 v1, v5  }
0x23e: {  	v8 =	vld [tilespmem:s14+$0x30];
	v2 =	vmul.f32 v2, v5;
	[tilespmem:s14+$0xFFFFFFC0] =	vst v0  }
0x23f: {  	v59 =	vmul.f32 v3, v5;
	[tilespmem:s14+$0xFFFFFFD0] =	vst v1  }
0x240: {  	s20 =	sld [smem:$0x7F6];
	v60 =	vmul.f32 v4, v5;
	[tilespmem:s14+$0xFFFFFFE0] =	vst v2  }
0x241: {  	v61 =	vmul.f32 v6, v5;
	[tilespmem:s14+$0xFFFFFFF0] =	vst v59  }
0x242: {  	v62 =	vmul.f32 v7, v5;
	[tilespmem:s14+$0x0] =	vst v60  }
0x243: {  	s18 =	sadd.s32 s20, s26;
	v63 =	vmul.f32 v8, v5;
	[tilespmem:s14+$0x10] =	vst v61  }
0x244: {  	s23 =	sadd.s32 $0x1, s23;
	s26 =	rddreg [dreg:$0x2];
	s18 =	sshll.u32 s18, $0x4;
	[tilespmem:s14+$0x20] =	vst v62  }
0x245: {  	p1 =	seq.s32 s23, $0x10;
	[tilespmem:s14+$0x30] =	vst v63;
	s14 =	sadd.s32 s26, s18  }
0x246: {  	[hbm4b:s14+s6] =	stream.linear.scatter [tilespmem:s21], [sflag:$0xD], $0x1400, $0x38;
	[tilespmem:$0x1D1A0] =	vst v63  }
.Ltmp8:
0x247: {  	_ = 	snop;
	(pc) =	sbr.rel @!p1 .LBB2_4-.Ltmp8, $4  }
.Ltmp9:
0x248: {  	_ = 	snop;
	(pc) =	sbr.rel @p1 .LBB2_10-.Ltmp9, $4  }
0x249: {  	_ =	swait.ge [sflag:s1], $0x1400  }
0x24a: {  	[sflag:s1] =	ssyncset.done $0x0  }
0x24b: {  	[sflag:s1] =	ssyncadd.s32 $0xFFFFEC00  }
0x24c: {  	_ = 	snop  }
.LBB2_11:
0x24d: {  	_ =	sfence.sel $0x180000  }
0x24e: {  	[bflag:$0x0] =	sbarrier.arrive $0xFFFF  }
0x24f: {  	_ =	strace $0x90000047  }
0x250: {  	s0 =	stileid.u32;
	[bflag:$0x2] =	sbarrier.arrive $0xFFFF  }
0x251: {  	p0 =	sne.s32 s0, $0x0;
	s0 =	rddreg [dreg:$0x5]  }
0x252: {  	s0 =	sadd.s32 @!p0 $0x100000, s0  }
0x253: {  	[sflag:s0] =	ssyncadd.tile.s32 @!p0 $0x1;
	_ =	shalt  }
.Lfunc_end2:
_tile_overlayer_lowered:
.L_overlay_start_2:
0x254: {  	(tag) =	ssettag $0x2  }
0x255: {  	s0 =	rddreg [dreg:$0x0];
	s2 =	stileid.u32  }
0x256: {  	s1 =	rddreg [dreg:$0x1];
	p0 =	sne.s32 s2, $0x0  }
0x257: {  	s3 =	rddreg [dreg:$0x2];
	[bflag:$0x3] =	sbarrier.arrive $0xFFFF;
	s2 =	simm.s32 @!p0 $0x1C0D  }
0x258: {  	[timem:s3], [sflag:s2] =	dma.local @!p0 [hbm:s0], s1  }
0x259: {  	s0 =	simm.s32 @!p0 $0xD  }
0x25a: {  	_ =	swait.ge @!p0 [sflag:s0], s1  }
0x25b: {  	s1 =	ssub.s32 @!p0 $0x0, s1;
	[sflag:s0] =	ssyncset.done @!p0 $0x0  }
0x25c: {  	[sflag:s0] =	ssyncadd.s32 @!p0 s1  }
0x25d: {  	[bflag:$0x3] =	sbarrier.arrive $0xFFFF  }
0x25e: {  	_ =	shalt  }

</sc_bundles>
